<compile_context>
chip_gen: v7x
topology: tpu7x:2x2x1
jax: 0.10.2.dev20260603
libtpu: 0.0.44.dev20260713+nightly
codegen_flags: <defaults>
</compile_context>

<pallas_src>
import functools

import jax
import jax.numpy as jnp
import numpy as np
from jax import lax
from jax.experimental import pallas as pl
from jax.experimental.pallas import tpu as pltpu
from jax.experimental.pallas import tpu_sc as plsc

ALPHA_R = 0.65 * 0.1

B = 128
L = 8192
NLANE = 16
NCHUNK = L // NLANE
NW = 32
ROWS_PER_W = B // NW
NT = L // 128


def _make_sc_kernel():
    mesh = plsc.VectorSubcoreMesh(core_axis_name="c", subcore_axis_name="s")

    @functools.partial(
        pl.kernel,
        mesh=mesh,
        compiler_params=pltpu.CompilerParams(
            needs_layout_passes=False, use_tc_tiling_on_sc=True
        ),
        out_type=jax.ShapeDtypeStruct((NW, 128), jnp.float32),
        scratch_types=[
            pltpu.VMEM((ROWS_PER_W * 2 * NT, 128), jnp.float32),
            pltpu.VMEM((ROWS_PER_W * NT, 128), jnp.int32),
            pltpu.VMEM((L // 128, 128), jnp.float32),
            pltpu.VMEM((1, 128), jnp.float32),
            pltpu.SemaphoreType.DMA,
        ],
    )
    def sc_body(out_hbm, lab_hbm, nci_hbm, res_hbm, obuf, lbuf, nbuf, rbuf, sem):
        wid = lax.axis_index("s") * 2 + lax.axis_index("c")
        cp_o = pltpu.make_async_copy(
            out_hbm.at[pl.ds(wid * (ROWS_PER_W * 2 * NT), ROWS_PER_W * 2 * NT)],
            obuf,
            sem,
        )
        cp_o.start()
        bt = wid >> 1
        s0 = (wid & 1) * ROWS_PER_W
        copies = []
        for t in range(NT):
            cp = pltpu.make_async_copy(
                lab_hbm.at[pl.ds(bt * (8 * NT) + t * 8 + s0, ROWS_PER_W)],
                lbuf.at[pl.ds(t * ROWS_PER_W, ROWS_PER_W)],
                sem,
            )
            cp.start()
            copies.append(cp)
        cp_n = pltpu.make_async_copy(nci_hbm, nbuf, sem)
        cp_n.start()
        cp_o.wait()

        lanes = lax.iota(jnp.int32, NLANE)
        zerov = jnp.zeros((NLANE,), jnp.float32)

        cuts = []
        for rr in range(ROWS_PER_W):
            orow0 = rr * (2 * NT)

            def find_cond(state):
                k, last = state
                return jnp.logical_and(last < 0, k >= 0)

            def find_body(state):
                k, _ = state
                tr = orow0 + (k >> 3) * 2
                cs = (k & 7) * NLANE
                c0 = obuf[tr, pl.ds(cs, NLANE)]
                c1 = obuf[tr + 1, pl.ds(cs, NLANE)]
                jv = k * NLANE + lanes
                last = jnp.max(jnp.where(c0 >= c1, jv, -1))
                return k - 1, last

            _, last_zero = lax.while_loop(
                find_cond, find_body, (jnp.int32(NCHUNK - 1), jnp.int32(-1))
            )
            cuts.append(jnp.where(last_zero < 0, L, last_zero))

        for cp in copies:
            cp.wait()
        cp_n.wait()

        def sum_body(k, vas):
            th = k >> 3
            cs = (k & 7) * NLANE
            ncv = nbuf[th, pl.ds(cs, NLANE)]
            jv = k * NLANE + lanes
            out = []
            for rr in range(ROWS_PER_W):
                c1 = obuf[rr * (2 * NT) + th * 2 + 1, pl.ds(cs, NLANE)]
                lab = lbuf[th * ROWS_PER_W + rr, pl.ds(cs, NLANE)]
                v = c1 * jnp.where(lab == 1, ncv, ALPHA_R)
                out.append(vas[rr] + jnp.where(jv < cuts[rr], v, 0.0))
            return tuple(out)

        vas = lax.fori_loop(
            0, NCHUNK, sum_body, (zerov,) * ROWS_PER_W, unroll=2
        )
        acc = jnp.float32(0.0)
        for rr in range(ROWS_PER_W):
            acc = acc + jnp.sum(vas[rr])

        for p in range(8):
            rbuf[0, pl.ds(p * NLANE, NLANE)] = jnp.where(
                lanes == 0, jnp.where(p == 0, acc * (1.0 / B), 0.0), 0.0
            )
        pltpu.sync_copy(rbuf, res_hbm.at[pl.ds(wid, 1)])

    return sc_body


_sc_kernel = _make_sc_kernel()


@jax.jit
def kernel(output, labels):
    out_v = output.reshape(B, NT, 128, 2).transpose(0, 1, 3, 2).reshape(B * 2 * NT, 128)
    lab_v = labels.reshape(B // 8, 8, NT, 128).transpose(0, 2, 1, 3).reshape(B * NT, 128)
    j = np.arange(L, dtype=np.float32)
    nci = jnp.asarray((-3.6 / np.log2(j + 2.0)).reshape(L // 128, 128))
    partials = _sc_kernel(out_v, lab_v, nci)
    return jnp.sum(partials)

# --- scband reference (transcript-rebuilt; emitter-appended) ---
"""Pipeline reference for scband-bi-cut-loss-52312701665760 (READ-ONLY COPY).

The authoritative reference and input builder live on the scoring server;
editing this copy changes nothing except your own understanding.
"""

import jax, jax.numpy as jnp
import numpy as np

ALPHA = 0.65

def setup_inputs(seed: int = 0) -> dict:
    key = jax.random.key(seed)
    k1, k2 = jax.random.split(key)
    output = jax.random.normal(k1, (128, 8192, 2), dtype=jnp.float32)
    labels = jax.random.randint(k2, (128, 8192), 0, 2, dtype=jnp.int32)
    return {"output": output, "labels": labels}


def reference(output, labels):
    B, L, _ = output.shape
    # slice_index per row: argmax over channel dim -> 0/1 decisions
    temp = jnp.argmax(output, axis=2)  # [B, L]
    all_ones = jnp.all(temp == 1, axis=1)  # [B]
    # index of the LAST zero in each row: L-1 - argmin(flip(temp))
    flipped = jnp.flip(temp, axis=1)
    last_zero = (L - 1) - jnp.argmin(flipped, axis=1)  # [B]
    slice_idx = jnp.where(all_ones, L, last_zero)  # [B]
    # mask: rows j >= slice_idx zeroed (both channels)
    pos = jnp.arange(L)
    mask2d = (pos[None, :] < slice_idx[:, None]).astype(output.dtype)  # [B, L]
    mask = mask2d[:, :, None]  # broadcast over channel dim of size 2
    # reward tensor r (metric == 'nci' branch):
    #   label==1 -> [0, -3.6/log2(j+2)] ; else -> [0, alpha*0.1]
    j = jnp.arange(L, dtype=jnp.float32)
    nci_val = -3.6 / (jnp.log2(j + 2.0))  # [L]
    r1 = jnp.where(labels == 1, nci_val[None, :], ALPHA * 0.1)  # [B, L]
    r0 = jnp.zeros_like(r1)
    r = jnp.stack([r0, r1], axis=-1)  # [B, L, 2]
    mask_output = output * mask
    loss_matrix = mask_output * r
    return jnp.sum(loss_matrix) / B

if __name__ == "__main__":
    import jax
    _d = setup_inputs()
    print(jax.jit(kernel)(*tuple(_d.values())))

</pallas_src>

<mosaic_0001>
#map = affine_map<(d0, d1) -> (0, 0)>
module attributes {stable_mosaic.version = 14 : i64} {
  func.func @sc_body(%arg0: i32, %arg1: i32, %arg2: memref<16384x128xf32, #tpu.memory_space<hbm>>, %arg3: memref<8192x128xi32, #tpu.memory_space<hbm>>, %arg4: memref<64x128xf32, #tpu.memory_space<hbm>>, %arg5: memref<32x128xf32, #tpu.memory_space<hbm>>, %arg6: memref<512x128xf32, #tpu.memory_space<vmem>>, %arg7: memref<256x128xi32, #tpu.memory_space<vmem>>, %arg8: memref<64x128xf32, #tpu.memory_space<vmem>>, %arg9: memref<1x128xf32, #tpu.memory_space<vmem>>, %arg10: memref<!tpu.dma_semaphore, #tpu.memory_space<semaphore_mem>>) attributes {dimension_semantics = [#tpu.dimension_semantics<core_parallel>, #tpu.dimension_semantics<subcore_parallel>], iteration_bounds = array<i64: 2, 16>, scalar_prefetch = 0 : i64, scratch_operands = 5 : i64, tpu.core_type = #tpu.core_type<sc_vector_subcore>, window_params = [{transform_indices = #map}, {transform_indices = #map}, {transform_indices = #map}, {transform_indices = #map}]} {
    %mul3A = arith.constant 2 : i32
    %mul3A_0 = arith.muli %arg1, %mul3A : i32
    %add3A = arith.addi %mul3A_0, %arg0 : i32
    %mul3A_1 = arith.constant 512 : i32
    %mul3A_2 = arith.muli %add3A, %mul3A_1 : i32
    %dma_start3A = arith.constant 0 : i32
    %dma_start3A_3 = tpu.memref_slice %arg2[%mul3A_2, %dma_start3A] : memref<16384x128xf32, #tpu.memory_space<hbm>> -> memref<512x128xf32, #tpu.memory_space<hbm>>
    %dma_start3A_4 = arith.constant 0 : i32
    %dma_start3A_5 = tpu.memref_slice %arg2[%mul3A_2, %dma_start3A_4] : memref<16384x128xf32, #tpu.memory_space<hbm>> -> memref<512x128xf32, #tpu.memory_space<hbm>>
    tpu.enqueue_dma source(%dma_start3A_5 : memref<512x128xf32, #tpu.memory_space<hbm>>) target(%arg6 : memref<512x128xf32, #tpu.memory_space<vmem>>) target_semaphore(%arg10 : memref<!tpu.dma_semaphore, #tpu.memory_space<semaphore_mem>>)
    %shift_right_arithmetic3A = arith.constant 1 : i32
    %shift_right_arithmetic3A_6 = arith.shrsi %add3A, %shift_right_arithmetic3A : i32
    %and3A = arith.constant 1 : i32
    %and3A_7 = arith.andi %add3A, %and3A : i32
    %mul3A_8 = arith.constant 4 : i32
    %mul3A_9 = arith.muli %and3A_7, %mul3A_8 : i32
    %mul3A_10 = arith.constant 512 : i32
    %mul3A_11 = arith.muli %shift_right_arithmetic3A_6, %mul3A_10 : i32
    %add3A_12 = arith.constant 0 : i32
    %add3A_13 = arith.addi %mul3A_11, %add3A_12 : i32
    %add3A_14 = arith.addi %add3A_13, %mul3A_9 : i32
    %dma_start3A_15 = arith.constant 0 : i32
    %dma_start3A_16 = arith.constant 0 : i32
    %dma_start3A_17 = tpu.memref_slice %arg7[%dma_start3A_15, %dma_start3A_16] : memref<256x128xi32, #tpu.memory_space<vmem>> -> memref<4x128xi32, #tpu.memory_space<vmem>>
    %dma_start3A_18 = arith.constant 0 : i32
    %dma_start3A_19 = tpu.memref_slice %arg3[%add3A_14, %dma_start3A_18] : memref<8192x128xi32, #tpu.memory_space<hbm>> -> memref<4x128xi32, #tpu.memory_space<hbm>>
    %dma_start3A_20 = arith.constant 0 : i32
    %dma_start3A_21 = arith.constant 0 : i32
    %dma_start3A_22 = tpu.memref_slice %arg7[%dma_start3A_20, %dma_start3A_21] : memref<256x128xi32, #tpu.memory_space<vmem>> -> memref<4x128xi32, #tpu.memory_space<vmem>>
    %dma_start3A_23 = arith.constant 0 : i32
    %dma_start3A_24 = tpu.memref_slice %arg3[%add3A_14, %dma_start3A_23] : memref<8192x128xi32, #tpu.memory_space<hbm>> -> memref<4x128xi32, #tpu.memory_space<hbm>>
    tpu.enqueue_dma source(%dma_start3A_24 : memref<4x128xi32, #tpu.memory_space<hbm>>) target(%dma_start3A_22 : memref<4x128xi32, #tpu.memory_space<vmem>>) target_semaphore(%arg10 : memref<!tpu.dma_semaphore, #tpu.memory_space<semaphore_mem>>)
    %mul3A_25 = arith.constant 512 : i32
    %mul3A_26 = arith.muli %shift_right_arithmetic3A_6, %mul3A_25 : i32
    %add3A_27 = arith.constant 8 : i32
    %add3A_28 = arith.addi %mul3A_26, %add3A_27 : i32
    %add3A_29 = arith.addi %add3A_28, %mul3A_9 : i32
    %dma_start3A_30 = arith.constant 4 : i32
    %dma_start3A_31 = arith.constant 0 : i32
    %dma_start3A_32 = tpu.memref_slice %arg7[%dma_start3A_30, %dma_start3A_31] : memref<256x128xi32, #tpu.memory_space<vmem>> -> memref<4x128xi32, #tpu.memory_space<vmem>>
    %dma_start3A_33 = arith.constant 0 : i32
    %dma_start3A_34 = tpu.memref_slice %arg3[%add3A_29, %dma_start3A_33] : memref<8192x128xi32, #tpu.memory_space<hbm>> -> memref<4x128xi32, #tpu.memory_space<hbm>>
    %dma_start3A_35 = arith.constant 4 : i32
    %dma_start3A_36 = arith.constant 0 : i32
    %dma_start3A_37 = tpu.memref_slice %arg7[%dma_start3A_35, %dma_start3A_36] : memref<256x128xi32, #tpu.memory_space<vmem>> -> memref<4x128xi32, #tpu.memory_space<vmem>>
    %dma_start3A_38 = arith.constant 0 : i32
    %dma_start3A_39 = tpu.memref_slice %arg3[%add3A_29, %dma_start3A_38] : memref<8192x128xi32, #tpu.memory_space<hbm>> -> memref<4x128xi32, #tpu.memory_space<hbm>>
    tpu.enqueue_dma source(%dma_start3A_39 : memref<4x128xi32, #tpu.memory_space<hbm>>) target(%dma_start3A_37 : memref<4x128xi32, #tpu.memory_space<vmem>>) target_semaphore(%arg10 : memref<!tpu.dma_semaphore, #tpu.memory_space<semaphore_mem>>)
    %mul3A_40 = arith.constant 512 : i32
    %mul3A_41 = arith.muli %shift_right_arithmetic3A_6, %mul3A_40 : i32
    %add3A_42 = arith.constant 16 : i32
    %add3A_43 = arith.addi %mul3A_41, %add3A_42 : i32
    %add3A_44 = arith.addi %add3A_43, %mul3A_9 : i32
    %dma_start3A_45 = arith.constant 8 : i32
    %dma_start3A_46 = arith.constant 0 : i32
    %dma_start3A_47 = tpu.memref_slice %arg7[%dma_start3A_45, %dma_start3A_46] : memref<256x128xi32, #tpu.memory_space<vmem>> -> memref<4x128xi32, #tpu.memory_space<vmem>>
    %dma_start3A_48 = arith.constant 0 : i32
    %dma_start3A_49 = tpu.memref_slice %arg3[%add3A_44, %dma_start3A_48] : memref<8192x128xi32, #tpu.memory_space<hbm>> -> memref<4x128xi32, #tpu.memory_space<hbm>>
    %dma_start3A_50 = arith.constant 8 : i32
    %dma_start3A_51 = arith.constant 0 : i32
    %dma_start3A_52 = tpu.memref_slice %arg7[%dma_start3A_50, %dma_start3A_51] : memref<256x128xi32, #tpu.memory_space<vmem>> -> memref<4x128xi32, #tpu.memory_space<vmem>>
    %dma_start3A_53 = arith.constant 0 : i32
    %dma_start3A_54 = tpu.memref_slice %arg3[%add3A_44, %dma_start3A_53] : memref<8192x128xi32, #tpu.memory_space<hbm>> -> memref<4x128xi32, #tpu.memory_space<hbm>>
    tpu.enqueue_dma source(%dma_start3A_54 : memref<4x128xi32, #tpu.memory_space<hbm>>) target(%dma_start3A_52 : memref<4x128xi32, #tpu.memory_space<vmem>>) target_semaphore(%arg10 : memref<!tpu.dma_semaphore, #tpu.memory_space<semaphore_mem>>)
    %mul3A_55 = arith.constant 512 : i32
    %mul3A_56 = arith.muli %shift_right_arithmetic3A_6, %mul3A_55 : i32
    %add3A_57 = arith.constant 24 : i32
    %add3A_58 = arith.addi %mul3A_56, %add3A_57 : i32
    %add3A_59 = arith.addi %add3A_58, %mul3A_9 : i32
    %dma_start3A_60 = arith.constant 12 : i32
    %dma_start3A_61 = arith.constant 0 : i32
    %dma_start3A_62 = tpu.memref_slice %arg7[%dma_start3A_60, %dma_start3A_61] : memref<256x128xi32, #tpu.memory_space<vmem>> -> memref<4x128xi32, #tpu.memory_space<vmem>>
    %dma_start3A_63 = arith.constant 0 : i32
    %dma_start3A_64 = tpu.memref_slice %arg3[%add3A_59, %dma_start3A_63] : memref<8192x128xi32, #tpu.memory_space<hbm>> -> memref<4x128xi32, #tpu.memory_space<hbm>>
    %dma_start3A_65 = arith.constant 12 : i32
    %dma_start3A_66 = arith.constant 0 : i32
    %dma_start3A_67 = tpu.memref_slice %arg7[%dma_start3A_65, %dma_start3A_66] : memref<256x128xi32, #tpu.memory_space<vmem>> -> memref<4x128xi32, #tpu.memory_space<vmem>>
    %dma_start3A_68 = arith.constant 0 : i32
    %dma_start3A_69 = tpu.memref_slice %arg3[%add3A_59, %dma_start3A_68] : memref<8192x128xi32, #tpu.memory_space<hbm>> -> memref<4x128xi32, #tpu.memory_space<hbm>>
    tpu.enqueue_dma source(%dma_start3A_69 : memref<4x128xi32, #tpu.memory_space<hbm>>) target(%dma_start3A_67 : memref<4x128xi32, #tpu.memory_space<vmem>>) target_semaphore(%arg10 : memref<!tpu.dma_semaphore, #tpu.memory_space<semaphore_mem>>)
    %mul3A_70 = arith.constant 512 : i32
    %mul3A_71 = arith.muli %shift_right_arithmetic3A_6, %mul3A_70 : i32
    %add3A_72 = arith.constant 32 : i32
    %add3A_73 = arith.addi %mul3A_71, %add3A_72 : i32
    %add3A_74 = arith.addi %add3A_73, %mul3A_9 : i32
    %dma_start3A_75 = arith.constant 16 : i32
    %dma_start3A_76 = arith.constant 0 : i32
    %dma_start3A_77 = tpu.memref_slice %arg7[%dma_start3A_75, %dma_start3A_76] : memref<256x128xi32, #tpu.memory_space<vmem>> -> memref<4x128xi32, #tpu.memory_space<vmem>>
    %dma_start3A_78 = arith.constant 0 : i32
    %dma_start3A_79 = tpu.memref_slice %arg3[%add3A_74, %dma_start3A_78] : memref<8192x128xi32, #tpu.memory_space<hbm>> -> memref<4x128xi32, #tpu.memory_space<hbm>>
    %dma_start3A_80 = arith.constant 16 : i32
    %dma_start3A_81 = arith.constant 0 : i32
    %dma_start3A_82 = tpu.memref_slice %arg7[%dma_start3A_80, %dma_start3A_81] : memref<256x128xi32, #tpu.memory_space<vmem>> -> memref<4x128xi32, #tpu.memory_space<vmem>>
    %dma_start3A_83 = arith.constant 0 : i32
    %dma_start3A_84 = tpu.memref_slice %arg3[%add3A_74, %dma_start3A_83] : memref<8192x128xi32, #tpu.memory_space<hbm>> -> memref<4x128xi32, #tpu.memory_space<hbm>>
    tpu.enqueue_dma source(%dma_start3A_84 : memref<4x128xi32, #tpu.memory_space<hbm>>) target(%dma_start3A_82 : memref<4x128xi32, #tpu.memory_space<vmem>>) target_semaphore(%arg10 : memref<!tpu.dma_semaphore, #tpu.memory_space<semaphore_mem>>)
    %mul3A_85 = arith.constant 512 : i32
    %mul3A_86 = arith.muli %shift_right_arithmetic3A_6, %mul3A_85 : i32
    %add3A_87 = arith.constant 40 : i32
    %add3A_88 = arith.addi %mul3A_86, %add3A_87 : i32
    %add3A_89 = arith.addi %add3A_88, %mul3A_9 : i32
    %dma_start3A_90 = arith.constant 20 : i32
    %dma_start3A_91 = arith.constant 0 : i32
    %dma_start3A_92 = tpu.memref_slice %arg7[%dma_start3A_90, %dma_start3A_91] : memref<256x128xi32, #tpu.memory_space<vmem>> -> memref<4x128xi32, #tpu.memory_space<vmem>>
    %dma_start3A_93 = arith.constant 0 : i32
    %dma_start3A_94 = tpu.memref_slice %arg3[%add3A_89, %dma_start3A_93] : memref<8192x128xi32, #tpu.memory_space<hbm>> -> memref<4x128xi32, #tpu.memory_space<hbm>>
    %dma_start3A_95 = arith.constant 20 : i32
    %dma_start3A_96 = arith.constant 0 : i32
    %dma_start3A_97 = tpu.memref_slice %arg7[%dma_start3A_95, %dma_start3A_96] : memref<256x128xi32, #tpu.memory_space<vmem>> -> memref<4x128xi32, #tpu.memory_space<vmem>>
    %dma_start3A_98 = arith.constant 0 : i32
    %dma_start3A_99 = tpu.memref_slice %arg3[%add3A_89, %dma_start3A_98] : memref<8192x128xi32, #tpu.memory_space<hbm>> -> memref<4x128xi32, #tpu.memory_space<hbm>>
    tpu.enqueue_dma source(%dma_start3A_99 : memref<4x128xi32, #tpu.memory_space<hbm>>) target(%dma_start3A_97 : memref<4x128xi32, #tpu.memory_space<vmem>>) target_semaphore(%arg10 : memref<!tpu.dma_semaphore, #tpu.memory_space<semaphore_mem>>)
    %mul3A_100 = arith.constant 512 : i32
    %mul3A_101 = arith.muli %shift_right_arithmetic3A_6, %mul3A_100 : i32
    %add3A_102 = arith.constant 48 : i32
    %add3A_103 = arith.addi %mul3A_101, %add3A_102 : i32
    %add3A_104 = arith.addi %add3A_103, %mul3A_9 : i32
    %dma_start3A_105 = arith.constant 24 : i32
    %dma_start3A_106 = arith.constant 0 : i32
    %dma_start3A_107 = tpu.memref_slice %arg7[%dma_start3A_105, %dma_start3A_106] : memref<256x128xi32, #tpu.memory_space<vmem>> -> memref<4x128xi32, #tpu.memory_space<vmem>>
    %dma_start3A_108 = arith.constant 0 : i32
    %dma_start3A_109 = tpu.memref_slice %arg3[%add3A_104, %dma_start3A_108] : memref<8192x128xi32, #tpu.memory_space<hbm>> -> memref<4x128xi32, #tpu.memory_space<hbm>>
    %dma_start3A_110 = arith.constant 24 : i32
    %dma_start3A_111 = arith.constant 0 : i32
    %dma_start3A_112 = tpu.memref_slice %arg7[%dma_start3A_110, %dma_start3A_111] : memref<256x128xi32, #tpu.memory_space<vmem>> -> memref<4x128xi32, #tpu.memory_space<vmem>>
    %dma_start3A_113 = arith.constant 0 : i32
    %dma_start3A_114 = tpu.memref_slice %arg3[%add3A_104, %dma_start3A_113] : memref<8192x128xi32, #tpu.memory_space<hbm>> -> memref<4x128xi32, #tpu.memory_space<hbm>>
    tpu.enqueue_dma source(%dma_start3A_114 : memref<4x128xi32, #tpu.memory_space<hbm>>) target(%dma_start3A_112 : memref<4x128xi32, #tpu.memory_space<vmem>>) target_semaphore(%arg10 : memref<!tpu.dma_semaphore, #tpu.memory_space<semaphore_mem>>)
    %mul3A_115 = arith.constant 512 : i32
    %mul3A_116 = arith.muli %shift_right_arithmetic3A_6, %mul3A_115 : i32
    %add3A_117 = arith.constant 56 : i32
    %add3A_118 = arith.addi %mul3A_116, %add3A_117 : i32
    %add3A_119 = arith.addi %add3A_118, %mul3A_9 : i32
    %dma_start3A_120 = arith.constant 28 : i32
    %dma_start3A_121 = arith.constant 0 : i32
    %dma_start3A_122 = tpu.memref_slice %arg7[%dma_start3A_120, %dma_start3A_121] : memref<256x128xi32, #tpu.memory_space<vmem>> -> memref<4x128xi32, #tpu.memory_space<vmem>>
    %dma_start3A_123 = arith.constant 0 : i32
    %dma_start3A_124 = tpu.memref_slice %arg3[%add3A_119, %dma_start3A_123] : memref<8192x128xi32, #tpu.memory_space<hbm>> -> memref<4x128xi32, #tpu.memory_space<hbm>>
    %dma_start3A_125 = arith.constant 28 : i32
    %dma_start3A_126 = arith.constant 0 : i32
    %dma_start3A_127 = tpu.memref_slice %arg7[%dma_start3A_125, %dma_start3A_126] : memref<256x128xi32, #tpu.memory_space<vmem>> -> memref<4x128xi32, #tpu.memory_space<vmem>>
    %dma_start3A_128 = arith.constant 0 : i32
    %dma_start3A_129 = tpu.memref_slice %arg3[%add3A_119, %dma_start3A_128] : memref<8192x128xi32, #tpu.memory_space<hbm>> -> memref<4x128xi32, #tpu.memory_space<hbm>>
    tpu.enqueue_dma source(%dma_start3A_129 : memref<4x128xi32, #tpu.memory_space<hbm>>) target(%dma_start3A_127 : memref<4x128xi32, #tpu.memory_space<vmem>>) target_semaphore(%arg10 : memref<!tpu.dma_semaphore, #tpu.memory_space<semaphore_mem>>)
    %mul3A_130 = arith.constant 512 : i32
    %mul3A_131 = arith.muli %shift_right_arithmetic3A_6, %mul3A_130 : i32
    %add3A_132 = arith.constant 64 : i32
    %add3A_133 = arith.addi %mul3A_131, %add3A_132 : i32
    %add3A_134 = arith.addi %add3A_133, %mul3A_9 : i32
    %dma_start3A_135 = arith.constant 32 : i32
    %dma_start3A_136 = arith.constant 0 : i32
    %dma_start3A_137 = tpu.memref_slice %arg7[%dma_start3A_135, %dma_start3A_136] : memref<256x128xi32, #tpu.memory_space<vmem>> -> memref<4x128xi32, #tpu.memory_space<vmem>>
    %dma_start3A_138 = arith.constant 0 : i32
    %dma_start3A_139 = tpu.memref_slice %arg3[%add3A_134, %dma_start3A_138] : memref<8192x128xi32, #tpu.memory_space<hbm>> -> memref<4x128xi32, #tpu.memory_space<hbm>>
    %dma_start3A_140 = arith.constant 32 : i32
    %dma_start3A_141 = arith.constant 0 : i32
    %dma_start3A_142 = tpu.memref_slice %arg7[%dma_start3A_140, %dma_start3A_141] : memref<256x128xi32, #tpu.memory_space<vmem>> -> memref<4x128xi32, #tpu.memory_space<vmem>>
    %dma_start3A_143 = arith.constant 0 : i32
    %dma_start3A_144 = tpu.memref_slice %arg3[%add3A_134, %dma_start3A_143] : memref<8192x128xi32, #tpu.memory_space<hbm>> -> memref<4x128xi32, #tpu.memory_space<hbm>>
    tpu.enqueue_dma source(%dma_start3A_144 : memref<4x128xi32, #tpu.memory_space<hbm>>) target(%dma_start3A_142 : memref<4x128xi32, #tpu.memory_space<vmem>>) target_semaphore(%arg10 : memref<!tpu.dma_semaphore, #tpu.memory_space<semaphore_mem>>)
    %mul3A_145 = arith.constant 512 : i32
    %mul3A_146 = arith.muli %shift_right_arithmetic3A_6, %mul3A_145 : i32
    %add3A_147 = arith.constant 72 : i32
    %add3A_148 = arith.addi %mul3A_146, %add3A_147 : i32
    %add3A_149 = arith.addi %add3A_148, %mul3A_9 : i32
    %dma_start3A_150 = arith.constant 36 : i32
    %dma_start3A_151 = arith.constant 0 : i32
    %dma_start3A_152 = tpu.memref_slice %arg7[%dma_start3A_150, %dma_start3A_151] : memref<256x128xi32, #tpu.memory_space<vmem>> -> memref<4x128xi32, #tpu.memory_space<vmem>>
    %dma_start3A_153 = arith.constant 0 : i32
    %dma_start3A_154 = tpu.memref_slice %arg3[%add3A_149, %dma_start3A_153] : memref<8192x128xi32, #tpu.memory_space<hbm>> -> memref<4x128xi32, #tpu.memory_space<hbm>>
    %dma_start3A_155 = arith.constant 36 : i32
    %dma_start3A_156 = arith.constant 0 : i32
    %dma_start3A_157 = tpu.memref_slice %arg7[%dma_start3A_155, %dma_start3A_156] : memref<256x128xi32, #tpu.memory_space<vmem>> -> memref<4x128xi32, #tpu.memory_space<vmem>>
    %dma_start3A_158 = arith.constant 0 : i32
    %dma_start3A_159 = tpu.memref_slice %arg3[%add3A_149, %dma_start3A_158] : memref<8192x128xi32, #tpu.memory_space<hbm>> -> memref<4x128xi32, #tpu.memory_space<hbm>>
    tpu.enqueue_dma source(%dma_start3A_159 : memref<4x128xi32, #tpu.memory_space<hbm>>) target(%dma_start3A_157 : memref<4x128xi32, #tpu.memory_space<vmem>>) target_semaphore(%arg10 : memref<!tpu.dma_semaphore, #tpu.memory_space<semaphore_mem>>)
    %mul3A_160 = arith.constant 512 : i32
    %mul3A_161 = arith.muli %shift_right_arithmetic3A_6, %mul3A_160 : i32
    %add3A_162 = arith.constant 80 : i32
    %add3A_163 = arith.addi %mul3A_161, %add3A_162 : i32
    %add3A_164 = arith.addi %add3A_163, %mul3A_9 : i32
    %dma_start3A_165 = arith.constant 40 : i32
    %dma_start3A_166 = arith.constant 0 : i32
    %dma_start3A_167 = tpu.memref_slice %arg7[%dma_start3A_165, %dma_start3A_166] : memref<256x128xi32, #tpu.memory_space<vmem>> -> memref<4x128xi32, #tpu.memory_space<vmem>>
    %dma_start3A_168 = arith.constant 0 : i32
    %dma_start3A_169 = tpu.memref_slice %arg3[%add3A_164, %dma_start3A_168] : memref<8192x128xi32, #tpu.memory_space<hbm>> -> memref<4x128xi32, #tpu.memory_space<hbm>>
    %dma_start3A_170 = arith.constant 40 : i32
    %dma_start3A_171 = arith.constant 0 : i32
    %dma_start3A_172 = tpu.memref_slice %arg7[%dma_start3A_170, %dma_start3A_171] : memref<256x128xi32, #tpu.memory_space<vmem>> -> memref<4x128xi32, #tpu.memory_space<vmem>>
    %dma_start3A_173 = arith.constant 0 : i32
    %dma_start3A_174 = tpu.memref_slice %arg3[%add3A_164, %dma_start3A_173] : memref<8192x128xi32, #tpu.memory_space<hbm>> -> memref<4x128xi32, #tpu.memory_space<hbm>>
    tpu.enqueue_dma source(%dma_start3A_174 : memref<4x128xi32, #tpu.memory_space<hbm>>) target(%dma_start3A_172 : memref<4x128xi32, #tpu.memory_space<vmem>>) target_semaphore(%arg10 : memref<!tpu.dma_semaphore, #tpu.memory_space<semaphore_mem>>)
    %mul3A_175 = arith.constant 512 : i32
    %mul3A_176 = arith.muli %shift_right_arithmetic3A_6, %mul3A_175 : i32
    %add3A_177 = arith.constant 88 : i32
    %add3A_178 = arith.addi %mul3A_176, %add3A_177 : i32
    %add3A_179 = arith.addi %add3A_178, %mul3A_9 : i32
    %dma_start3A_180 = arith.constant 44 : i32
    %dma_start3A_181 = arith.constant 0 : i32
    %dma_start3A_182 = tpu.memref_slice %arg7[%dma_start3A_180, %dma_start3A_181] : memref<256x128xi32, #tpu.memory_space<vmem>> -> memref<4x128xi32, #tpu.memory_space<vmem>>
    %dma_start3A_183 = arith.constant 0 : i32
    %dma_start3A_184 = tpu.memref_slice %arg3[%add3A_179, %dma_start3A_183] : memref<8192x128xi32, #tpu.memory_space<hbm>> -> memref<4x128xi32, #tpu.memory_space<hbm>>
    %dma_start3A_185 = arith.constant 44 : i32
    %dma_start3A_186 = arith.constant 0 : i32
    %dma_start3A_187 = tpu.memref_slice %arg7[%dma_start3A_185, %dma_start3A_186] : memref<256x128xi32, #tpu.memory_space<vmem>> -> memref<4x128xi32, #tpu.memory_space<vmem>>
    %dma_start3A_188 = arith.constant 0 : i32
    %dma_start3A_189 = tpu.memref_slice %arg3[%add3A_179, %dma_start3A_188] : memref<8192x128xi32, #tpu.memory_space<hbm>> -> memref<4x128xi32, #tpu.memory_space<hbm>>
    tpu.enqueue_dma source(%dma_start3A_189 : memref<4x128xi32, #tpu.memory_space<hbm>>) target(%dma_start3A_187 : memref<4x128xi32, #tpu.memory_space<vmem>>) target_semaphore(%arg10 : memref<!tpu.dma_semaphore, #tpu.memory_space<semaphore_mem>>)
    %mul3A_190 = arith.constant 512 : i32
    %mul3A_191 = arith.muli %shift_right_arithmetic3A_6, %mul3A_190 : i32
    %add3A_192 = arith.constant 96 : i32
    %add3A_193 = arith.addi %mul3A_191, %add3A_192 : i32
    %add3A_194 = arith.addi %add3A_193, %mul3A_9 : i32
    %dma_start3A_195 = arith.constant 48 : i32
    %dma_start3A_196 = arith.constant 0 : i32
    %dma_start3A_197 = tpu.memref_slice %arg7[%dma_start3A_195, %dma_start3A_196] : memref<256x128xi32, #tpu.memory_space<vmem>> -> memref<4x128xi32, #tpu.memory_space<vmem>>
    %dma_start3A_198 = arith.constant 0 : i32
    %dma_start3A_199 = tpu.memref_slice %arg3[%add3A_194, %dma_start3A_198] : memref<8192x128xi32, #tpu.memory_space<hbm>> -> memref<4x128xi32, #tpu.memory_space<hbm>>
    %dma_start3A_200 = arith.constant 48 : i32
    %dma_start3A_201 = arith.constant 0 : i32
    %dma_start3A_202 = tpu.memref_slice %arg7[%dma_start3A_200, %dma_start3A_201] : memref<256x128xi32, #tpu.memory_space<vmem>> -> memref<4x128xi32, #tpu.memory_space<vmem>>
    %dma_start3A_203 = arith.constant 0 : i32
    %dma_start3A_204 = tpu.memref_slice %arg3[%add3A_194, %dma_start3A_203] : memref<8192x128xi32, #tpu.memory_space<hbm>> -> memref<4x128xi32, #tpu.memory_space<hbm>>
    tpu.enqueue_dma source(%dma_start3A_204 : memref<4x128xi32, #tpu.memory_space<hbm>>) target(%dma_start3A_202 : memref<4x128xi32, #tpu.memory_space<vmem>>) target_semaphore(%arg10 : memref<!tpu.dma_semaphore, #tpu.memory_space<semaphore_mem>>)
    %mul3A_205 = arith.constant 512 : i32
    %mul3A_206 = arith.muli %shift_right_arithmetic3A_6, %mul3A_205 : i32
    %add3A_207 = arith.constant 104 : i32
    %add3A_208 = arith.addi %mul3A_206, %add3A_207 : i32
    %add3A_209 = arith.addi %add3A_208, %mul3A_9 : i32
    %dma_start3A_210 = arith.constant 52 : i32
    %dma_start3A_211 = arith.constant 0 : i32
    %dma_start3A_212 = tpu.memref_slice %arg7[%dma_start3A_210, %dma_start3A_211] : memref<256x128xi32, #tpu.memory_space<vmem>> -> memref<4x128xi32, #tpu.memory_space<vmem>>
    %dma_start3A_213 = arith.constant 0 : i32
    %dma_start3A_214 = tpu.memref_slice %arg3[%add3A_209, %dma_start3A_213] : memref<8192x128xi32, #tpu.memory_space<hbm>> -> memref<4x128xi32, #tpu.memory_space<hbm>>
    %dma_start3A_215 = arith.constant 52 : i32
    %dma_start3A_216 = arith.constant 0 : i32
    %dma_start3A_217 = tpu.memref_slice %arg7[%dma_start3A_215, %dma_start3A_216] : memref<256x128xi32, #tpu.memory_space<vmem>> -> memref<4x128xi32, #tpu.memory_space<vmem>>
    %dma_start3A_218 = arith.constant 0 : i32
    %dma_start3A_219 = tpu.memref_slice %arg3[%add3A_209, %dma_start3A_218] : memref<8192x128xi32, #tpu.memory_space<hbm>> -> memref<4x128xi32, #tpu.memory_space<hbm>>
    tpu.enqueue_dma source(%dma_start3A_219 : memref<4x128xi32, #tpu.memory_space<hbm>>) target(%dma_start3A_217 : memref<4x128xi32, #tpu.memory_space<vmem>>) target_semaphore(%arg10 : memref<!tpu.dma_semaphore, #tpu.memory_space<semaphore_mem>>)
    %mul3A_220 = arith.constant 512 : i32
    %mul3A_221 = arith.muli %shift_right_arithmetic3A_6, %mul3A_220 : i32
    %add3A_222 = arith.constant 112 : i32
    %add3A_223 = arith.addi %mul3A_221, %add3A_222 : i32
    %add3A_224 = arith.addi %add3A_223, %mul3A_9 : i32
    %dma_start3A_225 = arith.constant 56 : i32
    %dma_start3A_226 = arith.constant 0 : i32
    %dma_start3A_227 = tpu.memref_slice %arg7[%dma_start3A_225, %dma_start3A_226] : memref<256x128xi32, #tpu.memory_space<vmem>> -> memref<4x128xi32, #tpu.memory_space<vmem>>
    %dma_start3A_228 = arith.constant 0 : i32
    %dma_start3A_229 = tpu.memref_slice %arg3[%add3A_224, %dma_start3A_228] : memref<8192x128xi32, #tpu.memory_space<hbm>> -> memref<4x128xi32, #tpu.memory_space<hbm>>
    %dma_start3A_230 = arith.constant 56 : i32
    %dma_start3A_231 = arith.constant 0 : i32
    %dma_start3A_232 = tpu.memref_slice %arg7[%dma_start3A_230, %dma_start3A_231] : memref<256x128xi32, #tpu.memory_space<vmem>> -> memref<4x128xi32, #tpu.memory_space<vmem>>
    %dma_start3A_233 = arith.constant 0 : i32
    %dma_start3A_234 = tpu.memref_slice %arg3[%add3A_224, %dma_start3A_233] : memref<8192x128xi32, #tpu.memory_space<hbm>> -> memref<4x128xi32, #tpu.memory_space<hbm>>
    tpu.enqueue_dma source(%dma_start3A_234 : memref<4x128xi32, #tpu.memory_space<hbm>>) target(%dma_start3A_232 : memref<4x128xi32, #tpu.memory_space<vmem>>) target_semaphore(%arg10 : memref<!tpu.dma_semaphore, #tpu.memory_space<semaphore_mem>>)
    %mul3A_235 = arith.constant 512 : i32
    %mul3A_236 = arith.muli %shift_right_arithmetic3A_6, %mul3A_235 : i32
    %add3A_237 = arith.constant 120 : i32
    %add3A_238 = arith.addi %mul3A_236, %add3A_237 : i32
    %add3A_239 = arith.addi %add3A_238, %mul3A_9 : i32
    %dma_start3A_240 = arith.constant 60 : i32
    %dma_start3A_241 = arith.constant 0 : i32
    %dma_start3A_242 = tpu.memref_slice %arg7[%dma_start3A_240, %dma_start3A_241] : memref<256x128xi32, #tpu.memory_space<vmem>> -> memref<4x128xi32, #tpu.memory_space<vmem>>
    %dma_start3A_243 = arith.constant 0 : i32
    %dma_start3A_244 = tpu.memref_slice %arg3[%add3A_239, %dma_start3A_243] : memref<8192x128xi32, #tpu.memory_space<hbm>> -> memref<4x128xi32, #tpu.memory_space<hbm>>
    %dma_start3A_245 = arith.constant 60 : i32
    %dma_start3A_246 = arith.constant 0 : i32
    %dma_start3A_247 = tpu.memref_slice %arg7[%dma_start3A_245, %dma_start3A_246] : memref<256x128xi32, #tpu.memory_space<vmem>> -> memref<4x128xi32, #tpu.memory_space<vmem>>
    %dma_start3A_248 = arith.constant 0 : i32
    %dma_start3A_249 = tpu.memref_slice %arg3[%add3A_239, %dma_start3A_248] : memref<8192x128xi32, #tpu.memory_space<hbm>> -> memref<4x128xi32, #tpu.memory_space<hbm>>
    tpu.enqueue_dma source(%dma_start3A_249 : memref<4x128xi32, #tpu.memory_space<hbm>>) target(%dma_start3A_247 : memref<4x128xi32, #tpu.memory_space<vmem>>) target_semaphore(%arg10 : memref<!tpu.dma_semaphore, #tpu.memory_space<semaphore_mem>>)
    %mul3A_250 = arith.constant 512 : i32
    %mul3A_251 = arith.muli %shift_right_arithmetic3A_6, %mul3A_250 : i32
    %add3A_252 = arith.constant 128 : i32
    %add3A_253 = arith.addi %mul3A_251, %add3A_252 : i32
    %add3A_254 = arith.addi %add3A_253, %mul3A_9 : i32
    %dma_start3A_255 = arith.constant 64 : i32
    %dma_start3A_256 = arith.constant 0 : i32
    %dma_start3A_257 = tpu.memref_slice %arg7[%dma_start3A_255, %dma_start3A_256] : memref<256x128xi32, #tpu.memory_space<vmem>> -> memref<4x128xi32, #tpu.memory_space<vmem>>
    %dma_start3A_258 = arith.constant 0 : i32
    %dma_start3A_259 = tpu.memref_slice %arg3[%add3A_254, %dma_start3A_258] : memref<8192x128xi32, #tpu.memory_space<hbm>> -> memref<4x128xi32, #tpu.memory_space<hbm>>
    %dma_start3A_260 = arith.constant 64 : i32
    %dma_start3A_261 = arith.constant 0 : i32
    %dma_start3A_262 = tpu.memref_slice %arg7[%dma_start3A_260, %dma_start3A_261] : memref<256x128xi32, #tpu.memory_space<vmem>> -> memref<4x128xi32, #tpu.memory_space<vmem>>
    %dma_start3A_263 = arith.constant 0 : i32
    %dma_start3A_264 = tpu.memref_slice %arg3[%add3A_254, %dma_start3A_263] : memref<8192x128xi32, #tpu.memory_space<hbm>> -> memref<4x128xi32, #tpu.memory_space<hbm>>
    tpu.enqueue_dma source(%dma_start3A_264 : memref<4x128xi32, #tpu.memory_space<hbm>>) target(%dma_start3A_262 : memref<4x128xi32, #tpu.memory_space<vmem>>) target_semaphore(%arg10 : memref<!tpu.dma_semaphore, #tpu.memory_space<semaphore_mem>>)
    %mul3A_265 = arith.constant 512 : i32
    %mul3A_266 = arith.muli %shift_right_arithmetic3A_6, %mul3A_265 : i32
    %add3A_267 = arith.constant 136 : i32
    %add3A_268 = arith.addi %mul3A_266, %add3A_267 : i32
    %add3A_269 = arith.addi %add3A_268, %mul3A_9 : i32
    %dma_start3A_270 = arith.constant 68 : i32
    %dma_start3A_271 = arith.constant 0 : i32
    %dma_start3A_272 = tpu.memref_slice %arg7[%dma_start3A_270, %dma_start3A_271] : memref<256x128xi32, #tpu.memory_space<vmem>> -> memref<4x128xi32, #tpu.memory_space<vmem>>
    %dma_start3A_273 = arith.constant 0 : i32
    %dma_start3A_274 = tpu.memref_slice %arg3[%add3A_269, %dma_start3A_273] : memref<8192x128xi32, #tpu.memory_space<hbm>> -> memref<4x128xi32, #tpu.memory_space<hbm>>
    %dma_start3A_275 = arith.constant 68 : i32
    %dma_start3A_276 = arith.constant 0 : i32
    %dma_start3A_277 = tpu.memref_slice %arg7[%dma_start3A_275, %dma_start3A_276] : memref<256x128xi32, #tpu.memory_space<vmem>> -> memref<4x128xi32, #tpu.memory_space<vmem>>
    %dma_start3A_278 = arith.constant 0 : i32
    %dma_start3A_279 = tpu.memref_slice %arg3[%add3A_269, %dma_start3A_278] : memref<8192x128xi32, #tpu.memory_space<hbm>> -> memref<4x128xi32, #tpu.memory_space<hbm>>
    tpu.enqueue_dma source(%dma_start3A_279 : memref<4x128xi32, #tpu.memory_space<hbm>>) target(%dma_start3A_277 : memref<4x128xi32, #tpu.memory_space<vmem>>) target_semaphore(%arg10 : memref<!tpu.dma_semaphore, #tpu.memory_space<semaphore_mem>>)
    %mul3A_280 = arith.constant 512 : i32
    %mul3A_281 = arith.muli %shift_right_arithmetic3A_6, %mul3A_280 : i32
    %add3A_282 = arith.constant 144 : i32
    %add3A_283 = arith.addi %mul3A_281, %add3A_282 : i32
    %add3A_284 = arith.addi %add3A_283, %mul3A_9 : i32
    %dma_start3A_285 = arith.constant 72 : i32
    %dma_start3A_286 = arith.constant 0 : i32
    %dma_start3A_287 = tpu.memref_slice %arg7[%dma_start3A_285, %dma_start3A_286] : memref<256x128xi32, #tpu.memory_space<vmem>> -> memref<4x128xi32, #tpu.memory_space<vmem>>
    %dma_start3A_288 = arith.constant 0 : i32
    %dma_start3A_289 = tpu.memref_slice %arg3[%add3A_284, %dma_start3A_288] : memref<8192x128xi32, #tpu.memory_space<hbm>> -> memref<4x128xi32, #tpu.memory_space<hbm>>
    %dma_start3A_290 = arith.constant 72 : i32
    %dma_start3A_291 = arith.constant 0 : i32
    %dma_start3A_292 = tpu.memref_slice %arg7[%dma_start3A_290, %dma_start3A_291] : memref<256x128xi32, #tpu.memory_space<vmem>> -> memref<4x128xi32, #tpu.memory_space<vmem>>
    %dma_start3A_293 = arith.constant 0 : i32
    %dma_start3A_294 = tpu.memref_slice %arg3[%add3A_284, %dma_start3A_293] : memref<8192x128xi32, #tpu.memory_space<hbm>> -> memref<4x128xi32, #tpu.memory_space<hbm>>
    tpu.enqueue_dma source(%dma_start3A_294 : memref<4x128xi32, #tpu.memory_space<hbm>>) target(%dma_start3A_292 : memref<4x128xi32, #tpu.memory_space<vmem>>) target_semaphore(%arg10 : memref<!tpu.dma_semaphore, #tpu.memory_space<semaphore_mem>>)
    %mul3A_295 = arith.constant 512 : i32
    %mul3A_296 = arith.muli %shift_right_arithmetic3A_6, %mul3A_295 : i32
    %add3A_297 = arith.constant 152 : i32
    %add3A_298 = arith.addi %mul3A_296, %add3A_297 : i32
    %add3A_299 = arith.addi %add3A_298, %mul3A_9 : i32
    %dma_start3A_300 = arith.constant 76 : i32
    %dma_start3A_301 = arith.constant 0 : i32
    %dma_start3A_302 = tpu.memref_slice %arg7[%dma_start3A_300, %dma_start3A_301] : memref<256x128xi32, #tpu.memory_space<vmem>> -> memref<4x128xi32, #tpu.memory_space<vmem>>
    %dma_start3A_303 = arith.constant 0 : i32
    %dma_start3A_304 = tpu.memref_slice %arg3[%add3A_299, %dma_start3A_303] : memref<8192x128xi32, #tpu.memory_space<hbm>> -> memref<4x128xi32, #tpu.memory_space<hbm>>
    %dma_start3A_305 = arith.constant 76 : i32
    %dma_start3A_306 = arith.constant 0 : i32
    %dma_start3A_307 = tpu.memref_slice %arg7[%dma_start3A_305, %dma_start3A_306] : memref<256x128xi32, #tpu.memory_space<vmem>> -> memref<4x128xi32, #tpu.memory_space<vmem>>
    %dma_start3A_308 = arith.constant 0 : i32
    %dma_start3A_309 = tpu.memref_slice %arg3[%add3A_299, %dma_start3A_308] : memref<8192x128xi32, #tpu.memory_space<hbm>> -> memref<4x128xi32, #tpu.memory_space<hbm>>
    tpu.enqueue_dma source(%dma_start3A_309 : memref<4x128xi32, #tpu.memory_space<hbm>>) target(%dma_start3A_307 : memref<4x128xi32, #tpu.memory_space<vmem>>) target_semaphore(%arg10 : memref<!tpu.dma_semaphore, #tpu.memory_space<semaphore_mem>>)
    %mul3A_310 = arith.constant 512 : i32
    %mul3A_311 = arith.muli %shift_right_arithmetic3A_6, %mul3A_310 : i32
    %add3A_312 = arith.constant 160 : i32
    %add3A_313 = arith.addi %mul3A_311, %add3A_312 : i32
    %add3A_314 = arith.addi %add3A_313, %mul3A_9 : i32
    %dma_start3A_315 = arith.constant 80 : i32
    %dma_start3A_316 = arith.constant 0 : i32
    %dma_start3A_317 = tpu.memref_slice %arg7[%dma_start3A_315, %dma_start3A_316] : memref<256x128xi32, #tpu.memory_space<vmem>> -> memref<4x128xi32, #tpu.memory_space<vmem>>
    %dma_start3A_318 = arith.constant 0 : i32
    %dma_start3A_319 = tpu.memref_slice %arg3[%add3A_314, %dma_start3A_318] : memref<8192x128xi32, #tpu.memory_space<hbm>> -> memref<4x128xi32, #tpu.memory_space<hbm>>
    %dma_start3A_320 = arith.constant 80 : i32
    %dma_start3A_321 = arith.constant 0 : i32
    %dma_start3A_322 = tpu.memref_slice %arg7[%dma_start3A_320, %dma_start3A_321] : memref<256x128xi32, #tpu.memory_space<vmem>> -> memref<4x128xi32, #tpu.memory_space<vmem>>
    %dma_start3A_323 = arith.constant 0 : i32
    %dma_start3A_324 = tpu.memref_slice %arg3[%add3A_314, %dma_start3A_323] : memref<8192x128xi32, #tpu.memory_space<hbm>> -> memref<4x128xi32, #tpu.memory_space<hbm>>
    tpu.enqueue_dma source(%dma_start3A_324 : memref<4x128xi32, #tpu.memory_space<hbm>>) target(%dma_start3A_322 : memref<4x128xi32, #tpu.memory_space<vmem>>) target_semaphore(%arg10 : memref<!tpu.dma_semaphore, #tpu.memory_space<semaphore_mem>>)
    %mul3A_325 = arith.constant 512 : i32
    %mul3A_326 = arith.muli %shift_right_arithmetic3A_6, %mul3A_325 : i32
    %add3A_327 = arith.constant 168 : i32
    %add3A_328 = arith.addi %mul3A_326, %add3A_327 : i32
    %add3A_329 = arith.addi %add3A_328, %mul3A_9 : i32
    %dma_start3A_330 = arith.constant 84 : i32
    %dma_start3A_331 = arith.constant 0 : i32
    %dma_start3A_332 = tpu.memref_slice %arg7[%dma_start3A_330, %dma_start3A_331] : memref<256x128xi32, #tpu.memory_space<vmem>> -> memref<4x128xi32, #tpu.memory_space<vmem>>
    %dma_start3A_333 = arith.constant 0 : i32
    %dma_start3A_334 = tpu.memref_slice %arg3[%add3A_329, %dma_start3A_333] : memref<8192x128xi32, #tpu.memory_space<hbm>> -> memref<4x128xi32, #tpu.memory_space<hbm>>
    %dma_start3A_335 = arith.constant 84 : i32
    %dma_start3A_336 = arith.constant 0 : i32
    %dma_start3A_337 = tpu.memref_slice %arg7[%dma_start3A_335, %dma_start3A_336] : memref<256x128xi32, #tpu.memory_space<vmem>> -> memref<4x128xi32, #tpu.memory_space<vmem>>
    %dma_start3A_338 = arith.constant 0 : i32
    %dma_start3A_339 = tpu.memref_slice %arg3[%add3A_329, %dma_start3A_338] : memref<8192x128xi32, #tpu.memory_space<hbm>> -> memref<4x128xi32, #tpu.memory_space<hbm>>
    tpu.enqueue_dma source(%dma_start3A_339 : memref<4x128xi32, #tpu.memory_space<hbm>>) target(%dma_start3A_337 : memref<4x128xi32, #tpu.memory_space<vmem>>) target_semaphore(%arg10 : memref<!tpu.dma_semaphore, #tpu.memory_space<semaphore_mem>>)
    %mul3A_340 = arith.constant 512 : i32
    %mul3A_341 = arith.muli %shift_right_arithmetic3A_6, %mul3A_340 : i32
    %add3A_342 = arith.constant 176 : i32
    %add3A_343 = arith.addi %mul3A_341, %add3A_342 : i32
    %add3A_344 = arith.addi %add3A_343, %mul3A_9 : i32
    %dma_start3A_345 = arith.constant 88 : i32
    %dma_start3A_346 = arith.constant 0 : i32
    %dma_start3A_347 = tpu.memref_slice %arg7[%dma_start3A_345, %dma_start3A_346] : memref<256x128xi32, #tpu.memory_space<vmem>> -> memref<4x128xi32, #tpu.memory_space<vmem>>
    %dma_start3A_348 = arith.constant 0 : i32
    %dma_start3A_349 = tpu.memref_slice %arg3[%add3A_344, %dma_start3A_348] : memref<8192x128xi32, #tpu.memory_space<hbm>> -> memref<4x128xi32, #tpu.memory_space<hbm>>
    %dma_start3A_350 = arith.constant 88 : i32
    %dma_start3A_351 = arith.constant 0 : i32
    %dma_start3A_352 = tpu.memref_slice %arg7[%dma_start3A_350, %dma_start3A_351] : memref<256x128xi32, #tpu.memory_space<vmem>> -> memref<4x128xi32, #tpu.memory_space<vmem>>
    %dma_start3A_353 = arith.constant 0 : i32
    %dma_start3A_354 = tpu.memref_slice %arg3[%add3A_344, %dma_start3A_353] : memref<8192x128xi32, #tpu.memory_space<hbm>> -> memref<4x128xi32, #tpu.memory_space<hbm>>
    tpu.enqueue_dma source(%dma_start3A_354 : memref<4x128xi32, #tpu.memory_space<hbm>>) target(%dma_start3A_352 : memref<4x128xi32, #tpu.memory_space<vmem>>) target_semaphore(%arg10 : memref<!tpu.dma_semaphore, #tpu.memory_space<semaphore_mem>>)
    %mul3A_355 = arith.constant 512 : i32
    %mul3A_356 = arith.muli %shift_right_arithmetic3A_6, %mul3A_355 : i32
    %add3A_357 = arith.constant 184 : i32
    %add3A_358 = arith.addi %mul3A_356, %add3A_357 : i32
    %add3A_359 = arith.addi %add3A_358, %mul3A_9 : i32
    %dma_start3A_360 = arith.constant 92 : i32
    %dma_start3A_361 = arith.constant 0 : i32
    %dma_start3A_362 = tpu.memref_slice %arg7[%dma_start3A_360, %dma_start3A_361] : memref<256x128xi32, #tpu.memory_space<vmem>> -> memref<4x128xi32, #tpu.memory_space<vmem>>
    %dma_start3A_363 = arith.constant 0 : i32
    %dma_start3A_364 = tpu.memref_slice %arg3[%add3A_359, %dma_start3A_363] : memref<8192x128xi32, #tpu.memory_space<hbm>> -> memref<4x128xi32, #tpu.memory_space<hbm>>
    %dma_start3A_365 = arith.constant 92 : i32
    %dma_start3A_366 = arith.constant 0 : i32
    %dma_start3A_367 = tpu.memref_slice %arg7[%dma_start3A_365, %dma_start3A_366] : memref<256x128xi32, #tpu.memory_space<vmem>> -> memref<4x128xi32, #tpu.memory_space<vmem>>
    %dma_start3A_368 = arith.constant 0 : i32
    %dma_start3A_369 = tpu.memref_slice %arg3[%add3A_359, %dma_start3A_368] : memref<8192x128xi32, #tpu.memory_space<hbm>> -> memref<4x128xi32, #tpu.memory_space<hbm>>
    tpu.enqueue_dma source(%dma_start3A_369 : memref<4x128xi32, #tpu.memory_space<hbm>>) target(%dma_start3A_367 : memref<4x128xi32, #tpu.memory_space<vmem>>) target_semaphore(%arg10 : memref<!tpu.dma_semaphore, #tpu.memory_space<semaphore_mem>>)
    %mul3A_370 = arith.constant 512 : i32
    %mul3A_371 = arith.muli %shift_right_arithmetic3A_6, %mul3A_370 : i32
    %add3A_372 = arith.constant 192 : i32
    %add3A_373 = arith.addi %mul3A_371, %add3A_372 : i32
    %add3A_374 = arith.addi %add3A_373, %mul3A_9 : i32
    %dma_start3A_375 = arith.constant 96 : i32
    %dma_start3A_376 = arith.constant 0 : i32
    %dma_start3A_377 = tpu.memref_slice %arg7[%dma_start3A_375, %dma_start3A_376] : memref<256x128xi32, #tpu.memory_space<vmem>> -> memref<4x128xi32, #tpu.memory_space<vmem>>
    %dma_start3A_378 = arith.constant 0 : i32
    %dma_start3A_379 = tpu.memref_slice %arg3[%add3A_374, %dma_start3A_378] : memref<8192x128xi32, #tpu.memory_space<hbm>> -> memref<4x128xi32, #tpu.memory_space<hbm>>
    %dma_start3A_380 = arith.constant 96 : i32
    %dma_start3A_381 = arith.constant 0 : i32
    %dma_start3A_382 = tpu.memref_slice %arg7[%dma_start3A_380, %dma_start3A_381] : memref<256x128xi32, #tpu.memory_space<vmem>> -> memref<4x128xi32, #tpu.memory_space<vmem>>
    %dma_start3A_383 = arith.constant 0 : i32
    %dma_start3A_384 = tpu.memref_slice %arg3[%add3A_374, %dma_start3A_383] : memref<8192x128xi32, #tpu.memory_space<hbm>> -> memref<4x128xi32, #tpu.memory_space<hbm>>
    tpu.enqueue_dma source(%dma_start3A_384 : memref<4x128xi32, #tpu.memory_space<hbm>>) target(%dma_start3A_382 : memref<4x128xi32, #tpu.memory_space<vmem>>) target_semaphore(%arg10 : memref<!tpu.dma_semaphore, #tpu.memory_space<semaphore_mem>>)
    %mul3A_385 = arith.constant 512 : i32
    %mul3A_386 = arith.muli %shift_right_arithmetic3A_6, %mul3A_385 : i32
    %add3A_387 = arith.constant 200 : i32
    %add3A_388 = arith.addi %mul3A_386, %add3A_387 : i32
    %add3A_389 = arith.addi %add3A_388, %mul3A_9 : i32
    %dma_start3A_390 = arith.constant 100 : i32
    %dma_start3A_391 = arith.constant 0 : i32
    %dma_start3A_392 = tpu.memref_slice %arg7[%dma_start3A_390, %dma_start3A_391] : memref<256x128xi32, #tpu.memory_space<vmem>> -> memref<4x128xi32, #tpu.memory_space<vmem>>
    %dma_start3A_393 = arith.constant 0 : i32
    %dma_start3A_394 = tpu.memref_slice %arg3[%add3A_389, %dma_start3A_393] : memref<8192x128xi32, #tpu.memory_space<hbm>> -> memref<4x128xi32, #tpu.memory_space<hbm>>
    %dma_start3A_395 = arith.constant 100 : i32
    %dma_start3A_396 = arith.constant 0 : i32
    %dma_start3A_397 = tpu.memref_slice %arg7[%dma_start3A_395, %dma_start3A_396] : memref<256x128xi32, #tpu.memory_space<vmem>> -> memref<4x128xi32, #tpu.memory_space<vmem>>
    %dma_start3A_398 = arith.constant 0 : i32
    %dma_start3A_399 = tpu.memref_slice %arg3[%add3A_389, %dma_start3A_398] : memref<8192x128xi32, #tpu.memory_space<hbm>> -> memref<4x128xi32, #tpu.memory_space<hbm>>
    tpu.enqueue_dma source(%dma_start3A_399 : memref<4x128xi32, #tpu.memory_space<hbm>>) target(%dma_start3A_397 : memref<4x128xi32, #tpu.memory_space<vmem>>) target_semaphore(%arg10 : memref<!tpu.dma_semaphore, #tpu.memory_space<semaphore_mem>>)
    %mul3A_400 = arith.constant 512 : i32
    %mul3A_401 = arith.muli %shift_right_arithmetic3A_6, %mul3A_400 : i32
    %add3A_402 = arith.constant 208 : i32
    %add3A_403 = arith.addi %mul3A_401, %add3A_402 : i32
    %add3A_404 = arith.addi %add3A_403, %mul3A_9 : i32
    %dma_start3A_405 = arith.constant 104 : i32
    %dma_start3A_406 = arith.constant 0 : i32
    %dma_start3A_407 = tpu.memref_slice %arg7[%dma_start3A_405, %dma_start3A_406] : memref<256x128xi32, #tpu.memory_space<vmem>> -> memref<4x128xi32, #tpu.memory_space<vmem>>
    %dma_start3A_408 = arith.constant 0 : i32
    %dma_start3A_409 = tpu.memref_slice %arg3[%add3A_404, %dma_start3A_408] : memref<8192x128xi32, #tpu.memory_space<hbm>> -> memref<4x128xi32, #tpu.memory_space<hbm>>
    %dma_start3A_410 = arith.constant 104 : i32
    %dma_start3A_411 = arith.constant 0 : i32
    %dma_start3A_412 = tpu.memref_slice %arg7[%dma_start3A_410, %dma_start3A_411] : memref<256x128xi32, #tpu.memory_space<vmem>> -> memref<4x128xi32, #tpu.memory_space<vmem>>
    %dma_start3A_413 = arith.constant 0 : i32
    %dma_start3A_414 = tpu.memref_slice %arg3[%add3A_404, %dma_start3A_413] : memref<8192x128xi32, #tpu.memory_space<hbm>> -> memref<4x128xi32, #tpu.memory_space<hbm>>
    tpu.enqueue_dma source(%dma_start3A_414 : memref<4x128xi32, #tpu.memory_space<hbm>>) target(%dma_start3A_412 : memref<4x128xi32, #tpu.memory_space<vmem>>) target_semaphore(%arg10 : memref<!tpu.dma_semaphore, #tpu.memory_space<semaphore_mem>>)
    %mul3A_415 = arith.constant 512 : i32
    %mul3A_416 = arith.muli %shift_right_arithmetic3A_6, %mul3A_415 : i32
    %add3A_417 = arith.constant 216 : i32
    %add3A_418 = arith.addi %mul3A_416, %add3A_417 : i32
    %add3A_419 = arith.addi %add3A_418, %mul3A_9 : i32
    %dma_start3A_420 = arith.constant 108 : i32
    %dma_start3A_421 = arith.constant 0 : i32
    %dma_start3A_422 = tpu.memref_slice %arg7[%dma_start3A_420, %dma_start3A_421] : memref<256x128xi32, #tpu.memory_space<vmem>> -> memref<4x128xi32, #tpu.memory_space<vmem>>
    %dma_start3A_423 = arith.constant 0 : i32
    %dma_start3A_424 = tpu.memref_slice %arg3[%add3A_419, %dma_start3A_423] : memref<8192x128xi32, #tpu.memory_space<hbm>> -> memref<4x128xi32, #tpu.memory_space<hbm>>
    %dma_start3A_425 = arith.constant 108 : i32
    %dma_start3A_426 = arith.constant 0 : i32
    %dma_start3A_427 = tpu.memref_slice %arg7[%dma_start3A_425, %dma_start3A_426] : memref<256x128xi32, #tpu.memory_space<vmem>> -> memref<4x128xi32, #tpu.memory_space<vmem>>
    %dma_start3A_428 = arith.constant 0 : i32
    %dma_start3A_429 = tpu.memref_slice %arg3[%add3A_419, %dma_start3A_428] : memref<8192x128xi32, #tpu.memory_space<hbm>> -> memref<4x128xi32, #tpu.memory_space<hbm>>
    tpu.enqueue_dma source(%dma_start3A_429 : memref<4x128xi32, #tpu.memory_space<hbm>>) target(%dma_start3A_427 : memref<4x128xi32, #tpu.memory_space<vmem>>) target_semaphore(%arg10 : memref<!tpu.dma_semaphore, #tpu.memory_space<semaphore_mem>>)
    %mul3A_430 = arith.constant 512 : i32
    %mul3A_431 = arith.muli %shift_right_arithmetic3A_6, %mul3A_430 : i32
    %add3A_432 = arith.constant 224 : i32
    %add3A_433 = arith.addi %mul3A_431, %add3A_432 : i32
    %add3A_434 = arith.addi %add3A_433, %mul3A_9 : i32
    %dma_start3A_435 = arith.constant 112 : i32
    %dma_start3A_436 = arith.constant 0 : i32
    %dma_start3A_437 = tpu.memref_slice %arg7[%dma_start3A_435, %dma_start3A_436] : memref<256x128xi32, #tpu.memory_space<vmem>> -> memref<4x128xi32, #tpu.memory_space<vmem>>
    %dma_start3A_438 = arith.constant 0 : i32
    %dma_start3A_439 = tpu.memref_slice %arg3[%add3A_434, %dma_start3A_438] : memref<8192x128xi32, #tpu.memory_space<hbm>> -> memref<4x128xi32, #tpu.memory_space<hbm>>
    %dma_start3A_440 = arith.constant 112 : i32
    %dma_start3A_441 = arith.constant 0 : i32
    %dma_start3A_442 = tpu.memref_slice %arg7[%dma_start3A_440, %dma_start3A_441] : memref<256x128xi32, #tpu.memory_space<vmem>> -> memref<4x128xi32, #tpu.memory_space<vmem>>
    %dma_start3A_443 = arith.constant 0 : i32
    %dma_start3A_444 = tpu.memref_slice %arg3[%add3A_434, %dma_start3A_443] : memref<8192x128xi32, #tpu.memory_space<hbm>> -> memref<4x128xi32, #tpu.memory_space<hbm>>
    tpu.enqueue_dma source(%dma_start3A_444 : memref<4x128xi32, #tpu.memory_space<hbm>>) target(%dma_start3A_442 : memref<4x128xi32, #tpu.memory_space<vmem>>) target_semaphore(%arg10 : memref<!tpu.dma_semaphore, #tpu.memory_space<semaphore_mem>>)
    %mul3A_445 = arith.constant 512 : i32
    %mul3A_446 = arith.muli %shift_right_arithmetic3A_6, %mul3A_445 : i32
    %add3A_447 = arith.constant 232 : i32
    %add3A_448 = arith.addi %mul3A_446, %add3A_447 : i32
    %add3A_449 = arith.addi %add3A_448, %mul3A_9 : i32
    %dma_start3A_450 = arith.constant 116 : i32
    %dma_start3A_451 = arith.constant 0 : i32
    %dma_start3A_452 = tpu.memref_slice %arg7[%dma_start3A_450, %dma_start3A_451] : memref<256x128xi32, #tpu.memory_space<vmem>> -> memref<4x128xi32, #tpu.memory_space<vmem>>
    %dma_start3A_453 = arith.constant 0 : i32
    %dma_start3A_454 = tpu.memref_slice %arg3[%add3A_449, %dma_start3A_453] : memref<8192x128xi32, #tpu.memory_space<hbm>> -> memref<4x128xi32, #tpu.memory_space<hbm>>
    %dma_start3A_455 = arith.constant 116 : i32
    %dma_start3A_456 = arith.constant 0 : i32
    %dma_start3A_457 = tpu.memref_slice %arg7[%dma_start3A_455, %dma_start3A_456] : memref<256x128xi32, #tpu.memory_space<vmem>> -> memref<4x128xi32, #tpu.memory_space<vmem>>
    %dma_start3A_458 = arith.constant 0 : i32
    %dma_start3A_459 = tpu.memref_slice %arg3[%add3A_449, %dma_start3A_458] : memref<8192x128xi32, #tpu.memory_space<hbm>> -> memref<4x128xi32, #tpu.memory_space<hbm>>
    tpu.enqueue_dma source(%dma_start3A_459 : memref<4x128xi32, #tpu.memory_space<hbm>>) target(%dma_start3A_457 : memref<4x128xi32, #tpu.memory_space<vmem>>) target_semaphore(%arg10 : memref<!tpu.dma_semaphore, #tpu.memory_space<semaphore_mem>>)
    %mul3A_460 = arith.constant 512 : i32
    %mul3A_461 = arith.muli %shift_right_arithmetic3A_6, %mul3A_460 : i32
    %add3A_462 = arith.constant 240 : i32
    %add3A_463 = arith.addi %mul3A_461, %add3A_462 : i32
    %add3A_464 = arith.addi %add3A_463, %mul3A_9 : i32
    %dma_start3A_465 = arith.constant 120 : i32
    %dma_start3A_466 = arith.constant 0 : i32
    %dma_start3A_467 = tpu.memref_slice %arg7[%dma_start3A_465, %dma_start3A_466] : memref<256x128xi32, #tpu.memory_space<vmem>> -> memref<4x128xi32, #tpu.memory_space<vmem>>
    %dma_start3A_468 = arith.constant 0 : i32
    %dma_start3A_469 = tpu.memref_slice %arg3[%add3A_464, %dma_start3A_468] : memref<8192x128xi32, #tpu.memory_space<hbm>> -> memref<4x128xi32, #tpu.memory_space<hbm>>
    %dma_start3A_470 = arith.constant 120 : i32
    %dma_start3A_471 = arith.constant 0 : i32
    %dma_start3A_472 = tpu.memref_slice %arg7[%dma_start3A_470, %dma_start3A_471] : memref<256x128xi32, #tpu.memory_space<vmem>> -> memref<4x128xi32, #tpu.memory_space<vmem>>
    %dma_start3A_473 = arith.constant 0 : i32
    %dma_start3A_474 = tpu.memref_slice %arg3[%add3A_464, %dma_start3A_473] : memref<8192x128xi32, #tpu.memory_space<hbm>> -> memref<4x128xi32, #tpu.memory_space<hbm>>
    tpu.enqueue_dma source(%dma_start3A_474 : memref<4x128xi32, #tpu.memory_space<hbm>>) target(%dma_start3A_472 : memref<4x128xi32, #tpu.memory_space<vmem>>) target_semaphore(%arg10 : memref<!tpu.dma_semaphore, #tpu.memory_space<semaphore_mem>>)
    %mul3A_475 = arith.constant 512 : i32
    %mul3A_476 = arith.muli %shift_right_arithmetic3A_6, %mul3A_475 : i32
    %add3A_477 = arith.constant 248 : i32
    %add3A_478 = arith.addi %mul3A_476, %add3A_477 : i32
    %add3A_479 = arith.addi %add3A_478, %mul3A_9 : i32
    %dma_start3A_480 = arith.constant 124 : i32
    %dma_start3A_481 = arith.constant 0 : i32
    %dma_start3A_482 = tpu.memref_slice %arg7[%dma_start3A_480, %dma_start3A_481] : memref<256x128xi32, #tpu.memory_space<vmem>> -> memref<4x128xi32, #tpu.memory_space<vmem>>
    %dma_start3A_483 = arith.constant 0 : i32
    %dma_start3A_484 = tpu.memref_slice %arg3[%add3A_479, %dma_start3A_483] : memref<8192x128xi32, #tpu.memory_space<hbm>> -> memref<4x128xi32, #tpu.memory_space<hbm>>
    %dma_start3A_485 = arith.constant 124 : i32
    %dma_start3A_486 = arith.constant 0 : i32
    %dma_start3A_487 = tpu.memref_slice %arg7[%dma_start3A_485, %dma_start3A_486] : memref<256x128xi32, #tpu.memory_space<vmem>> -> memref<4x128xi32, #tpu.memory_space<vmem>>
    %dma_start3A_488 = arith.constant 0 : i32
    %dma_start3A_489 = tpu.memref_slice %arg3[%add3A_479, %dma_start3A_488] : memref<8192x128xi32, #tpu.memory_space<hbm>> -> memref<4x128xi32, #tpu.memory_space<hbm>>
    tpu.enqueue_dma source(%dma_start3A_489 : memref<4x128xi32, #tpu.memory_space<hbm>>) target(%dma_start3A_487 : memref<4x128xi32, #tpu.memory_space<vmem>>) target_semaphore(%arg10 : memref<!tpu.dma_semaphore, #tpu.memory_space<semaphore_mem>>)
    %mul3A_490 = arith.constant 512 : i32
    %mul3A_491 = arith.muli %shift_right_arithmetic3A_6, %mul3A_490 : i32
    %add3A_492 = arith.constant 256 : i32
    %add3A_493 = arith.addi %mul3A_491, %add3A_492 : i32
    %add3A_494 = arith.addi %add3A_493, %mul3A_9 : i32
    %dma_start3A_495 = arith.constant 128 : i32
    %dma_start3A_496 = arith.constant 0 : i32
    %dma_start3A_497 = tpu.memref_slice %arg7[%dma_start3A_495, %dma_start3A_496] : memref<256x128xi32, #tpu.memory_space<vmem>> -> memref<4x128xi32, #tpu.memory_space<vmem>>
    %dma_start3A_498 = arith.constant 0 : i32
    %dma_start3A_499 = tpu.memref_slice %arg3[%add3A_494, %dma_start3A_498] : memref<8192x128xi32, #tpu.memory_space<hbm>> -> memref<4x128xi32, #tpu.memory_space<hbm>>
    %dma_start3A_500 = arith.constant 128 : i32
    %dma_start3A_501 = arith.constant 0 : i32
    %dma_start3A_502 = tpu.memref_slice %arg7[%dma_start3A_500, %dma_start3A_501] : memref<256x128xi32, #tpu.memory_space<vmem>> -> memref<4x128xi32, #tpu.memory_space<vmem>>
    %dma_start3A_503 = arith.constant 0 : i32
    %dma_start3A_504 = tpu.memref_slice %arg3[%add3A_494, %dma_start3A_503] : memref<8192x128xi32, #tpu.memory_space<hbm>> -> memref<4x128xi32, #tpu.memory_space<hbm>>
    tpu.enqueue_dma source(%dma_start3A_504 : memref<4x128xi32, #tpu.memory_space<hbm>>) target(%dma_start3A_502 : memref<4x128xi32, #tpu.memory_space<vmem>>) target_semaphore(%arg10 : memref<!tpu.dma_semaphore, #tpu.memory_space<semaphore_mem>>)
    %mul3A_505 = arith.constant 512 : i32
    %mul3A_506 = arith.muli %shift_right_arithmetic3A_6, %mul3A_505 : i32
    %add3A_507 = arith.constant 264 : i32
    %add3A_508 = arith.addi %mul3A_506, %add3A_507 : i32
    %add3A_509 = arith.addi %add3A_508, %mul3A_9 : i32
    %dma_start3A_510 = arith.constant 132 : i32
    %dma_start3A_511 = arith.constant 0 : i32
    %dma_start3A_512 = tpu.memref_slice %arg7[%dma_start3A_510, %dma_start3A_511] : memref<256x128xi32, #tpu.memory_space<vmem>> -> memref<4x128xi32, #tpu.memory_space<vmem>>
    %dma_start3A_513 = arith.constant 0 : i32
    %dma_start3A_514 = tpu.memref_slice %arg3[%add3A_509, %dma_start3A_513] : memref<8192x128xi32, #tpu.memory_space<hbm>> -> memref<4x128xi32, #tpu.memory_space<hbm>>
    %dma_start3A_515 = arith.constant 132 : i32
    %dma_start3A_516 = arith.constant 0 : i32
    %dma_start3A_517 = tpu.memref_slice %arg7[%dma_start3A_515, %dma_start3A_516] : memref<256x128xi32, #tpu.memory_space<vmem>> -> memref<4x128xi32, #tpu.memory_space<vmem>>
    %dma_start3A_518 = arith.constant 0 : i32
    %dma_start3A_519 = tpu.memref_slice %arg3[%add3A_509, %dma_start3A_518] : memref<8192x128xi32, #tpu.memory_space<hbm>> -> memref<4x128xi32, #tpu.memory_space<hbm>>
    tpu.enqueue_dma source(%dma_start3A_519 : memref<4x128xi32, #tpu.memory_space<hbm>>) target(%dma_start3A_517 : memref<4x128xi32, #tpu.memory_space<vmem>>) target_semaphore(%arg10 : memref<!tpu.dma_semaphore, #tpu.memory_space<semaphore_mem>>)
    %mul3A_520 = arith.constant 512 : i32
    %mul3A_521 = arith.muli %shift_right_arithmetic3A_6, %mul3A_520 : i32
    %add3A_522 = arith.constant 272 : i32
    %add3A_523 = arith.addi %mul3A_521, %add3A_522 : i32
    %add3A_524 = arith.addi %add3A_523, %mul3A_9 : i32
    %dma_start3A_525 = arith.constant 136 : i32
    %dma_start3A_526 = arith.constant 0 : i32
    %dma_start3A_527 = tpu.memref_slice %arg7[%dma_start3A_525, %dma_start3A_526] : memref<256x128xi32, #tpu.memory_space<vmem>> -> memref<4x128xi32, #tpu.memory_space<vmem>>
    %dma_start3A_528 = arith.constant 0 : i32
    %dma_start3A_529 = tpu.memref_slice %arg3[%add3A_524, %dma_start3A_528] : memref<8192x128xi32, #tpu.memory_space<hbm>> -> memref<4x128xi32, #tpu.memory_space<hbm>>
    %dma_start3A_530 = arith.constant 136 : i32
    %dma_start3A_531 = arith.constant 0 : i32
    %dma_start3A_532 = tpu.memref_slice %arg7[%dma_start3A_530, %dma_start3A_531] : memref<256x128xi32, #tpu.memory_space<vmem>> -> memref<4x128xi32, #tpu.memory_space<vmem>>
    %dma_start3A_533 = arith.constant 0 : i32
    %dma_start3A_534 = tpu.memref_slice %arg3[%add3A_524, %dma_start3A_533] : memref<8192x128xi32, #tpu.memory_space<hbm>> -> memref<4x128xi32, #tpu.memory_space<hbm>>
    tpu.enqueue_dma source(%dma_start3A_534 : memref<4x128xi32, #tpu.memory_space<hbm>>) target(%dma_start3A_532 : memref<4x128xi32, #tpu.memory_space<vmem>>) target_semaphore(%arg10 : memref<!tpu.dma_semaphore, #tpu.memory_space<semaphore_mem>>)
    %mul3A_535 = arith.constant 512 : i32
    %mul3A_536 = arith.muli %shift_right_arithmetic3A_6, %mul3A_535 : i32
    %add3A_537 = arith.constant 280 : i32
    %add3A_538 = arith.addi %mul3A_536, %add3A_537 : i32
    %add3A_539 = arith.addi %add3A_538, %mul3A_9 : i32
    %dma_start3A_540 = arith.constant 140 : i32
    %dma_start3A_541 = arith.constant 0 : i32
    %dma_start3A_542 = tpu.memref_slice %arg7[%dma_start3A_540, %dma_start3A_541] : memref<256x128xi32, #tpu.memory_space<vmem>> -> memref<4x128xi32, #tpu.memory_space<vmem>>
    %dma_start3A_543 = arith.constant 0 : i32
    %dma_start3A_544 = tpu.memref_slice %arg3[%add3A_539, %dma_start3A_543] : memref<8192x128xi32, #tpu.memory_space<hbm>> -> memref<4x128xi32, #tpu.memory_space<hbm>>
    %dma_start3A_545 = arith.constant 140 : i32
    %dma_start3A_546 = arith.constant 0 : i32
    %dma_start3A_547 = tpu.memref_slice %arg7[%dma_start3A_545, %dma_start3A_546] : memref<256x128xi32, #tpu.memory_space<vmem>> -> memref<4x128xi32, #tpu.memory_space<vmem>>
    %dma_start3A_548 = arith.constant 0 : i32
    %dma_start3A_549 = tpu.memref_slice %arg3[%add3A_539, %dma_start3A_548] : memref<8192x128xi32, #tpu.memory_space<hbm>> -> memref<4x128xi32, #tpu.memory_space<hbm>>
    tpu.enqueue_dma source(%dma_start3A_549 : memref<4x128xi32, #tpu.memory_space<hbm>>) target(%dma_start3A_547 : memref<4x128xi32, #tpu.memory_space<vmem>>) target_semaphore(%arg10 : memref<!tpu.dma_semaphore, #tpu.memory_space<semaphore_mem>>)
    %mul3A_550 = arith.constant 512 : i32
    %mul3A_551 = arith.muli %shift_right_arithmetic3A_6, %mul3A_550 : i32
    %add3A_552 = arith.constant 288 : i32
    %add3A_553 = arith.addi %mul3A_551, %add3A_552 : i32
    %add3A_554 = arith.addi %add3A_553, %mul3A_9 : i32
    %dma_start3A_555 = arith.constant 144 : i32
    %dma_start3A_556 = arith.constant 0 : i32
    %dma_start3A_557 = tpu.memref_slice %arg7[%dma_start3A_555, %dma_start3A_556] : memref<256x128xi32, #tpu.memory_space<vmem>> -> memref<4x128xi32, #tpu.memory_space<vmem>>
    %dma_start3A_558 = arith.constant 0 : i32
    %dma_start3A_559 = tpu.memref_slice %arg3[%add3A_554, %dma_start3A_558] : memref<8192x128xi32, #tpu.memory_space<hbm>> -> memref<4x128xi32, #tpu.memory_space<hbm>>
    %dma_start3A_560 = arith.constant 144 : i32
    %dma_start3A_561 = arith.constant 0 : i32
    %dma_start3A_562 = tpu.memref_slice %arg7[%dma_start3A_560, %dma_start3A_561] : memref<256x128xi32, #tpu.memory_space<vmem>> -> memref<4x128xi32, #tpu.memory_space<vmem>>
    %dma_start3A_563 = arith.constant 0 : i32
    %dma_start3A_564 = tpu.memref_slice %arg3[%add3A_554, %dma_start3A_563] : memref<8192x128xi32, #tpu.memory_space<hbm>> -> memref<4x128xi32, #tpu.memory_space<hbm>>
    tpu.enqueue_dma source(%dma_start3A_564 : memref<4x128xi32, #tpu.memory_space<hbm>>) target(%dma_start3A_562 : memref<4x128xi32, #tpu.memory_space<vmem>>) target_semaphore(%arg10 : memref<!tpu.dma_semaphore, #tpu.memory_space<semaphore_mem>>)
    %mul3A_565 = arith.constant 512 : i32
    %mul3A_566 = arith.muli %shift_right_arithmetic3A_6, %mul3A_565 : i32
    %add3A_567 = arith.constant 296 : i32
    %add3A_568 = arith.addi %mul3A_566, %add3A_567 : i32
    %add3A_569 = arith.addi %add3A_568, %mul3A_9 : i32
    %dma_start3A_570 = arith.constant 148 : i32
    %dma_start3A_571 = arith.constant 0 : i32
    %dma_start3A_572 = tpu.memref_slice %arg7[%dma_start3A_570, %dma_start3A_571] : memref<256x128xi32, #tpu.memory_space<vmem>> -> memref<4x128xi32, #tpu.memory_space<vmem>>
    %dma_start3A_573 = arith.constant 0 : i32
    %dma_start3A_574 = tpu.memref_slice %arg3[%add3A_569, %dma_start3A_573] : memref<8192x128xi32, #tpu.memory_space<hbm>> -> memref<4x128xi32, #tpu.memory_space<hbm>>
    %dma_start3A_575 = arith.constant 148 : i32
    %dma_start3A_576 = arith.constant 0 : i32
    %dma_start3A_577 = tpu.memref_slice %arg7[%dma_start3A_575, %dma_start3A_576] : memref<256x128xi32, #tpu.memory_space<vmem>> -> memref<4x128xi32, #tpu.memory_space<vmem>>
    %dma_start3A_578 = arith.constant 0 : i32
    %dma_start3A_579 = tpu.memref_slice %arg3[%add3A_569, %dma_start3A_578] : memref<8192x128xi32, #tpu.memory_space<hbm>> -> memref<4x128xi32, #tpu.memory_space<hbm>>
    tpu.enqueue_dma source(%dma_start3A_579 : memref<4x128xi32, #tpu.memory_space<hbm>>) target(%dma_start3A_577 : memref<4x128xi32, #tpu.memory_space<vmem>>) target_semaphore(%arg10 : memref<!tpu.dma_semaphore, #tpu.memory_space<semaphore_mem>>)
    %mul3A_580 = arith.constant 512 : i32
    %mul3A_581 = arith.muli %shift_right_arithmetic3A_6, %mul3A_580 : i32
    %add3A_582 = arith.constant 304 : i32
    %add3A_583 = arith.addi %mul3A_581, %add3A_582 : i32
    %add3A_584 = arith.addi %add3A_583, %mul3A_9 : i32
    %dma_start3A_585 = arith.constant 152 : i32
    %dma_start3A_586 = arith.constant 0 : i32
    %dma_start3A_587 = tpu.memref_slice %arg7[%dma_start3A_585, %dma_start3A_586] : memref<256x128xi32, #tpu.memory_space<vmem>> -> memref<4x128xi32, #tpu.memory_space<vmem>>
    %dma_start3A_588 = arith.constant 0 : i32
    %dma_start3A_589 = tpu.memref_slice %arg3[%add3A_584, %dma_start3A_588] : memref<8192x128xi32, #tpu.memory_space<hbm>> -> memref<4x128xi32, #tpu.memory_space<hbm>>
    %dma_start3A_590 = arith.constant 152 : i32
    %dma_start3A_591 = arith.constant 0 : i32
    %dma_start3A_592 = tpu.memref_slice %arg7[%dma_start3A_590, %dma_start3A_591] : memref<256x128xi32, #tpu.memory_space<vmem>> -> memref<4x128xi32, #tpu.memory_space<vmem>>
    %dma_start3A_593 = arith.constant 0 : i32
    %dma_start3A_594 = tpu.memref_slice %arg3[%add3A_584, %dma_start3A_593] : memref<8192x128xi32, #tpu.memory_space<hbm>> -> memref<4x128xi32, #tpu.memory_space<hbm>>
    tpu.enqueue_dma source(%dma_start3A_594 : memref<4x128xi32, #tpu.memory_space<hbm>>) target(%dma_start3A_592 : memref<4x128xi32, #tpu.memory_space<vmem>>) target_semaphore(%arg10 : memref<!tpu.dma_semaphore, #tpu.memory_space<semaphore_mem>>)
    %mul3A_595 = arith.constant 512 : i32
    %mul3A_596 = arith.muli %shift_right_arithmetic3A_6, %mul3A_595 : i32
    %add3A_597 = arith.constant 312 : i32
    %add3A_598 = arith.addi %mul3A_596, %add3A_597 : i32
    %add3A_599 = arith.addi %add3A_598, %mul3A_9 : i32
    %dma_start3A_600 = arith.constant 156 : i32
    %dma_start3A_601 = arith.constant 0 : i32
    %dma_start3A_602 = tpu.memref_slice %arg7[%dma_start3A_600, %dma_start3A_601] : memref<256x128xi32, #tpu.memory_space<vmem>> -> memref<4x128xi32, #tpu.memory_space<vmem>>
    %dma_start3A_603 = arith.constant 0 : i32
    %dma_start3A_604 = tpu.memref_slice %arg3[%add3A_599, %dma_start3A_603] : memref<8192x128xi32, #tpu.memory_space<hbm>> -> memref<4x128xi32, #tpu.memory_space<hbm>>
    %dma_start3A_605 = arith.constant 156 : i32
    %dma_start3A_606 = arith.constant 0 : i32
    %dma_start3A_607 = tpu.memref_slice %arg7[%dma_start3A_605, %dma_start3A_606] : memref<256x128xi32, #tpu.memory_space<vmem>> -> memref<4x128xi32, #tpu.memory_space<vmem>>
    %dma_start3A_608 = arith.constant 0 : i32
    %dma_start3A_609 = tpu.memref_slice %arg3[%add3A_599, %dma_start3A_608] : memref<8192x128xi32, #tpu.memory_space<hbm>> -> memref<4x128xi32, #tpu.memory_space<hbm>>
    tpu.enqueue_dma source(%dma_start3A_609 : memref<4x128xi32, #tpu.memory_space<hbm>>) target(%dma_start3A_607 : memref<4x128xi32, #tpu.memory_space<vmem>>) target_semaphore(%arg10 : memref<!tpu.dma_semaphore, #tpu.memory_space<semaphore_mem>>)
    %mul3A_610 = arith.constant 512 : i32
    %mul3A_611 = arith.muli %shift_right_arithmetic3A_6, %mul3A_610 : i32
    %add3A_612 = arith.constant 320 : i32
    %add3A_613 = arith.addi %mul3A_611, %add3A_612 : i32
    %add3A_614 = arith.addi %add3A_613, %mul3A_9 : i32
    %dma_start3A_615 = arith.constant 160 : i32
    %dma_start3A_616 = arith.constant 0 : i32
    %dma_start3A_617 = tpu.memref_slice %arg7[%dma_start3A_615, %dma_start3A_616] : memref<256x128xi32, #tpu.memory_space<vmem>> -> memref<4x128xi32, #tpu.memory_space<vmem>>
    %dma_start3A_618 = arith.constant 0 : i32
    %dma_start3A_619 = tpu.memref_slice %arg3[%add3A_614, %dma_start3A_618] : memref<8192x128xi32, #tpu.memory_space<hbm>> -> memref<4x128xi32, #tpu.memory_space<hbm>>
    %dma_start3A_620 = arith.constant 160 : i32
    %dma_start3A_621 = arith.constant 0 : i32
    %dma_start3A_622 = tpu.memref_slice %arg7[%dma_start3A_620, %dma_start3A_621] : memref<256x128xi32, #tpu.memory_space<vmem>> -> memref<4x128xi32, #tpu.memory_space<vmem>>
    %dma_start3A_623 = arith.constant 0 : i32
    %dma_start3A_624 = tpu.memref_slice %arg3[%add3A_614, %dma_start3A_623] : memref<8192x128xi32, #tpu.memory_space<hbm>> -> memref<4x128xi32, #tpu.memory_space<hbm>>
    tpu.enqueue_dma source(%dma_start3A_624 : memref<4x128xi32, #tpu.memory_space<hbm>>) target(%dma_start3A_622 : memref<4x128xi32, #tpu.memory_space<vmem>>) target_semaphore(%arg10 : memref<!tpu.dma_semaphore, #tpu.memory_space<semaphore_mem>>)
    %mul3A_625 = arith.constant 512 : i32
    %mul3A_626 = arith.muli %shift_right_arithmetic3A_6, %mul3A_625 : i32
    %add3A_627 = arith.constant 328 : i32
    %add3A_628 = arith.addi %mul3A_626, %add3A_627 : i32
    %add3A_629 = arith.addi %add3A_628, %mul3A_9 : i32
    %dma_start3A_630 = arith.constant 164 : i32
    %dma_start3A_631 = arith.constant 0 : i32
    %dma_start3A_632 = tpu.memref_slice %arg7[%dma_start3A_630, %dma_start3A_631] : memref<256x128xi32, #tpu.memory_space<vmem>> -> memref<4x128xi32, #tpu.memory_space<vmem>>
    %dma_start3A_633 = arith.constant 0 : i32
    %dma_start3A_634 = tpu.memref_slice %arg3[%add3A_629, %dma_start3A_633] : memref<8192x128xi32, #tpu.memory_space<hbm>> -> memref<4x128xi32, #tpu.memory_space<hbm>>
    %dma_start3A_635 = arith.constant 164 : i32
    %dma_start3A_636 = arith.constant 0 : i32
    %dma_start3A_637 = tpu.memref_slice %arg7[%dma_start3A_635, %dma_start3A_636] : memref<256x128xi32, #tpu.memory_space<vmem>> -> memref<4x128xi32, #tpu.memory_space<vmem>>
    %dma_start3A_638 = arith.constant 0 : i32
    %dma_start3A_639 = tpu.memref_slice %arg3[%add3A_629, %dma_start3A_638] : memref<8192x128xi32, #tpu.memory_space<hbm>> -> memref<4x128xi32, #tpu.memory_space<hbm>>
    tpu.enqueue_dma source(%dma_start3A_639 : memref<4x128xi32, #tpu.memory_space<hbm>>) target(%dma_start3A_637 : memref<4x128xi32, #tpu.memory_space<vmem>>) target_semaphore(%arg10 : memref<!tpu.dma_semaphore, #tpu.memory_space<semaphore_mem>>)
    %mul3A_640 = arith.constant 512 : i32
    %mul3A_641 = arith.muli %shift_right_arithmetic3A_6, %mul3A_640 : i32
    %add3A_642 = arith.constant 336 : i32
    %add3A_643 = arith.addi %mul3A_641, %add3A_642 : i32
    %add3A_644 = arith.addi %add3A_643, %mul3A_9 : i32
    %dma_start3A_645 = arith.constant 168 : i32
    %dma_start3A_646 = arith.constant 0 : i32
    %dma_start3A_647 = tpu.memref_slice %arg7[%dma_start3A_645, %dma_start3A_646] : memref<256x128xi32, #tpu.memory_space<vmem>> -> memref<4x128xi32, #tpu.memory_space<vmem>>
    %dma_start3A_648 = arith.constant 0 : i32
    %dma_start3A_649 = tpu.memref_slice %arg3[%add3A_644, %dma_start3A_648] : memref<8192x128xi32, #tpu.memory_space<hbm>> -> memref<4x128xi32, #tpu.memory_space<hbm>>
    %dma_start3A_650 = arith.constant 168 : i32
    %dma_start3A_651 = arith.constant 0 : i32
    %dma_start3A_652 = tpu.memref_slice %arg7[%dma_start3A_650, %dma_start3A_651] : memref<256x128xi32, #tpu.memory_space<vmem>> -> memref<4x128xi32, #tpu.memory_space<vmem>>
    %dma_start3A_653 = arith.constant 0 : i32
    %dma_start3A_654 = tpu.memref_slice %arg3[%add3A_644, %dma_start3A_653] : memref<8192x128xi32, #tpu.memory_space<hbm>> -> memref<4x128xi32, #tpu.memory_space<hbm>>
    tpu.enqueue_dma source(%dma_start3A_654 : memref<4x128xi32, #tpu.memory_space<hbm>>) target(%dma_start3A_652 : memref<4x128xi32, #tpu.memory_space<vmem>>) target_semaphore(%arg10 : memref<!tpu.dma_semaphore, #tpu.memory_space<semaphore_mem>>)
    %mul3A_655 = arith.constant 512 : i32
    %mul3A_656 = arith.muli %shift_right_arithmetic3A_6, %mul3A_655 : i32
    %add3A_657 = arith.constant 344 : i32
    %add3A_658 = arith.addi %mul3A_656, %add3A_657 : i32
    %add3A_659 = arith.addi %add3A_658, %mul3A_9 : i32
    %dma_start3A_660 = arith.constant 172 : i32
    %dma_start3A_661 = arith.constant 0 : i32
    %dma_start3A_662 = tpu.memref_slice %arg7[%dma_start3A_660, %dma_start3A_661] : memref<256x128xi32, #tpu.memory_space<vmem>> -> memref<4x128xi32, #tpu.memory_space<vmem>>
    %dma_start3A_663 = arith.constant 0 : i32
    %dma_start3A_664 = tpu.memref_slice %arg3[%add3A_659, %dma_start3A_663] : memref<8192x128xi32, #tpu.memory_space<hbm>> -> memref<4x128xi32, #tpu.memory_space<hbm>>
    %dma_start3A_665 = arith.constant 172 : i32
    %dma_start3A_666 = arith.constant 0 : i32
    %dma_start3A_667 = tpu.memref_slice %arg7[%dma_start3A_665, %dma_start3A_666] : memref<256x128xi32, #tpu.memory_space<vmem>> -> memref<4x128xi32, #tpu.memory_space<vmem>>
    %dma_start3A_668 = arith.constant 0 : i32
    %dma_start3A_669 = tpu.memref_slice %arg3[%add3A_659, %dma_start3A_668] : memref<8192x128xi32, #tpu.memory_space<hbm>> -> memref<4x128xi32, #tpu.memory_space<hbm>>
    tpu.enqueue_dma source(%dma_start3A_669 : memref<4x128xi32, #tpu.memory_space<hbm>>) target(%dma_start3A_667 : memref<4x128xi32, #tpu.memory_space<vmem>>) target_semaphore(%arg10 : memref<!tpu.dma_semaphore, #tpu.memory_space<semaphore_mem>>)
    %mul3A_670 = arith.constant 512 : i32
    %mul3A_671 = arith.muli %shift_right_arithmetic3A_6, %mul3A_670 : i32
    %add3A_672 = arith.constant 352 : i32
    %add3A_673 = arith.addi %mul3A_671, %add3A_672 : i32
    %add3A_674 = arith.addi %add3A_673, %mul3A_9 : i32
    %dma_start3A_675 = arith.constant 176 : i32
    %dma_start3A_676 = arith.constant 0 : i32
    %dma_start3A_677 = tpu.memref_slice %arg7[%dma_start3A_675, %dma_start3A_676] : memref<256x128xi32, #tpu.memory_space<vmem>> -> memref<4x128xi32, #tpu.memory_space<vmem>>
    %dma_start3A_678 = arith.constant 0 : i32
    %dma_start3A_679 = tpu.memref_slice %arg3[%add3A_674, %dma_start3A_678] : memref<8192x128xi32, #tpu.memory_space<hbm>> -> memref<4x128xi32, #tpu.memory_space<hbm>>
    %dma_start3A_680 = arith.constant 176 : i32
    %dma_start3A_681 = arith.constant 0 : i32
    %dma_start3A_682 = tpu.memref_slice %arg7[%dma_start3A_680, %dma_start3A_681] : memref<256x128xi32, #tpu.memory_space<vmem>> -> memref<4x128xi32, #tpu.memory_space<vmem>>
    %dma_start3A_683 = arith.constant 0 : i32
    %dma_start3A_684 = tpu.memref_slice %arg3[%add3A_674, %dma_start3A_683] : memref<8192x128xi32, #tpu.memory_space<hbm>> -> memref<4x128xi32, #tpu.memory_space<hbm>>
    tpu.enqueue_dma source(%dma_start3A_684 : memref<4x128xi32, #tpu.memory_space<hbm>>) target(%dma_start3A_682 : memref<4x128xi32, #tpu.memory_space<vmem>>) target_semaphore(%arg10 : memref<!tpu.dma_semaphore, #tpu.memory_space<semaphore_mem>>)
    %mul3A_685 = arith.constant 512 : i32
    %mul3A_686 = arith.muli %shift_right_arithmetic3A_6, %mul3A_685 : i32
    %add3A_687 = arith.constant 360 : i32
    %add3A_688 = arith.addi %mul3A_686, %add3A_687 : i32
    %add3A_689 = arith.addi %add3A_688, %mul3A_9 : i32
    %dma_start3A_690 = arith.constant 180 : i32
    %dma_start3A_691 = arith.constant 0 : i32
    %dma_start3A_692 = tpu.memref_slice %arg7[%dma_start3A_690, %dma_start3A_691] : memref<256x128xi32, #tpu.memory_space<vmem>> -> memref<4x128xi32, #tpu.memory_space<vmem>>
    %dma_start3A_693 = arith.constant 0 : i32
    %dma_start3A_694 = tpu.memref_slice %arg3[%add3A_689, %dma_start3A_693] : memref<8192x128xi32, #tpu.memory_space<hbm>> -> memref<4x128xi32, #tpu.memory_space<hbm>>
    %dma_start3A_695 = arith.constant 180 : i32
    %dma_start3A_696 = arith.constant 0 : i32
    %dma_start3A_697 = tpu.memref_slice %arg7[%dma_start3A_695, %dma_start3A_696] : memref<256x128xi32, #tpu.memory_space<vmem>> -> memref<4x128xi32, #tpu.memory_space<vmem>>
    %dma_start3A_698 = arith.constant 0 : i32
    %dma_start3A_699 = tpu.memref_slice %arg3[%add3A_689, %dma_start3A_698] : memref<8192x128xi32, #tpu.memory_space<hbm>> -> memref<4x128xi32, #tpu.memory_space<hbm>>
    tpu.enqueue_dma source(%dma_start3A_699 : memref<4x128xi32, #tpu.memory_space<hbm>>) target(%dma_start3A_697 : memref<4x128xi32, #tpu.memory_space<vmem>>) target_semaphore(%arg10 : memref<!tpu.dma_semaphore, #tpu.memory_space<semaphore_mem>>)
    %mul3A_700 = arith.constant 512 : i32
    %mul3A_701 = arith.muli %shift_right_arithmetic3A_6, %mul3A_700 : i32
    %add3A_702 = arith.constant 368 : i32
    %add3A_703 = arith.addi %mul3A_701, %add3A_702 : i32
    %add3A_704 = arith.addi %add3A_703, %mul3A_9 : i32
    %dma_start3A_705 = arith.constant 184 : i32
    %dma_start3A_706 = arith.constant 0 : i32
    %dma_start3A_707 = tpu.memref_slice %arg7[%dma_start3A_705, %dma_start3A_706] : memref<256x128xi32, #tpu.memory_space<vmem>> -> memref<4x128xi32, #tpu.memory_space<vmem>>
    %dma_start3A_708 = arith.constant 0 : i32
    %dma_start3A_709 = tpu.memref_slice %arg3[%add3A_704, %dma_start3A_708] : memref<8192x128xi32, #tpu.memory_space<hbm>> -> memref<4x128xi32, #tpu.memory_space<hbm>>
    %dma_start3A_710 = arith.constant 184 : i32
    %dma_start3A_711 = arith.constant 0 : i32
    %dma_start3A_712 = tpu.memref_slice %arg7[%dma_start3A_710, %dma_start3A_711] : memref<256x128xi32, #tpu.memory_space<vmem>> -> memref<4x128xi32, #tpu.memory_space<vmem>>
    %dma_start3A_713 = arith.constant 0 : i32
    %dma_start3A_714 = tpu.memref_slice %arg3[%add3A_704, %dma_start3A_713] : memref<8192x128xi32, #tpu.memory_space<hbm>> -> memref<4x128xi32, #tpu.memory_space<hbm>>
    tpu.enqueue_dma source(%dma_start3A_714 : memref<4x128xi32, #tpu.memory_space<hbm>>) target(%dma_start3A_712 : memref<4x128xi32, #tpu.memory_space<vmem>>) target_semaphore(%arg10 : memref<!tpu.dma_semaphore, #tpu.memory_space<semaphore_mem>>)
    %mul3A_715 = arith.constant 512 : i32
    %mul3A_716 = arith.muli %shift_right_arithmetic3A_6, %mul3A_715 : i32
    %add3A_717 = arith.constant 376 : i32
    %add3A_718 = arith.addi %mul3A_716, %add3A_717 : i32
    %add3A_719 = arith.addi %add3A_718, %mul3A_9 : i32
    %dma_start3A_720 = arith.constant 188 : i32
    %dma_start3A_721 = arith.constant 0 : i32
    %dma_start3A_722 = tpu.memref_slice %arg7[%dma_start3A_720, %dma_start3A_721] : memref<256x128xi32, #tpu.memory_space<vmem>> -> memref<4x128xi32, #tpu.memory_space<vmem>>
    %dma_start3A_723 = arith.constant 0 : i32
    %dma_start3A_724 = tpu.memref_slice %arg3[%add3A_719, %dma_start3A_723] : memref<8192x128xi32, #tpu.memory_space<hbm>> -> memref<4x128xi32, #tpu.memory_space<hbm>>
    %dma_start3A_725 = arith.constant 188 : i32
    %dma_start3A_726 = arith.constant 0 : i32
    %dma_start3A_727 = tpu.memref_slice %arg7[%dma_start3A_725, %dma_start3A_726] : memref<256x128xi32, #tpu.memory_space<vmem>> -> memref<4x128xi32, #tpu.memory_space<vmem>>
    %dma_start3A_728 = arith.constant 0 : i32
    %dma_start3A_729 = tpu.memref_slice %arg3[%add3A_719, %dma_start3A_728] : memref<8192x128xi32, #tpu.memory_space<hbm>> -> memref<4x128xi32, #tpu.memory_space<hbm>>
    tpu.enqueue_dma source(%dma_start3A_729 : memref<4x128xi32, #tpu.memory_space<hbm>>) target(%dma_start3A_727 : memref<4x128xi32, #tpu.memory_space<vmem>>) target_semaphore(%arg10 : memref<!tpu.dma_semaphore, #tpu.memory_space<semaphore_mem>>)
    %mul3A_730 = arith.constant 512 : i32
    %mul3A_731 = arith.muli %shift_right_arithmetic3A_6, %mul3A_730 : i32
    %add3A_732 = arith.constant 384 : i32
    %add3A_733 = arith.addi %mul3A_731, %add3A_732 : i32
    %add3A_734 = arith.addi %add3A_733, %mul3A_9 : i32
    %dma_start3A_735 = arith.constant 192 : i32
    %dma_start3A_736 = arith.constant 0 : i32
    %dma_start3A_737 = tpu.memref_slice %arg7[%dma_start3A_735, %dma_start3A_736] : memref<256x128xi32, #tpu.memory_space<vmem>> -> memref<4x128xi32, #tpu.memory_space<vmem>>
    %dma_start3A_738 = arith.constant 0 : i32
    %dma_start3A_739 = tpu.memref_slice %arg3[%add3A_734, %dma_start3A_738] : memref<8192x128xi32, #tpu.memory_space<hbm>> -> memref<4x128xi32, #tpu.memory_space<hbm>>
    %dma_start3A_740 = arith.constant 192 : i32
    %dma_start3A_741 = arith.constant 0 : i32
    %dma_start3A_742 = tpu.memref_slice %arg7[%dma_start3A_740, %dma_start3A_741] : memref<256x128xi32, #tpu.memory_space<vmem>> -> memref<4x128xi32, #tpu.memory_space<vmem>>
    %dma_start3A_743 = arith.constant 0 : i32
    %dma_start3A_744 = tpu.memref_slice %arg3[%add3A_734, %dma_start3A_743] : memref<8192x128xi32, #tpu.memory_space<hbm>> -> memref<4x128xi32, #tpu.memory_space<hbm>>
    tpu.enqueue_dma source(%dma_start3A_744 : memref<4x128xi32, #tpu.memory_space<hbm>>) target(%dma_start3A_742 : memref<4x128xi32, #tpu.memory_space<vmem>>) target_semaphore(%arg10 : memref<!tpu.dma_semaphore, #tpu.memory_space<semaphore_mem>>)
    %mul3A_745 = arith.constant 512 : i32
    %mul3A_746 = arith.muli %shift_right_arithmetic3A_6, %mul3A_745 : i32
    %add3A_747 = arith.constant 392 : i32
    %add3A_748 = arith.addi %mul3A_746, %add3A_747 : i32
    %add3A_749 = arith.addi %add3A_748, %mul3A_9 : i32
    %dma_start3A_750 = arith.constant 196 : i32
    %dma_start3A_751 = arith.constant 0 : i32
    %dma_start3A_752 = tpu.memref_slice %arg7[%dma_start3A_750, %dma_start3A_751] : memref<256x128xi32, #tpu.memory_space<vmem>> -> memref<4x128xi32, #tpu.memory_space<vmem>>
    %dma_start3A_753 = arith.constant 0 : i32
    %dma_start3A_754 = tpu.memref_slice %arg3[%add3A_749, %dma_start3A_753] : memref<8192x128xi32, #tpu.memory_space<hbm>> -> memref<4x128xi32, #tpu.memory_space<hbm>>
    %dma_start3A_755 = arith.constant 196 : i32
    %dma_start3A_756 = arith.constant 0 : i32
    %dma_start3A_757 = tpu.memref_slice %arg7[%dma_start3A_755, %dma_start3A_756] : memref<256x128xi32, #tpu.memory_space<vmem>> -> memref<4x128xi32, #tpu.memory_space<vmem>>
    %dma_start3A_758 = arith.constant 0 : i32
    %dma_start3A_759 = tpu.memref_slice %arg3[%add3A_749, %dma_start3A_758] : memref<8192x128xi32, #tpu.memory_space<hbm>> -> memref<4x128xi32, #tpu.memory_space<hbm>>
    tpu.enqueue_dma source(%dma_start3A_759 : memref<4x128xi32, #tpu.memory_space<hbm>>) target(%dma_start3A_757 : memref<4x128xi32, #tpu.memory_space<vmem>>) target_semaphore(%arg10 : memref<!tpu.dma_semaphore, #tpu.memory_space<semaphore_mem>>)
    %mul3A_760 = arith.constant 512 : i32
    %mul3A_761 = arith.muli %shift_right_arithmetic3A_6, %mul3A_760 : i32
    %add3A_762 = arith.constant 400 : i32
    %add3A_763 = arith.addi %mul3A_761, %add3A_762 : i32
    %add3A_764 = arith.addi %add3A_763, %mul3A_9 : i32
    %dma_start3A_765 = arith.constant 200 : i32
    %dma_start3A_766 = arith.constant 0 : i32
    %dma_start3A_767 = tpu.memref_slice %arg7[%dma_start3A_765, %dma_start3A_766] : memref<256x128xi32, #tpu.memory_space<vmem>> -> memref<4x128xi32, #tpu.memory_space<vmem>>
    %dma_start3A_768 = arith.constant 0 : i32
    %dma_start3A_769 = tpu.memref_slice %arg3[%add3A_764, %dma_start3A_768] : memref<8192x128xi32, #tpu.memory_space<hbm>> -> memref<4x128xi32, #tpu.memory_space<hbm>>
    %dma_start3A_770 = arith.constant 200 : i32
    %dma_start3A_771 = arith.constant 0 : i32
    %dma_start3A_772 = tpu.memref_slice %arg7[%dma_start3A_770, %dma_start3A_771] : memref<256x128xi32, #tpu.memory_space<vmem>> -> memref<4x128xi32, #tpu.memory_space<vmem>>
    %dma_start3A_773 = arith.constant 0 : i32
    %dma_start3A_774 = tpu.memref_slice %arg3[%add3A_764, %dma_start3A_773] : memref<8192x128xi32, #tpu.memory_space<hbm>> -> memref<4x128xi32, #tpu.memory_space<hbm>>
    tpu.enqueue_dma source(%dma_start3A_774 : memref<4x128xi32, #tpu.memory_space<hbm>>) target(%dma_start3A_772 : memref<4x128xi32, #tpu.memory_space<vmem>>) target_semaphore(%arg10 : memref<!tpu.dma_semaphore, #tpu.memory_space<semaphore_mem>>)
    %mul3A_775 = arith.constant 512 : i32
    %mul3A_776 = arith.muli %shift_right_arithmetic3A_6, %mul3A_775 : i32
    %add3A_777 = arith.constant 408 : i32
    %add3A_778 = arith.addi %mul3A_776, %add3A_777 : i32
    %add3A_779 = arith.addi %add3A_778, %mul3A_9 : i32
    %dma_start3A_780 = arith.constant 204 : i32
    %dma_start3A_781 = arith.constant 0 : i32
    %dma_start3A_782 = tpu.memref_slice %arg7[%dma_start3A_780, %dma_start3A_781] : memref<256x128xi32, #tpu.memory_space<vmem>> -> memref<4x128xi32, #tpu.memory_space<vmem>>
    %dma_start3A_783 = arith.constant 0 : i32
    %dma_start3A_784 = tpu.memref_slice %arg3[%add3A_779, %dma_start3A_783] : memref<8192x128xi32, #tpu.memory_space<hbm>> -> memref<4x128xi32, #tpu.memory_space<hbm>>
    %dma_start3A_785 = arith.constant 204 : i32
    %dma_start3A_786 = arith.constant 0 : i32
    %dma_start3A_787 = tpu.memref_slice %arg7[%dma_start3A_785, %dma_start3A_786] : memref<256x128xi32, #tpu.memory_space<vmem>> -> memref<4x128xi32, #tpu.memory_space<vmem>>
    %dma_start3A_788 = arith.constant 0 : i32
    %dma_start3A_789 = tpu.memref_slice %arg3[%add3A_779, %dma_start3A_788] : memref<8192x128xi32, #tpu.memory_space<hbm>> -> memref<4x128xi32, #tpu.memory_space<hbm>>
    tpu.enqueue_dma source(%dma_start3A_789 : memref<4x128xi32, #tpu.memory_space<hbm>>) target(%dma_start3A_787 : memref<4x128xi32, #tpu.memory_space<vmem>>) target_semaphore(%arg10 : memref<!tpu.dma_semaphore, #tpu.memory_space<semaphore_mem>>)
    %mul3A_790 = arith.constant 512 : i32
    %mul3A_791 = arith.muli %shift_right_arithmetic3A_6, %mul3A_790 : i32
    %add3A_792 = arith.constant 416 : i32
    %add3A_793 = arith.addi %mul3A_791, %add3A_792 : i32
    %add3A_794 = arith.addi %add3A_793, %mul3A_9 : i32
    %dma_start3A_795 = arith.constant 208 : i32
    %dma_start3A_796 = arith.constant 0 : i32
    %dma_start3A_797 = tpu.memref_slice %arg7[%dma_start3A_795, %dma_start3A_796] : memref<256x128xi32, #tpu.memory_space<vmem>> -> memref<4x128xi32, #tpu.memory_space<vmem>>
    %dma_start3A_798 = arith.constant 0 : i32
    %dma_start3A_799 = tpu.memref_slice %arg3[%add3A_794, %dma_start3A_798] : memref<8192x128xi32, #tpu.memory_space<hbm>> -> memref<4x128xi32, #tpu.memory_space<hbm>>
    %dma_start3A_800 = arith.constant 208 : i32
    %dma_start3A_801 = arith.constant 0 : i32
    %dma_start3A_802 = tpu.memref_slice %arg7[%dma_start3A_800, %dma_start3A_801] : memref<256x128xi32, #tpu.memory_space<vmem>> -> memref<4x128xi32, #tpu.memory_space<vmem>>
    %dma_start3A_803 = arith.constant 0 : i32
    %dma_start3A_804 = tpu.memref_slice %arg3[%add3A_794, %dma_start3A_803] : memref<8192x128xi32, #tpu.memory_space<hbm>> -> memref<4x128xi32, #tpu.memory_space<hbm>>
    tpu.enqueue_dma source(%dma_start3A_804 : memref<4x128xi32, #tpu.memory_space<hbm>>) target(%dma_start3A_802 : memref<4x128xi32, #tpu.memory_space<vmem>>) target_semaphore(%arg10 : memref<!tpu.dma_semaphore, #tpu.memory_space<semaphore_mem>>)
    %mul3A_805 = arith.constant 512 : i32
    %mul3A_806 = arith.muli %shift_right_arithmetic3A_6, %mul3A_805 : i32
    %add3A_807 = arith.constant 424 : i32
    %add3A_808 = arith.addi %mul3A_806, %add3A_807 : i32
    %add3A_809 = arith.addi %add3A_808, %mul3A_9 : i32
    %dma_start3A_810 = arith.constant 212 : i32
    %dma_start3A_811 = arith.constant 0 : i32
    %dma_start3A_812 = tpu.memref_slice %arg7[%dma_start3A_810, %dma_start3A_811] : memref<256x128xi32, #tpu.memory_space<vmem>> -> memref<4x128xi32, #tpu.memory_space<vmem>>
    %dma_start3A_813 = arith.constant 0 : i32
    %dma_start3A_814 = tpu.memref_slice %arg3[%add3A_809, %dma_start3A_813] : memref<8192x128xi32, #tpu.memory_space<hbm>> -> memref<4x128xi32, #tpu.memory_space<hbm>>
    %dma_start3A_815 = arith.constant 212 : i32
    %dma_start3A_816 = arith.constant 0 : i32
    %dma_start3A_817 = tpu.memref_slice %arg7[%dma_start3A_815, %dma_start3A_816] : memref<256x128xi32, #tpu.memory_space<vmem>> -> memref<4x128xi32, #tpu.memory_space<vmem>>
    %dma_start3A_818 = arith.constant 0 : i32
    %dma_start3A_819 = tpu.memref_slice %arg3[%add3A_809, %dma_start3A_818] : memref<8192x128xi32, #tpu.memory_space<hbm>> -> memref<4x128xi32, #tpu.memory_space<hbm>>
    tpu.enqueue_dma source(%dma_start3A_819 : memref<4x128xi32, #tpu.memory_space<hbm>>) target(%dma_start3A_817 : memref<4x128xi32, #tpu.memory_space<vmem>>) target_semaphore(%arg10 : memref<!tpu.dma_semaphore, #tpu.memory_space<semaphore_mem>>)
    %mul3A_820 = arith.constant 512 : i32
    %mul3A_821 = arith.muli %shift_right_arithmetic3A_6, %mul3A_820 : i32
    %add3A_822 = arith.constant 432 : i32
    %add3A_823 = arith.addi %mul3A_821, %add3A_822 : i32
    %add3A_824 = arith.addi %add3A_823, %mul3A_9 : i32
    %dma_start3A_825 = arith.constant 216 : i32
    %dma_start3A_826 = arith.constant 0 : i32
    %dma_start3A_827 = tpu.memref_slice %arg7[%dma_start3A_825, %dma_start3A_826] : memref<256x128xi32, #tpu.memory_space<vmem>> -> memref<4x128xi32, #tpu.memory_space<vmem>>
    %dma_start3A_828 = arith.constant 0 : i32
    %dma_start3A_829 = tpu.memref_slice %arg3[%add3A_824, %dma_start3A_828] : memref<8192x128xi32, #tpu.memory_space<hbm>> -> memref<4x128xi32, #tpu.memory_space<hbm>>
    %dma_start3A_830 = arith.constant 216 : i32
    %dma_start3A_831 = arith.constant 0 : i32
    %dma_start3A_832 = tpu.memref_slice %arg7[%dma_start3A_830, %dma_start3A_831] : memref<256x128xi32, #tpu.memory_space<vmem>> -> memref<4x128xi32, #tpu.memory_space<vmem>>
    %dma_start3A_833 = arith.constant 0 : i32
    %dma_start3A_834 = tpu.memref_slice %arg3[%add3A_824, %dma_start3A_833] : memref<8192x128xi32, #tpu.memory_space<hbm>> -> memref<4x128xi32, #tpu.memory_space<hbm>>
    tpu.enqueue_dma source(%dma_start3A_834 : memref<4x128xi32, #tpu.memory_space<hbm>>) target(%dma_start3A_832 : memref<4x128xi32, #tpu.memory_space<vmem>>) target_semaphore(%arg10 : memref<!tpu.dma_semaphore, #tpu.memory_space<semaphore_mem>>)
    %mul3A_835 = arith.constant 512 : i32
    %mul3A_836 = arith.muli %shift_right_arithmetic3A_6, %mul3A_835 : i32
    %add3A_837 = arith.constant 440 : i32
    %add3A_838 = arith.addi %mul3A_836, %add3A_837 : i32
    %add3A_839 = arith.addi %add3A_838, %mul3A_9 : i32
    %dma_start3A_840 = arith.constant 220 : i32
    %dma_start3A_841 = arith.constant 0 : i32
    %dma_start3A_842 = tpu.memref_slice %arg7[%dma_start3A_840, %dma_start3A_841] : memref<256x128xi32, #tpu.memory_space<vmem>> -> memref<4x128xi32, #tpu.memory_space<vmem>>
    %dma_start3A_843 = arith.constant 0 : i32
    %dma_start3A_844 = tpu.memref_slice %arg3[%add3A_839, %dma_start3A_843] : memref<8192x128xi32, #tpu.memory_space<hbm>> -> memref<4x128xi32, #tpu.memory_space<hbm>>
    %dma_start3A_845 = arith.constant 220 : i32
    %dma_start3A_846 = arith.constant 0 : i32
    %dma_start3A_847 = tpu.memref_slice %arg7[%dma_start3A_845, %dma_start3A_846] : memref<256x128xi32, #tpu.memory_space<vmem>> -> memref<4x128xi32, #tpu.memory_space<vmem>>
    %dma_start3A_848 = arith.constant 0 : i32
    %dma_start3A_849 = tpu.memref_slice %arg3[%add3A_839, %dma_start3A_848] : memref<8192x128xi32, #tpu.memory_space<hbm>> -> memref<4x128xi32, #tpu.memory_space<hbm>>
    tpu.enqueue_dma source(%dma_start3A_849 : memref<4x128xi32, #tpu.memory_space<hbm>>) target(%dma_start3A_847 : memref<4x128xi32, #tpu.memory_space<vmem>>) target_semaphore(%arg10 : memref<!tpu.dma_semaphore, #tpu.memory_space<semaphore_mem>>)
    %mul3A_850 = arith.constant 512 : i32
    %mul3A_851 = arith.muli %shift_right_arithmetic3A_6, %mul3A_850 : i32
    %add3A_852 = arith.constant 448 : i32
    %add3A_853 = arith.addi %mul3A_851, %add3A_852 : i32
    %add3A_854 = arith.addi %add3A_853, %mul3A_9 : i32
    %dma_start3A_855 = arith.constant 224 : i32
    %dma_start3A_856 = arith.constant 0 : i32
    %dma_start3A_857 = tpu.memref_slice %arg7[%dma_start3A_855, %dma_start3A_856] : memref<256x128xi32, #tpu.memory_space<vmem>> -> memref<4x128xi32, #tpu.memory_space<vmem>>
    %dma_start3A_858 = arith.constant 0 : i32
    %dma_start3A_859 = tpu.memref_slice %arg3[%add3A_854, %dma_start3A_858] : memref<8192x128xi32, #tpu.memory_space<hbm>> -> memref<4x128xi32, #tpu.memory_space<hbm>>
    %dma_start3A_860 = arith.constant 224 : i32
    %dma_start3A_861 = arith.constant 0 : i32
    %dma_start3A_862 = tpu.memref_slice %arg7[%dma_start3A_860, %dma_start3A_861] : memref<256x128xi32, #tpu.memory_space<vmem>> -> memref<4x128xi32, #tpu.memory_space<vmem>>
    %dma_start3A_863 = arith.constant 0 : i32
    %dma_start3A_864 = tpu.memref_slice %arg3[%add3A_854, %dma_start3A_863] : memref<8192x128xi32, #tpu.memory_space<hbm>> -> memref<4x128xi32, #tpu.memory_space<hbm>>
    tpu.enqueue_dma source(%dma_start3A_864 : memref<4x128xi32, #tpu.memory_space<hbm>>) target(%dma_start3A_862 : memref<4x128xi32, #tpu.memory_space<vmem>>) target_semaphore(%arg10 : memref<!tpu.dma_semaphore, #tpu.memory_space<semaphore_mem>>)
    %mul3A_865 = arith.constant 512 : i32
    %mul3A_866 = arith.muli %shift_right_arithmetic3A_6, %mul3A_865 : i32
    %add3A_867 = arith.constant 456 : i32
    %add3A_868 = arith.addi %mul3A_866, %add3A_867 : i32
    %add3A_869 = arith.addi %add3A_868, %mul3A_9 : i32
    %dma_start3A_870 = arith.constant 228 : i32
    %dma_start3A_871 = arith.constant 0 : i32
    %dma_start3A_872 = tpu.memref_slice %arg7[%dma_start3A_870, %dma_start3A_871] : memref<256x128xi32, #tpu.memory_space<vmem>> -> memref<4x128xi32, #tpu.memory_space<vmem>>
    %dma_start3A_873 = arith.constant 0 : i32
    %dma_start3A_874 = tpu.memref_slice %arg3[%add3A_869, %dma_start3A_873] : memref<8192x128xi32, #tpu.memory_space<hbm>> -> memref<4x128xi32, #tpu.memory_space<hbm>>
    %dma_start3A_875 = arith.constant 228 : i32
    %dma_start3A_876 = arith.constant 0 : i32
    %dma_start3A_877 = tpu.memref_slice %arg7[%dma_start3A_875, %dma_start3A_876] : memref<256x128xi32, #tpu.memory_space<vmem>> -> memref<4x128xi32, #tpu.memory_space<vmem>>
    %dma_start3A_878 = arith.constant 0 : i32
    %dma_start3A_879 = tpu.memref_slice %arg3[%add3A_869, %dma_start3A_878] : memref<8192x128xi32, #tpu.memory_space<hbm>> -> memref<4x128xi32, #tpu.memory_space<hbm>>
    tpu.enqueue_dma source(%dma_start3A_879 : memref<4x128xi32, #tpu.memory_space<hbm>>) target(%dma_start3A_877 : memref<4x128xi32, #tpu.memory_space<vmem>>) target_semaphore(%arg10 : memref<!tpu.dma_semaphore, #tpu.memory_space<semaphore_mem>>)
    %mul3A_880 = arith.constant 512 : i32
    %mul3A_881 = arith.muli %shift_right_arithmetic3A_6, %mul3A_880 : i32
    %add3A_882 = arith.constant 464 : i32
    %add3A_883 = arith.addi %mul3A_881, %add3A_882 : i32
    %add3A_884 = arith.addi %add3A_883, %mul3A_9 : i32
    %dma_start3A_885 = arith.constant 232 : i32
    %dma_start3A_886 = arith.constant 0 : i32
    %dma_start3A_887 = tpu.memref_slice %arg7[%dma_start3A_885, %dma_start3A_886] : memref<256x128xi32, #tpu.memory_space<vmem>> -> memref<4x128xi32, #tpu.memory_space<vmem>>
    %dma_start3A_888 = arith.constant 0 : i32
    %dma_start3A_889 = tpu.memref_slice %arg3[%add3A_884, %dma_start3A_888] : memref<8192x128xi32, #tpu.memory_space<hbm>> -> memref<4x128xi32, #tpu.memory_space<hbm>>
    %dma_start3A_890 = arith.constant 232 : i32
    %dma_start3A_891 = arith.constant 0 : i32
    %dma_start3A_892 = tpu.memref_slice %arg7[%dma_start3A_890, %dma_start3A_891] : memref<256x128xi32, #tpu.memory_space<vmem>> -> memref<4x128xi32, #tpu.memory_space<vmem>>
    %dma_start3A_893 = arith.constant 0 : i32
    %dma_start3A_894 = tpu.memref_slice %arg3[%add3A_884, %dma_start3A_893] : memref<8192x128xi32, #tpu.memory_space<hbm>> -> memref<4x128xi32, #tpu.memory_space<hbm>>
    tpu.enqueue_dma source(%dma_start3A_894 : memref<4x128xi32, #tpu.memory_space<hbm>>) target(%dma_start3A_892 : memref<4x128xi32, #tpu.memory_space<vmem>>) target_semaphore(%arg10 : memref<!tpu.dma_semaphore, #tpu.memory_space<semaphore_mem>>)
    %mul3A_895 = arith.constant 512 : i32
    %mul3A_896 = arith.muli %shift_right_arithmetic3A_6, %mul3A_895 : i32
    %add3A_897 = arith.constant 472 : i32
    %add3A_898 = arith.addi %mul3A_896, %add3A_897 : i32
    %add3A_899 = arith.addi %add3A_898, %mul3A_9 : i32
    %dma_start3A_900 = arith.constant 236 : i32
    %dma_start3A_901 = arith.constant 0 : i32
    %dma_start3A_902 = tpu.memref_slice %arg7[%dma_start3A_900, %dma_start3A_901] : memref<256x128xi32, #tpu.memory_space<vmem>> -> memref<4x128xi32, #tpu.memory_space<vmem>>
    %dma_start3A_903 = arith.constant 0 : i32
    %dma_start3A_904 = tpu.memref_slice %arg3[%add3A_899, %dma_start3A_903] : memref<8192x128xi32, #tpu.memory_space<hbm>> -> memref<4x128xi32, #tpu.memory_space<hbm>>
    %dma_start3A_905 = arith.constant 236 : i32
    %dma_start3A_906 = arith.constant 0 : i32
    %dma_start3A_907 = tpu.memref_slice %arg7[%dma_start3A_905, %dma_start3A_906] : memref<256x128xi32, #tpu.memory_space<vmem>> -> memref<4x128xi32, #tpu.memory_space<vmem>>
    %dma_start3A_908 = arith.constant 0 : i32
    %dma_start3A_909 = tpu.memref_slice %arg3[%add3A_899, %dma_start3A_908] : memref<8192x128xi32, #tpu.memory_space<hbm>> -> memref<4x128xi32, #tpu.memory_space<hbm>>
    tpu.enqueue_dma source(%dma_start3A_909 : memref<4x128xi32, #tpu.memory_space<hbm>>) target(%dma_start3A_907 : memref<4x128xi32, #tpu.memory_space<vmem>>) target_semaphore(%arg10 : memref<!tpu.dma_semaphore, #tpu.memory_space<semaphore_mem>>)
    %mul3A_910 = arith.constant 512 : i32
    %mul3A_911 = arith.muli %shift_right_arithmetic3A_6, %mul3A_910 : i32
    %add3A_912 = arith.constant 480 : i32
    %add3A_913 = arith.addi %mul3A_911, %add3A_912 : i32
    %add3A_914 = arith.addi %add3A_913, %mul3A_9 : i32
    %dma_start3A_915 = arith.constant 240 : i32
    %dma_start3A_916 = arith.constant 0 : i32
    %dma_start3A_917 = tpu.memref_slice %arg7[%dma_start3A_915, %dma_start3A_916] : memref<256x128xi32, #tpu.memory_space<vmem>> -> memref<4x128xi32, #tpu.memory_space<vmem>>
    %dma_start3A_918 = arith.constant 0 : i32
    %dma_start3A_919 = tpu.memref_slice %arg3[%add3A_914, %dma_start3A_918] : memref<8192x128xi32, #tpu.memory_space<hbm>> -> memref<4x128xi32, #tpu.memory_space<hbm>>
    %dma_start3A_920 = arith.constant 240 : i32
    %dma_start3A_921 = arith.constant 0 : i32
    %dma_start3A_922 = tpu.memref_slice %arg7[%dma_start3A_920, %dma_start3A_921] : memref<256x128xi32, #tpu.memory_space<vmem>> -> memref<4x128xi32, #tpu.memory_space<vmem>>
    %dma_start3A_923 = arith.constant 0 : i32
    %dma_start3A_924 = tpu.memref_slice %arg3[%add3A_914, %dma_start3A_923] : memref<8192x128xi32, #tpu.memory_space<hbm>> -> memref<4x128xi32, #tpu.memory_space<hbm>>
    tpu.enqueue_dma source(%dma_start3A_924 : memref<4x128xi32, #tpu.memory_space<hbm>>) target(%dma_start3A_922 : memref<4x128xi32, #tpu.memory_space<vmem>>) target_semaphore(%arg10 : memref<!tpu.dma_semaphore, #tpu.memory_space<semaphore_mem>>)
    %mul3A_925 = arith.constant 512 : i32
    %mul3A_926 = arith.muli %shift_right_arithmetic3A_6, %mul3A_925 : i32
    %add3A_927 = arith.constant 488 : i32
    %add3A_928 = arith.addi %mul3A_926, %add3A_927 : i32
    %add3A_929 = arith.addi %add3A_928, %mul3A_9 : i32
    %dma_start3A_930 = arith.constant 244 : i32
    %dma_start3A_931 = arith.constant 0 : i32
    %dma_start3A_932 = tpu.memref_slice %arg7[%dma_start3A_930, %dma_start3A_931] : memref<256x128xi32, #tpu.memory_space<vmem>> -> memref<4x128xi32, #tpu.memory_space<vmem>>
    %dma_start3A_933 = arith.constant 0 : i32
    %dma_start3A_934 = tpu.memref_slice %arg3[%add3A_929, %dma_start3A_933] : memref<8192x128xi32, #tpu.memory_space<hbm>> -> memref<4x128xi32, #tpu.memory_space<hbm>>
    %dma_start3A_935 = arith.constant 244 : i32
    %dma_start3A_936 = arith.constant 0 : i32
    %dma_start3A_937 = tpu.memref_slice %arg7[%dma_start3A_935, %dma_start3A_936] : memref<256x128xi32, #tpu.memory_space<vmem>> -> memref<4x128xi32, #tpu.memory_space<vmem>>
    %dma_start3A_938 = arith.constant 0 : i32
    %dma_start3A_939 = tpu.memref_slice %arg3[%add3A_929, %dma_start3A_938] : memref<8192x128xi32, #tpu.memory_space<hbm>> -> memref<4x128xi32, #tpu.memory_space<hbm>>
    tpu.enqueue_dma source(%dma_start3A_939 : memref<4x128xi32, #tpu.memory_space<hbm>>) target(%dma_start3A_937 : memref<4x128xi32, #tpu.memory_space<vmem>>) target_semaphore(%arg10 : memref<!tpu.dma_semaphore, #tpu.memory_space<semaphore_mem>>)
    %mul3A_940 = arith.constant 512 : i32
    %mul3A_941 = arith.muli %shift_right_arithmetic3A_6, %mul3A_940 : i32
    %add3A_942 = arith.constant 496 : i32
    %add3A_943 = arith.addi %mul3A_941, %add3A_942 : i32
    %add3A_944 = arith.addi %add3A_943, %mul3A_9 : i32
    %dma_start3A_945 = arith.constant 248 : i32
    %dma_start3A_946 = arith.constant 0 : i32
    %dma_start3A_947 = tpu.memref_slice %arg7[%dma_start3A_945, %dma_start3A_946] : memref<256x128xi32, #tpu.memory_space<vmem>> -> memref<4x128xi32, #tpu.memory_space<vmem>>
    %dma_start3A_948 = arith.constant 0 : i32
    %dma_start3A_949 = tpu.memref_slice %arg3[%add3A_944, %dma_start3A_948] : memref<8192x128xi32, #tpu.memory_space<hbm>> -> memref<4x128xi32, #tpu.memory_space<hbm>>
    %dma_start3A_950 = arith.constant 248 : i32
    %dma_start3A_951 = arith.constant 0 : i32
    %dma_start3A_952 = tpu.memref_slice %arg7[%dma_start3A_950, %dma_start3A_951] : memref<256x128xi32, #tpu.memory_space<vmem>> -> memref<4x128xi32, #tpu.memory_space<vmem>>
    %dma_start3A_953 = arith.constant 0 : i32
    %dma_start3A_954 = tpu.memref_slice %arg3[%add3A_944, %dma_start3A_953] : memref<8192x128xi32, #tpu.memory_space<hbm>> -> memref<4x128xi32, #tpu.memory_space<hbm>>
    tpu.enqueue_dma source(%dma_start3A_954 : memref<4x128xi32, #tpu.memory_space<hbm>>) target(%dma_start3A_952 : memref<4x128xi32, #tpu.memory_space<vmem>>) target_semaphore(%arg10 : memref<!tpu.dma_semaphore, #tpu.memory_space<semaphore_mem>>)
    %mul3A_955 = arith.constant 512 : i32
    %mul3A_956 = arith.muli %shift_right_arithmetic3A_6, %mul3A_955 : i32
    %add3A_957 = arith.constant 504 : i32
    %add3A_958 = arith.addi %mul3A_956, %add3A_957 : i32
    %add3A_959 = arith.addi %add3A_958, %mul3A_9 : i32
    %dma_start3A_960 = arith.constant 252 : i32
    %dma_start3A_961 = arith.constant 0 : i32
    %dma_start3A_962 = tpu.memref_slice %arg7[%dma_start3A_960, %dma_start3A_961] : memref<256x128xi32, #tpu.memory_space<vmem>> -> memref<4x128xi32, #tpu.memory_space<vmem>>
    %dma_start3A_963 = arith.constant 0 : i32
    %dma_start3A_964 = tpu.memref_slice %arg3[%add3A_959, %dma_start3A_963] : memref<8192x128xi32, #tpu.memory_space<hbm>> -> memref<4x128xi32, #tpu.memory_space<hbm>>
    %dma_start3A_965 = arith.constant 252 : i32
    %dma_start3A_966 = arith.constant 0 : i32
    %dma_start3A_967 = tpu.memref_slice %arg7[%dma_start3A_965, %dma_start3A_966] : memref<256x128xi32, #tpu.memory_space<vmem>> -> memref<4x128xi32, #tpu.memory_space<vmem>>
    %dma_start3A_968 = arith.constant 0 : i32
    %dma_start3A_969 = tpu.memref_slice %arg3[%add3A_959, %dma_start3A_968] : memref<8192x128xi32, #tpu.memory_space<hbm>> -> memref<4x128xi32, #tpu.memory_space<hbm>>
    tpu.enqueue_dma source(%dma_start3A_969 : memref<4x128xi32, #tpu.memory_space<hbm>>) target(%dma_start3A_967 : memref<4x128xi32, #tpu.memory_space<vmem>>) target_semaphore(%arg10 : memref<!tpu.dma_semaphore, #tpu.memory_space<semaphore_mem>>)
    tpu.enqueue_dma source(%arg4 : memref<64x128xf32, #tpu.memory_space<hbm>>) target(%arg8 : memref<64x128xf32, #tpu.memory_space<vmem>>) target_semaphore(%arg10 : memref<!tpu.dma_semaphore, #tpu.memory_space<semaphore_mem>>)
    %dma_wait3A = arith.constant 0 : i32
    %dma_wait3A_970 = tpu.memref_slice %arg2[%mul3A_2, %dma_wait3A] : memref<16384x128xf32, #tpu.memory_space<hbm>> -> memref<512x128xf32, #tpu.memory_space<hbm>>
    %dma_wait3A_971 = arith.constant 0 : i32
    %dma_wait3A_972 = tpu.memref_slice %arg2[%mul3A_2, %dma_wait3A_971] : memref<16384x128xf32, #tpu.memory_space<hbm>> -> memref<512x128xf32, #tpu.memory_space<hbm>>
    tpu.wait_dma2 semaphore(%arg10 : memref<!tpu.dma_semaphore, #tpu.memory_space<semaphore_mem>>) src(%dma_wait3A_972 : memref<512x128xf32, #tpu.memory_space<hbm>>) dst(%arg6 : memref<512x128xf32, #tpu.memory_space<vmem>>)
    %iota3A = tpu.iota {dimensions = array<i32: 0>} : vector<16xi32>
    %broadcast_in_dim3A = arith.constant 0.000000e+00 : f32
    %broadcast_in_dim3A_973 = vector.broadcast %broadcast_in_dim3A : f32 to vector<16xf32>
    %while3A = arith.constant 511 : i32
    %while3A_974 = arith.constant -1 : i32
    %while3A_975:2 = scf.while (%while3A_1789 = %while3A, %while3A_1790 = %while3A_974) : (i32, i32) -> (i32, i32) {
      %lt3A_1791 = arith.constant 0 : i32
      %lt3A_1792 = arith.cmpi slt, %while3A_1790, %lt3A_1791 : i32
      %ge3A = arith.constant 0 : i32
      %ge3A_1793 = arith.cmpi sge, %while3A_1789, %ge3A : i32
      %and3A_1794 = arith.andi %lt3A_1792, %ge3A_1793 : i1
      scf.condition(%and3A_1794) %while3A_1789, %while3A_1790 : i32, i32
    } do {
    ^bb0(%while3A_1789: i32, %while3A_1790: i32):
      %shift_right_arithmetic3A_1791 = arith.constant 3 : i32
      %shift_right_arithmetic3A_1792 = arith.shrsi %while3A_1789, %shift_right_arithmetic3A_1791 : i32
      %mul3A_1793 = arith.constant 2 : i32
      %mul3A_1794 = arith.muli %shift_right_arithmetic3A_1792, %mul3A_1793 : i32
      %add3A_1795 = arith.constant 0 : i32
      %add3A_1796 = arith.addi %add3A_1795, %mul3A_1794 : i32
      %and3A_1797 = arith.constant 7 : i32
      %and3A_1798 = arith.andi %while3A_1789, %and3A_1797 : i32
      %mul3A_1799 = arith.constant 16 : i32
      %mul3A_1800 = arith.muli %and3A_1798, %mul3A_1799 : i32
      %get3A = arith.index_cast %add3A_1796 : i32 to index
      %get3A_1801 = arith.index_cast %mul3A_1800 : i32 to index
      %get3A_1802 = tpu.vector_load %arg6[%get3A, %get3A_1801] {strides = array<i32>} : memref<512x128xf32, #tpu.memory_space<vmem>>, vector<16xf32>,
      %add3A_1803 = arith.constant 1 : i32
      %add3A_1804 = arith.addi %add3A_1796, %add3A_1803 : i32
      %get3A_1805 = arith.index_cast %add3A_1804 : i32 to index
      %get3A_1806 = arith.index_cast %mul3A_1800 : i32 to index
      %get3A_1807 = tpu.vector_load %arg6[%get3A_1805, %get3A_1806] {strides = array<i32>} : memref<512x128xf32, #tpu.memory_space<vmem>>, vector<16xf32>,
      %mul3A_1808 = arith.constant 16 : i32
      %mul3A_1809 = arith.muli %while3A_1789, %mul3A_1808 : i32
      %add3A_1810 = vector.broadcast %mul3A_1809 : i32 to vector<16xi32>
      %add3A_1811 = arith.addi %add3A_1810, %iota3A : vector<16xi32>
      %ge3A = arith.cmpf oge, %get3A_1802, %get3A_1807 : vector<16xf32>
      %jit3A_1812 = arith.constant -1 : i32
      %broadcast_in_dim3A_1813 = vector.broadcast %jit3A_1812 : i32 to vector<16xi32>
      %select_n3A_1814 = arith.select %ge3A, %add3A_1811, %broadcast_in_dim3A_1813 : vector<16xi1>, vector<16xi32>
      %reduce_max3A = arith.constant true
      %reduce_max3A_1815 = vector.broadcast %reduce_max3A : i1 to vector<16xi1>
      %reduce_max3A_1816 = arith.constant -2147483648 : i32
      %reduce_max3A_1817 = vector.broadcast %reduce_max3A_1816 : i32 to vector<16xi32>
      %reduce_max3A_1818 = arith.xori %select_n3A_1814, %reduce_max3A_1817 : vector<16xi32>
      %reduce_max3A_1819 = tpu.scan <max>, %reduce_max3A_1818 masked %reduce_max3A_1815 : vector<16xi32>, vector<16xi1> -> vector<16xi32>
      %reduce_max3A_1820 = arith.xori %reduce_max3A_1819, %reduce_max3A_1817 : vector<16xi32>
      %reduce_max3A_1821 = vector.extract %reduce_max3A_1820[15] : i32 from vector<16xi32>
      %sub3A = arith.constant 1 : i32
      %sub3A_1822 = arith.subi %while3A_1789, %sub3A : i32
      scf.yield %sub3A_1822, %reduce_max3A_1821 : i32, i32
    }
    %lt3A = arith.constant 0 : i32
    %lt3A_976 = arith.cmpi slt, %while3A_975#1, %lt3A : i32
    %jit3A = arith.constant 8192 : i32
    %select_n3A = arith.select %lt3A_976, %jit3A, %while3A_975#1 : i32
    %while3A_977 = arith.constant 511 : i32
    %while3A_978 = arith.constant -1 : i32
    %while3A_979:2 = scf.while (%while3A_1789 = %while3A_977, %while3A_1790 = %while3A_978) : (i32, i32) -> (i32, i32) {
      %lt3A_1791 = arith.constant 0 : i32
      %lt3A_1792 = arith.cmpi slt, %while3A_1790, %lt3A_1791 : i32
      %ge3A = arith.constant 0 : i32
      %ge3A_1793 = arith.cmpi sge, %while3A_1789, %ge3A : i32
      %and3A_1794 = arith.andi %lt3A_1792, %ge3A_1793 : i1
      scf.condition(%and3A_1794) %while3A_1789, %while3A_1790 : i32, i32
    } do {
    ^bb0(%while3A_1789: i32, %while3A_1790: i32):
      %shift_right_arithmetic3A_1791 = arith.constant 3 : i32
      %shift_right_arithmetic3A_1792 = arith.shrsi %while3A_1789, %shift_right_arithmetic3A_1791 : i32
      %mul3A_1793 = arith.constant 2 : i32
      %mul3A_1794 = arith.muli %shift_right_arithmetic3A_1792, %mul3A_1793 : i32
      %add3A_1795 = arith.constant 128 : i32
      %add3A_1796 = arith.addi %add3A_1795, %mul3A_1794 : i32
      %and3A_1797 = arith.constant 7 : i32
      %and3A_1798 = arith.andi %while3A_1789, %and3A_1797 : i32
      %mul3A_1799 = arith.constant 16 : i32
      %mul3A_1800 = arith.muli %and3A_1798, %mul3A_1799 : i32
      %get3A = arith.index_cast %add3A_1796 : i32 to index
      %get3A_1801 = arith.index_cast %mul3A_1800 : i32 to index
      %get3A_1802 = tpu.vector_load %arg6[%get3A, %get3A_1801] {strides = array<i32>} : memref<512x128xf32, #tpu.memory_space<vmem>>, vector<16xf32>,
      %add3A_1803 = arith.constant 1 : i32
      %add3A_1804 = arith.addi %add3A_1796, %add3A_1803 : i32
      %get3A_1805 = arith.index_cast %add3A_1804 : i32 to index
      %get3A_1806 = arith.index_cast %mul3A_1800 : i32 to index
      %get3A_1807 = tpu.vector_load %arg6[%get3A_1805, %get3A_1806] {strides = array<i32>} : memref<512x128xf32, #tpu.memory_space<vmem>>, vector<16xf32>,
      %mul3A_1808 = arith.constant 16 : i32
      %mul3A_1809 = arith.muli %while3A_1789, %mul3A_1808 : i32
      %add3A_1810 = vector.broadcast %mul3A_1809 : i32 to vector<16xi32>
      %add3A_1811 = arith.addi %add3A_1810, %iota3A : vector<16xi32>
      %ge3A = arith.cmpf oge, %get3A_1802, %get3A_1807 : vector<16xf32>
      %jit3A_1812 = arith.constant -1 : i32
      %broadcast_in_dim3A_1813 = vector.broadcast %jit3A_1812 : i32 to vector<16xi32>
      %select_n3A_1814 = arith.select %ge3A, %add3A_1811, %broadcast_in_dim3A_1813 : vector<16xi1>, vector<16xi32>
      %reduce_max3A = arith.constant true
      %reduce_max3A_1815 = vector.broadcast %reduce_max3A : i1 to vector<16xi1>
      %reduce_max3A_1816 = arith.constant -2147483648 : i32
      %reduce_max3A_1817 = vector.broadcast %reduce_max3A_1816 : i32 to vector<16xi32>
      %reduce_max3A_1818 = arith.xori %select_n3A_1814, %reduce_max3A_1817 : vector<16xi32>
      %reduce_max3A_1819 = tpu.scan <max>, %reduce_max3A_1818 masked %reduce_max3A_1815 : vector<16xi32>, vector<16xi1> -> vector<16xi32>
      %reduce_max3A_1820 = arith.xori %reduce_max3A_1819, %reduce_max3A_1817 : vector<16xi32>
      %reduce_max3A_1821 = vector.extract %reduce_max3A_1820[15] : i32 from vector<16xi32>
      %sub3A = arith.constant 1 : i32
      %sub3A_1822 = arith.subi %while3A_1789, %sub3A : i32
      scf.yield %sub3A_1822, %reduce_max3A_1821 : i32, i32
    }
    %lt3A_980 = arith.constant 0 : i32
    %lt3A_981 = arith.cmpi slt, %while3A_979#1, %lt3A_980 : i32
    %jit3A_982 = arith.constant 8192 : i32
    %select_n3A_983 = arith.select %lt3A_981, %jit3A_982, %while3A_979#1 : i32
    %while3A_984 = arith.constant 511 : i32
    %while3A_985 = arith.constant -1 : i32
    %while3A_986:2 = scf.while (%while3A_1789 = %while3A_984, %while3A_1790 = %while3A_985) : (i32, i32) -> (i32, i32) {
      %lt3A_1791 = arith.constant 0 : i32
      %lt3A_1792 = arith.cmpi slt, %while3A_1790, %lt3A_1791 : i32
      %ge3A = arith.constant 0 : i32
      %ge3A_1793 = arith.cmpi sge, %while3A_1789, %ge3A : i32
      %and3A_1794 = arith.andi %lt3A_1792, %ge3A_1793 : i1
      scf.condition(%and3A_1794) %while3A_1789, %while3A_1790 : i32, i32
    } do {
    ^bb0(%while3A_1789: i32, %while3A_1790: i32):
      %shift_right_arithmetic3A_1791 = arith.constant 3 : i32
      %shift_right_arithmetic3A_1792 = arith.shrsi %while3A_1789, %shift_right_arithmetic3A_1791 : i32
      %mul3A_1793 = arith.constant 2 : i32
      %mul3A_1794 = arith.muli %shift_right_arithmetic3A_1792, %mul3A_1793 : i32
      %add3A_1795 = arith.constant 256 : i32
      %add3A_1796 = arith.addi %add3A_1795, %mul3A_1794 : i32
      %and3A_1797 = arith.constant 7 : i32
      %and3A_1798 = arith.andi %while3A_1789, %and3A_1797 : i32
      %mul3A_1799 = arith.constant 16 : i32
      %mul3A_1800 = arith.muli %and3A_1798, %mul3A_1799 : i32
      %get3A = arith.index_cast %add3A_1796 : i32 to index
      %get3A_1801 = arith.index_cast %mul3A_1800 : i32 to index
      %get3A_1802 = tpu.vector_load %arg6[%get3A, %get3A_1801] {strides = array<i32>} : memref<512x128xf32, #tpu.memory_space<vmem>>, vector<16xf32>,
      %add3A_1803 = arith.constant 1 : i32
      %add3A_1804 = arith.addi %add3A_1796, %add3A_1803 : i32
      %get3A_1805 = arith.index_cast %add3A_1804 : i32 to index
      %get3A_1806 = arith.index_cast %mul3A_1800 : i32 to index
      %get3A_1807 = tpu.vector_load %arg6[%get3A_1805, %get3A_1806] {strides = array<i32>} : memref<512x128xf32, #tpu.memory_space<vmem>>, vector<16xf32>,
      %mul3A_1808 = arith.constant 16 : i32
      %mul3A_1809 = arith.muli %while3A_1789, %mul3A_1808 : i32
      %add3A_1810 = vector.broadcast %mul3A_1809 : i32 to vector<16xi32>
      %add3A_1811 = arith.addi %add3A_1810, %iota3A : vector<16xi32>
      %ge3A = arith.cmpf oge, %get3A_1802, %get3A_1807 : vector<16xf32>
      %jit3A_1812 = arith.constant -1 : i32
      %broadcast_in_dim3A_1813 = vector.broadcast %jit3A_1812 : i32 to vector<16xi32>
      %select_n3A_1814 = arith.select %ge3A, %add3A_1811, %broadcast_in_dim3A_1813 : vector<16xi1>, vector<16xi32>
      %reduce_max3A = arith.constant true
      %reduce_max3A_1815 = vector.broadcast %reduce_max3A : i1 to vector<16xi1>
      %reduce_max3A_1816 = arith.constant -2147483648 : i32
      %reduce_max3A_1817 = vector.broadcast %reduce_max3A_1816 : i32 to vector<16xi32>
      %reduce_max3A_1818 = arith.xori %select_n3A_1814, %reduce_max3A_1817 : vector<16xi32>
      %reduce_max3A_1819 = tpu.scan <max>, %reduce_max3A_1818 masked %reduce_max3A_1815 : vector<16xi32>, vector<16xi1> -> vector<16xi32>
      %reduce_max3A_1820 = arith.xori %reduce_max3A_1819, %reduce_max3A_1817 : vector<16xi32>
      %reduce_max3A_1821 = vector.extract %reduce_max3A_1820[15] : i32 from vector<16xi32>
      %sub3A = arith.constant 1 : i32
      %sub3A_1822 = arith.subi %while3A_1789, %sub3A : i32
      scf.yield %sub3A_1822, %reduce_max3A_1821 : i32, i32
    }
    %lt3A_987 = arith.constant 0 : i32
    %lt3A_988 = arith.cmpi slt, %while3A_986#1, %lt3A_987 : i32
    %jit3A_989 = arith.constant 8192 : i32
    %select_n3A_990 = arith.select %lt3A_988, %jit3A_989, %while3A_986#1 : i32
    %while3A_991 = arith.constant 511 : i32
    %while3A_992 = arith.constant -1 : i32
    %while3A_993:2 = scf.while (%while3A_1789 = %while3A_991, %while3A_1790 = %while3A_992) : (i32, i32) -> (i32, i32) {
      %lt3A_1791 = arith.constant 0 : i32
      %lt3A_1792 = arith.cmpi slt, %while3A_1790, %lt3A_1791 : i32
      %ge3A = arith.constant 0 : i32
      %ge3A_1793 = arith.cmpi sge, %while3A_1789, %ge3A : i32
      %and3A_1794 = arith.andi %lt3A_1792, %ge3A_1793 : i1
      scf.condition(%and3A_1794) %while3A_1789, %while3A_1790 : i32, i32
    } do {
    ^bb0(%while3A_1789: i32, %while3A_1790: i32):
      %shift_right_arithmetic3A_1791 = arith.constant 3 : i32
      %shift_right_arithmetic3A_1792 = arith.shrsi %while3A_1789, %shift_right_arithmetic3A_1791 : i32
      %mul3A_1793 = arith.constant 2 : i32
      %mul3A_1794 = arith.muli %shift_right_arithmetic3A_1792, %mul3A_1793 : i32
      %add3A_1795 = arith.constant 384 : i32
      %add3A_1796 = arith.addi %add3A_1795, %mul3A_1794 : i32
      %and3A_1797 = arith.constant 7 : i32
      %and3A_1798 = arith.andi %while3A_1789, %and3A_1797 : i32
      %mul3A_1799 = arith.constant 16 : i32
      %mul3A_1800 = arith.muli %and3A_1798, %mul3A_1799 : i32
      %get3A = arith.index_cast %add3A_1796 : i32 to index
      %get3A_1801 = arith.index_cast %mul3A_1800 : i32 to index
      %get3A_1802 = tpu.vector_load %arg6[%get3A, %get3A_1801] {strides = array<i32>} : memref<512x128xf32, #tpu.memory_space<vmem>>, vector<16xf32>,
      %add3A_1803 = arith.constant 1 : i32
      %add3A_1804 = arith.addi %add3A_1796, %add3A_1803 : i32
      %get3A_1805 = arith.index_cast %add3A_1804 : i32 to index
      %get3A_1806 = arith.index_cast %mul3A_1800 : i32 to index
      %get3A_1807 = tpu.vector_load %arg6[%get3A_1805, %get3A_1806] {strides = array<i32>} : memref<512x128xf32, #tpu.memory_space<vmem>>, vector<16xf32>,
      %mul3A_1808 = arith.constant 16 : i32
      %mul3A_1809 = arith.muli %while3A_1789, %mul3A_1808 : i32
      %add3A_1810 = vector.broadcast %mul3A_1809 : i32 to vector<16xi32>
      %add3A_1811 = arith.addi %add3A_1810, %iota3A : vector<16xi32>
      %ge3A = arith.cmpf oge, %get3A_1802, %get3A_1807 : vector<16xf32>
      %jit3A_1812 = arith.constant -1 : i32
      %broadcast_in_dim3A_1813 = vector.broadcast %jit3A_1812 : i32 to vector<16xi32>
      %select_n3A_1814 = arith.select %ge3A, %add3A_1811, %broadcast_in_dim3A_1813 : vector<16xi1>, vector<16xi32>
      %reduce_max3A = arith.constant true
      %reduce_max3A_1815 = vector.broadcast %reduce_max3A : i1 to vector<16xi1>
      %reduce_max3A_1816 = arith.constant -2147483648 : i32
      %reduce_max3A_1817 = vector.broadcast %reduce_max3A_1816 : i32 to vector<16xi32>
      %reduce_max3A_1818 = arith.xori %select_n3A_1814, %reduce_max3A_1817 : vector<16xi32>
      %reduce_max3A_1819 = tpu.scan <max>, %reduce_max3A_1818 masked %reduce_max3A_1815 : vector<16xi32>, vector<16xi1> -> vector<16xi32>
      %reduce_max3A_1820 = arith.xori %reduce_max3A_1819, %reduce_max3A_1817 : vector<16xi32>
      %reduce_max3A_1821 = vector.extract %reduce_max3A_1820[15] : i32 from vector<16xi32>
      %sub3A = arith.constant 1 : i32
      %sub3A_1822 = arith.subi %while3A_1789, %sub3A : i32
      scf.yield %sub3A_1822, %reduce_max3A_1821 : i32, i32
    }
    %lt3A_994 = arith.constant 0 : i32
    %lt3A_995 = arith.cmpi slt, %while3A_993#1, %lt3A_994 : i32
    %jit3A_996 = arith.constant 8192 : i32
    %select_n3A_997 = arith.select %lt3A_995, %jit3A_996, %while3A_993#1 : i32
    %dma_wait3A_998 = arith.constant 0 : i32
    %dma_wait3A_999 = arith.constant 0 : i32
    %dma_wait3A_1000 = tpu.memref_slice %arg7[%dma_wait3A_998, %dma_wait3A_999] : memref<256x128xi32, #tpu.memory_space<vmem>> -> memref<4x128xi32, #tpu.memory_space<vmem>>
    %dma_wait3A_1001 = arith.constant 0 : i32
    %dma_wait3A_1002 = tpu.memref_slice %arg3[%add3A_14, %dma_wait3A_1001] : memref<8192x128xi32, #tpu.memory_space<hbm>> -> memref<4x128xi32, #tpu.memory_space<hbm>>
    %dma_wait3A_1003 = arith.constant 0 : i32
    %dma_wait3A_1004 = arith.constant 0 : i32
    %dma_wait3A_1005 = tpu.memref_slice %arg7[%dma_wait3A_1003, %dma_wait3A_1004] : memref<256x128xi32, #tpu.memory_space<vmem>> -> memref<4x128xi32, #tpu.memory_space<vmem>>
    %dma_wait3A_1006 = arith.constant 0 : i32
    %dma_wait3A_1007 = tpu.memref_slice %arg3[%add3A_14, %dma_wait3A_1006] : memref<8192x128xi32, #tpu.memory_space<hbm>> -> memref<4x128xi32, #tpu.memory_space<hbm>>
    tpu.wait_dma2 semaphore(%arg10 : memref<!tpu.dma_semaphore, #tpu.memory_space<semaphore_mem>>) src(%dma_wait3A_1007 : memref<4x128xi32, #tpu.memory_space<hbm>>) dst(%dma_wait3A_1005 : memref<4x128xi32, #tpu.memory_space<vmem>>)
    %dma_wait3A_1008 = arith.constant 4 : i32
    %dma_wait3A_1009 = arith.constant 0 : i32
    %dma_wait3A_1010 = tpu.memref_slice %arg7[%dma_wait3A_1008, %dma_wait3A_1009] : memref<256x128xi32, #tpu.memory_space<vmem>> -> memref<4x128xi32, #tpu.memory_space<vmem>>
    %dma_wait3A_1011 = arith.constant 0 : i32
    %dma_wait3A_1012 = tpu.memref_slice %arg3[%add3A_29, %dma_wait3A_1011] : memref<8192x128xi32, #tpu.memory_space<hbm>> -> memref<4x128xi32, #tpu.memory_space<hbm>>
    %dma_wait3A_1013 = arith.constant 4 : i32
    %dma_wait3A_1014 = arith.constant 0 : i32
    %dma_wait3A_1015 = tpu.memref_slice %arg7[%dma_wait3A_1013, %dma_wait3A_1014] : memref<256x128xi32, #tpu.memory_space<vmem>> -> memref<4x128xi32, #tpu.memory_space<vmem>>
    %dma_wait3A_1016 = arith.constant 0 : i32
    %dma_wait3A_1017 = tpu.memref_slice %arg3[%add3A_29, %dma_wait3A_1016] : memref<8192x128xi32, #tpu.memory_space<hbm>> -> memref<4x128xi32, #tpu.memory_space<hbm>>
    tpu.wait_dma2 semaphore(%arg10 : memref<!tpu.dma_semaphore, #tpu.memory_space<semaphore_mem>>) src(%dma_wait3A_1017 : memref<4x128xi32, #tpu.memory_space<hbm>>) dst(%dma_wait3A_1015 : memref<4x128xi32, #tpu.memory_space<vmem>>)
    %dma_wait3A_1018 = arith.constant 8 : i32
    %dma_wait3A_1019 = arith.constant 0 : i32
    %dma_wait3A_1020 = tpu.memref_slice %arg7[%dma_wait3A_1018, %dma_wait3A_1019] : memref<256x128xi32, #tpu.memory_space<vmem>> -> memref<4x128xi32, #tpu.memory_space<vmem>>
    %dma_wait3A_1021 = arith.constant 0 : i32
    %dma_wait3A_1022 = tpu.memref_slice %arg3[%add3A_44, %dma_wait3A_1021] : memref<8192x128xi32, #tpu.memory_space<hbm>> -> memref<4x128xi32, #tpu.memory_space<hbm>>
    %dma_wait3A_1023 = arith.constant 8 : i32
    %dma_wait3A_1024 = arith.constant 0 : i32
    %dma_wait3A_1025 = tpu.memref_slice %arg7[%dma_wait3A_1023, %dma_wait3A_1024] : memref<256x128xi32, #tpu.memory_space<vmem>> -> memref<4x128xi32, #tpu.memory_space<vmem>>
    %dma_wait3A_1026 = arith.constant 0 : i32
    %dma_wait3A_1027 = tpu.memref_slice %arg3[%add3A_44, %dma_wait3A_1026] : memref<8192x128xi32, #tpu.memory_space<hbm>> -> memref<4x128xi32, #tpu.memory_space<hbm>>
    tpu.wait_dma2 semaphore(%arg10 : memref<!tpu.dma_semaphore, #tpu.memory_space<semaphore_mem>>) src(%dma_wait3A_1027 : memref<4x128xi32, #tpu.memory_space<hbm>>) dst(%dma_wait3A_1025 : memref<4x128xi32, #tpu.memory_space<vmem>>)
    %dma_wait3A_1028 = arith.constant 12 : i32
    %dma_wait3A_1029 = arith.constant 0 : i32
    %dma_wait3A_1030 = tpu.memref_slice %arg7[%dma_wait3A_1028, %dma_wait3A_1029] : memref<256x128xi32, #tpu.memory_space<vmem>> -> memref<4x128xi32, #tpu.memory_space<vmem>>
    %dma_wait3A_1031 = arith.constant 0 : i32
    %dma_wait3A_1032 = tpu.memref_slice %arg3[%add3A_59, %dma_wait3A_1031] : memref<8192x128xi32, #tpu.memory_space<hbm>> -> memref<4x128xi32, #tpu.memory_space<hbm>>
    %dma_wait3A_1033 = arith.constant 12 : i32
    %dma_wait3A_1034 = arith.constant 0 : i32
    %dma_wait3A_1035 = tpu.memref_slice %arg7[%dma_wait3A_1033, %dma_wait3A_1034] : memref<256x128xi32, #tpu.memory_space<vmem>> -> memref<4x128xi32, #tpu.memory_space<vmem>>
    %dma_wait3A_1036 = arith.constant 0 : i32
    %dma_wait3A_1037 = tpu.memref_slice %arg3[%add3A_59, %dma_wait3A_1036] : memref<8192x128xi32, #tpu.memory_space<hbm>> -> memref<4x128xi32, #tpu.memory_space<hbm>>
    tpu.wait_dma2 semaphore(%arg10 : memref<!tpu.dma_semaphore, #tpu.memory_space<semaphore_mem>>) src(%dma_wait3A_1037 : memref<4x128xi32, #tpu.memory_space<hbm>>) dst(%dma_wait3A_1035 : memref<4x128xi32, #tpu.memory_space<vmem>>)
    %dma_wait3A_1038 = arith.constant 16 : i32
    %dma_wait3A_1039 = arith.constant 0 : i32
    %dma_wait3A_1040 = tpu.memref_slice %arg7[%dma_wait3A_1038, %dma_wait3A_1039] : memref<256x128xi32, #tpu.memory_space<vmem>> -> memref<4x128xi32, #tpu.memory_space<vmem>>
    %dma_wait3A_1041 = arith.constant 0 : i32
    %dma_wait3A_1042 = tpu.memref_slice %arg3[%add3A_74, %dma_wait3A_1041] : memref<8192x128xi32, #tpu.memory_space<hbm>> -> memref<4x128xi32, #tpu.memory_space<hbm>>
    %dma_wait3A_1043 = arith.constant 16 : i32
    %dma_wait3A_1044 = arith.constant 0 : i32
    %dma_wait3A_1045 = tpu.memref_slice %arg7[%dma_wait3A_1043, %dma_wait3A_1044] : memref<256x128xi32, #tpu.memory_space<vmem>> -> memref<4x128xi32, #tpu.memory_space<vmem>>
    %dma_wait3A_1046 = arith.constant 0 : i32
    %dma_wait3A_1047 = tpu.memref_slice %arg3[%add3A_74, %dma_wait3A_1046] : memref<8192x128xi32, #tpu.memory_space<hbm>> -> memref<4x128xi32, #tpu.memory_space<hbm>>
    tpu.wait_dma2 semaphore(%arg10 : memref<!tpu.dma_semaphore, #tpu.memory_space<semaphore_mem>>) src(%dma_wait3A_1047 : memref<4x128xi32, #tpu.memory_space<hbm>>) dst(%dma_wait3A_1045 : memref<4x128xi32, #tpu.memory_space<vmem>>)
    %dma_wait3A_1048 = arith.constant 20 : i32
    %dma_wait3A_1049 = arith.constant 0 : i32
    %dma_wait3A_1050 = tpu.memref_slice %arg7[%dma_wait3A_1048, %dma_wait3A_1049] : memref<256x128xi32, #tpu.memory_space<vmem>> -> memref<4x128xi32, #tpu.memory_space<vmem>>
    %dma_wait3A_1051 = arith.constant 0 : i32
    %dma_wait3A_1052 = tpu.memref_slice %arg3[%add3A_89, %dma_wait3A_1051] : memref<8192x128xi32, #tpu.memory_space<hbm>> -> memref<4x128xi32, #tpu.memory_space<hbm>>
    %dma_wait3A_1053 = arith.constant 20 : i32
    %dma_wait3A_1054 = arith.constant 0 : i32
    %dma_wait3A_1055 = tpu.memref_slice %arg7[%dma_wait3A_1053, %dma_wait3A_1054] : memref<256x128xi32, #tpu.memory_space<vmem>> -> memref<4x128xi32, #tpu.memory_space<vmem>>
    %dma_wait3A_1056 = arith.constant 0 : i32
    %dma_wait3A_1057 = tpu.memref_slice %arg3[%add3A_89, %dma_wait3A_1056] : memref<8192x128xi32, #tpu.memory_space<hbm>> -> memref<4x128xi32, #tpu.memory_space<hbm>>
    tpu.wait_dma2 semaphore(%arg10 : memref<!tpu.dma_semaphore, #tpu.memory_space<semaphore_mem>>) src(%dma_wait3A_1057 : memref<4x128xi32, #tpu.memory_space<hbm>>) dst(%dma_wait3A_1055 : memref<4x128xi32, #tpu.memory_space<vmem>>)
    %dma_wait3A_1058 = arith.constant 24 : i32
    %dma_wait3A_1059 = arith.constant 0 : i32
    %dma_wait3A_1060 = tpu.memref_slice %arg7[%dma_wait3A_1058, %dma_wait3A_1059] : memref<256x128xi32, #tpu.memory_space<vmem>> -> memref<4x128xi32, #tpu.memory_space<vmem>>
    %dma_wait3A_1061 = arith.constant 0 : i32
    %dma_wait3A_1062 = tpu.memref_slice %arg3[%add3A_104, %dma_wait3A_1061] : memref<8192x128xi32, #tpu.memory_space<hbm>> -> memref<4x128xi32, #tpu.memory_space<hbm>>
    %dma_wait3A_1063 = arith.constant 24 : i32
    %dma_wait3A_1064 = arith.constant 0 : i32
    %dma_wait3A_1065 = tpu.memref_slice %arg7[%dma_wait3A_1063, %dma_wait3A_1064] : memref<256x128xi32, #tpu.memory_space<vmem>> -> memref<4x128xi32, #tpu.memory_space<vmem>>
    %dma_wait3A_1066 = arith.constant 0 : i32
    %dma_wait3A_1067 = tpu.memref_slice %arg3[%add3A_104, %dma_wait3A_1066] : memref<8192x128xi32, #tpu.memory_space<hbm>> -> memref<4x128xi32, #tpu.memory_space<hbm>>
    tpu.wait_dma2 semaphore(%arg10 : memref<!tpu.dma_semaphore, #tpu.memory_space<semaphore_mem>>) src(%dma_wait3A_1067 : memref<4x128xi32, #tpu.memory_space<hbm>>) dst(%dma_wait3A_1065 : memref<4x128xi32, #tpu.memory_space<vmem>>)
    %dma_wait3A_1068 = arith.constant 28 : i32
    %dma_wait3A_1069 = arith.constant 0 : i32
    %dma_wait3A_1070 = tpu.memref_slice %arg7[%dma_wait3A_1068, %dma_wait3A_1069] : memref<256x128xi32, #tpu.memory_space<vmem>> -> memref<4x128xi32, #tpu.memory_space<vmem>>
    %dma_wait3A_1071 = arith.constant 0 : i32
    %dma_wait3A_1072 = tpu.memref_slice %arg3[%add3A_119, %dma_wait3A_1071] : memref<8192x128xi32, #tpu.memory_space<hbm>> -> memref<4x128xi32, #tpu.memory_space<hbm>>
    %dma_wait3A_1073 = arith.constant 28 : i32
    %dma_wait3A_1074 = arith.constant 0 : i32
    %dma_wait3A_1075 = tpu.memref_slice %arg7[%dma_wait3A_1073, %dma_wait3A_1074] : memref<256x128xi32, #tpu.memory_space<vmem>> -> memref<4x128xi32, #tpu.memory_space<vmem>>
    %dma_wait3A_1076 = arith.constant 0 : i32
    %dma_wait3A_1077 = tpu.memref_slice %arg3[%add3A_119, %dma_wait3A_1076] : memref<8192x128xi32, #tpu.memory_space<hbm>> -> memref<4x128xi32, #tpu.memory_space<hbm>>
    tpu.wait_dma2 semaphore(%arg10 : memref<!tpu.dma_semaphore, #tpu.memory_space<semaphore_mem>>) src(%dma_wait3A_1077 : memref<4x128xi32, #tpu.memory_space<hbm>>) dst(%dma_wait3A_1075 : memref<4x128xi32, #tpu.memory_space<vmem>>)
    %dma_wait3A_1078 = arith.constant 32 : i32
    %dma_wait3A_1079 = arith.constant 0 : i32
    %dma_wait3A_1080 = tpu.memref_slice %arg7[%dma_wait3A_1078, %dma_wait3A_1079] : memref<256x128xi32, #tpu.memory_space<vmem>> -> memref<4x128xi32, #tpu.memory_space<vmem>>
    %dma_wait3A_1081 = arith.constant 0 : i32
    %dma_wait3A_1082 = tpu.memref_slice %arg3[%add3A_134, %dma_wait3A_1081] : memref<8192x128xi32, #tpu.memory_space<hbm>> -> memref<4x128xi32, #tpu.memory_space<hbm>>
    %dma_wait3A_1083 = arith.constant 32 : i32
    %dma_wait3A_1084 = arith.constant 0 : i32
    %dma_wait3A_1085 = tpu.memref_slice %arg7[%dma_wait3A_1083, %dma_wait3A_1084] : memref<256x128xi32, #tpu.memory_space<vmem>> -> memref<4x128xi32, #tpu.memory_space<vmem>>
    %dma_wait3A_1086 = arith.constant 0 : i32
    %dma_wait3A_1087 = tpu.memref_slice %arg3[%add3A_134, %dma_wait3A_1086] : memref<8192x128xi32, #tpu.memory_space<hbm>> -> memref<4x128xi32, #tpu.memory_space<hbm>>
    tpu.wait_dma2 semaphore(%arg10 : memref<!tpu.dma_semaphore, #tpu.memory_space<semaphore_mem>>) src(%dma_wait3A_1087 : memref<4x128xi32, #tpu.memory_space<hbm>>) dst(%dma_wait3A_1085 : memref<4x128xi32, #tpu.memory_space<vmem>>)
    %dma_wait3A_1088 = arith.constant 36 : i32
    %dma_wait3A_1089 = arith.constant 0 : i32
    %dma_wait3A_1090 = tpu.memref_slice %arg7[%dma_wait3A_1088, %dma_wait3A_1089] : memref<256x128xi32, #tpu.memory_space<vmem>> -> memref<4x128xi32, #tpu.memory_space<vmem>>
    %dma_wait3A_1091 = arith.constant 0 : i32
    %dma_wait3A_1092 = tpu.memref_slice %arg3[%add3A_149, %dma_wait3A_1091] : memref<8192x128xi32, #tpu.memory_space<hbm>> -> memref<4x128xi32, #tpu.memory_space<hbm>>
    %dma_wait3A_1093 = arith.constant 36 : i32
    %dma_wait3A_1094 = arith.constant 0 : i32
    %dma_wait3A_1095 = tpu.memref_slice %arg7[%dma_wait3A_1093, %dma_wait3A_1094] : memref<256x128xi32, #tpu.memory_space<vmem>> -> memref<4x128xi32, #tpu.memory_space<vmem>>
    %dma_wait3A_1096 = arith.constant 0 : i32
    %dma_wait3A_1097 = tpu.memref_slice %arg3[%add3A_149, %dma_wait3A_1096] : memref<8192x128xi32, #tpu.memory_space<hbm>> -> memref<4x128xi32, #tpu.memory_space<hbm>>
    tpu.wait_dma2 semaphore(%arg10 : memref<!tpu.dma_semaphore, #tpu.memory_space<semaphore_mem>>) src(%dma_wait3A_1097 : memref<4x128xi32, #tpu.memory_space<hbm>>) dst(%dma_wait3A_1095 : memref<4x128xi32, #tpu.memory_space<vmem>>)
    %dma_wait3A_1098 = arith.constant 40 : i32
    %dma_wait3A_1099 = arith.constant 0 : i32
    %dma_wait3A_1100 = tpu.memref_slice %arg7[%dma_wait3A_1098, %dma_wait3A_1099] : memref<256x128xi32, #tpu.memory_space<vmem>> -> memref<4x128xi32, #tpu.memory_space<vmem>>
    %dma_wait3A_1101 = arith.constant 0 : i32
    %dma_wait3A_1102 = tpu.memref_slice %arg3[%add3A_164, %dma_wait3A_1101] : memref<8192x128xi32, #tpu.memory_space<hbm>> -> memref<4x128xi32, #tpu.memory_space<hbm>>
    %dma_wait3A_1103 = arith.constant 40 : i32
    %dma_wait3A_1104 = arith.constant 0 : i32
    %dma_wait3A_1105 = tpu.memref_slice %arg7[%dma_wait3A_1103, %dma_wait3A_1104] : memref<256x128xi32, #tpu.memory_space<vmem>> -> memref<4x128xi32, #tpu.memory_space<vmem>>
    %dma_wait3A_1106 = arith.constant 0 : i32
    %dma_wait3A_1107 = tpu.memref_slice %arg3[%add3A_164, %dma_wait3A_1106] : memref<8192x128xi32, #tpu.memory_space<hbm>> -> memref<4x128xi32, #tpu.memory_space<hbm>>
    tpu.wait_dma2 semaphore(%arg10 : memref<!tpu.dma_semaphore, #tpu.memory_space<semaphore_mem>>) src(%dma_wait3A_1107 : memref<4x128xi32, #tpu.memory_space<hbm>>) dst(%dma_wait3A_1105 : memref<4x128xi32, #tpu.memory_space<vmem>>)
    %dma_wait3A_1108 = arith.constant 44 : i32
    %dma_wait3A_1109 = arith.constant 0 : i32
    %dma_wait3A_1110 = tpu.memref_slice %arg7[%dma_wait3A_1108, %dma_wait3A_1109] : memref<256x128xi32, #tpu.memory_space<vmem>> -> memref<4x128xi32, #tpu.memory_space<vmem>>
    %dma_wait3A_1111 = arith.constant 0 : i32
    %dma_wait3A_1112 = tpu.memref_slice %arg3[%add3A_179, %dma_wait3A_1111] : memref<8192x128xi32, #tpu.memory_space<hbm>> -> memref<4x128xi32, #tpu.memory_space<hbm>>
    %dma_wait3A_1113 = arith.constant 44 : i32
    %dma_wait3A_1114 = arith.constant 0 : i32
    %dma_wait3A_1115 = tpu.memref_slice %arg7[%dma_wait3A_1113, %dma_wait3A_1114] : memref<256x128xi32, #tpu.memory_space<vmem>> -> memref<4x128xi32, #tpu.memory_space<vmem>>
    %dma_wait3A_1116 = arith.constant 0 : i32
    %dma_wait3A_1117 = tpu.memref_slice %arg3[%add3A_179, %dma_wait3A_1116] : memref<8192x128xi32, #tpu.memory_space<hbm>> -> memref<4x128xi32, #tpu.memory_space<hbm>>
    tpu.wait_dma2 semaphore(%arg10 : memref<!tpu.dma_semaphore, #tpu.memory_space<semaphore_mem>>) src(%dma_wait3A_1117 : memref<4x128xi32, #tpu.memory_space<hbm>>) dst(%dma_wait3A_1115 : memref<4x128xi32, #tpu.memory_space<vmem>>)
    %dma_wait3A_1118 = arith.constant 48 : i32
    %dma_wait3A_1119 = arith.constant 0 : i32
    %dma_wait3A_1120 = tpu.memref_slice %arg7[%dma_wait3A_1118, %dma_wait3A_1119] : memref<256x128xi32, #tpu.memory_space<vmem>> -> memref<4x128xi32, #tpu.memory_space<vmem>>
    %dma_wait3A_1121 = arith.constant 0 : i32
    %dma_wait3A_1122 = tpu.memref_slice %arg3[%add3A_194, %dma_wait3A_1121] : memref<8192x128xi32, #tpu.memory_space<hbm>> -> memref<4x128xi32, #tpu.memory_space<hbm>>
    %dma_wait3A_1123 = arith.constant 48 : i32
    %dma_wait3A_1124 = arith.constant 0 : i32
    %dma_wait3A_1125 = tpu.memref_slice %arg7[%dma_wait3A_1123, %dma_wait3A_1124] : memref<256x128xi32, #tpu.memory_space<vmem>> -> memref<4x128xi32, #tpu.memory_space<vmem>>
    %dma_wait3A_1126 = arith.constant 0 : i32
    %dma_wait3A_1127 = tpu.memref_slice %arg3[%add3A_194, %dma_wait3A_1126] : memref<8192x128xi32, #tpu.memory_space<hbm>> -> memref<4x128xi32, #tpu.memory_space<hbm>>
    tpu.wait_dma2 semaphore(%arg10 : memref<!tpu.dma_semaphore, #tpu.memory_space<semaphore_mem>>) src(%dma_wait3A_1127 : memref<4x128xi32, #tpu.memory_space<hbm>>) dst(%dma_wait3A_1125 : memref<4x128xi32, #tpu.memory_space<vmem>>)
    %dma_wait3A_1128 = arith.constant 52 : i32
    %dma_wait3A_1129 = arith.constant 0 : i32
    %dma_wait3A_1130 = tpu.memref_slice %arg7[%dma_wait3A_1128, %dma_wait3A_1129] : memref<256x128xi32, #tpu.memory_space<vmem>> -> memref<4x128xi32, #tpu.memory_space<vmem>>
    %dma_wait3A_1131 = arith.constant 0 : i32
    %dma_wait3A_1132 = tpu.memref_slice %arg3[%add3A_209, %dma_wait3A_1131] : memref<8192x128xi32, #tpu.memory_space<hbm>> -> memref<4x128xi32, #tpu.memory_space<hbm>>
    %dma_wait3A_1133 = arith.constant 52 : i32
    %dma_wait3A_1134 = arith.constant 0 : i32
    %dma_wait3A_1135 = tpu.memref_slice %arg7[%dma_wait3A_1133, %dma_wait3A_1134] : memref<256x128xi32, #tpu.memory_space<vmem>> -> memref<4x128xi32, #tpu.memory_space<vmem>>
    %dma_wait3A_1136 = arith.constant 0 : i32
    %dma_wait3A_1137 = tpu.memref_slice %arg3[%add3A_209, %dma_wait3A_1136] : memref<8192x128xi32, #tpu.memory_space<hbm>> -> memref<4x128xi32, #tpu.memory_space<hbm>>
    tpu.wait_dma2 semaphore(%arg10 : memref<!tpu.dma_semaphore, #tpu.memory_space<semaphore_mem>>) src(%dma_wait3A_1137 : memref<4x128xi32, #tpu.memory_space<hbm>>) dst(%dma_wait3A_1135 : memref<4x128xi32, #tpu.memory_space<vmem>>)
    %dma_wait3A_1138 = arith.constant 56 : i32
    %dma_wait3A_1139 = arith.constant 0 : i32
    %dma_wait3A_1140 = tpu.memref_slice %arg7[%dma_wait3A_1138, %dma_wait3A_1139] : memref<256x128xi32, #tpu.memory_space<vmem>> -> memref<4x128xi32, #tpu.memory_space<vmem>>
    %dma_wait3A_1141 = arith.constant 0 : i32
    %dma_wait3A_1142 = tpu.memref_slice %arg3[%add3A_224, %dma_wait3A_1141] : memref<8192x128xi32, #tpu.memory_space<hbm>> -> memref<4x128xi32, #tpu.memory_space<hbm>>
    %dma_wait3A_1143 = arith.constant 56 : i32
    %dma_wait3A_1144 = arith.constant 0 : i32
    %dma_wait3A_1145 = tpu.memref_slice %arg7[%dma_wait3A_1143, %dma_wait3A_1144] : memref<256x128xi32, #tpu.memory_space<vmem>> -> memref<4x128xi32, #tpu.memory_space<vmem>>
    %dma_wait3A_1146 = arith.constant 0 : i32
    %dma_wait3A_1147 = tpu.memref_slice %arg3[%add3A_224, %dma_wait3A_1146] : memref<8192x128xi32, #tpu.memory_space<hbm>> -> memref<4x128xi32, #tpu.memory_space<hbm>>
    tpu.wait_dma2 semaphore(%arg10 : memref<!tpu.dma_semaphore, #tpu.memory_space<semaphore_mem>>) src(%dma_wait3A_1147 : memref<4x128xi32, #tpu.memory_space<hbm>>) dst(%dma_wait3A_1145 : memref<4x128xi32, #tpu.memory_space<vmem>>)
    %dma_wait3A_1148 = arith.constant 60 : i32
    %dma_wait3A_1149 = arith.constant 0 : i32
    %dma_wait3A_1150 = tpu.memref_slice %arg7[%dma_wait3A_1148, %dma_wait3A_1149] : memref<256x128xi32, #tpu.memory_space<vmem>> -> memref<4x128xi32, #tpu.memory_space<vmem>>
    %dma_wait3A_1151 = arith.constant 0 : i32
    %dma_wait3A_1152 = tpu.memref_slice %arg3[%add3A_239, %dma_wait3A_1151] : memref<8192x128xi32, #tpu.memory_space<hbm>> -> memref<4x128xi32, #tpu.memory_space<hbm>>
    %dma_wait3A_1153 = arith.constant 60 : i32
    %dma_wait3A_1154 = arith.constant 0 : i32
    %dma_wait3A_1155 = tpu.memref_slice %arg7[%dma_wait3A_1153, %dma_wait3A_1154] : memref<256x128xi32, #tpu.memory_space<vmem>> -> memref<4x128xi32, #tpu.memory_space<vmem>>
    %dma_wait3A_1156 = arith.constant 0 : i32
    %dma_wait3A_1157 = tpu.memref_slice %arg3[%add3A_239, %dma_wait3A_1156] : memref<8192x128xi32, #tpu.memory_space<hbm>> -> memref<4x128xi32, #tpu.memory_space<hbm>>
    tpu.wait_dma2 semaphore(%arg10 : memref<!tpu.dma_semaphore, #tpu.memory_space<semaphore_mem>>) src(%dma_wait3A_1157 : memref<4x128xi32, #tpu.memory_space<hbm>>) dst(%dma_wait3A_1155 : memref<4x128xi32, #tpu.memory_space<vmem>>)
    %dma_wait3A_1158 = arith.constant 64 : i32
    %dma_wait3A_1159 = arith.constant 0 : i32
    %dma_wait3A_1160 = tpu.memref_slice %arg7[%dma_wait3A_1158, %dma_wait3A_1159] : memref<256x128xi32, #tpu.memory_space<vmem>> -> memref<4x128xi32, #tpu.memory_space<vmem>>
    %dma_wait3A_1161 = arith.constant 0 : i32
    %dma_wait3A_1162 = tpu.memref_slice %arg3[%add3A_254, %dma_wait3A_1161] : memref<8192x128xi32, #tpu.memory_space<hbm>> -> memref<4x128xi32, #tpu.memory_space<hbm>>
    %dma_wait3A_1163 = arith.constant 64 : i32
    %dma_wait3A_1164 = arith.constant 0 : i32
    %dma_wait3A_1165 = tpu.memref_slice %arg7[%dma_wait3A_1163, %dma_wait3A_1164] : memref<256x128xi32, #tpu.memory_space<vmem>> -> memref<4x128xi32, #tpu.memory_space<vmem>>
    %dma_wait3A_1166 = arith.constant 0 : i32
    %dma_wait3A_1167 = tpu.memref_slice %arg3[%add3A_254, %dma_wait3A_1166] : memref<8192x128xi32, #tpu.memory_space<hbm>> -> memref<4x128xi32, #tpu.memory_space<hbm>>
    tpu.wait_dma2 semaphore(%arg10 : memref<!tpu.dma_semaphore, #tpu.memory_space<semaphore_mem>>) src(%dma_wait3A_1167 : memref<4x128xi32, #tpu.memory_space<hbm>>) dst(%dma_wait3A_1165 : memref<4x128xi32, #tpu.memory_space<vmem>>)
    %dma_wait3A_1168 = arith.constant 68 : i32
    %dma_wait3A_1169 = arith.constant 0 : i32
    %dma_wait3A_1170 = tpu.memref_slice %arg7[%dma_wait3A_1168, %dma_wait3A_1169] : memref<256x128xi32, #tpu.memory_space<vmem>> -> memref<4x128xi32, #tpu.memory_space<vmem>>
    %dma_wait3A_1171 = arith.constant 0 : i32
    %dma_wait3A_1172 = tpu.memref_slice %arg3[%add3A_269, %dma_wait3A_1171] : memref<8192x128xi32, #tpu.memory_space<hbm>> -> memref<4x128xi32, #tpu.memory_space<hbm>>
    %dma_wait3A_1173 = arith.constant 68 : i32
    %dma_wait3A_1174 = arith.constant 0 : i32
    %dma_wait3A_1175 = tpu.memref_slice %arg7[%dma_wait3A_1173, %dma_wait3A_1174] : memref<256x128xi32, #tpu.memory_space<vmem>> -> memref<4x128xi32, #tpu.memory_space<vmem>>
    %dma_wait3A_1176 = arith.constant 0 : i32
    %dma_wait3A_1177 = tpu.memref_slice %arg3[%add3A_269, %dma_wait3A_1176] : memref<8192x128xi32, #tpu.memory_space<hbm>> -> memref<4x128xi32, #tpu.memory_space<hbm>>
    tpu.wait_dma2 semaphore(%arg10 : memref<!tpu.dma_semaphore, #tpu.memory_space<semaphore_mem>>) src(%dma_wait3A_1177 : memref<4x128xi32, #tpu.memory_space<hbm>>) dst(%dma_wait3A_1175 : memref<4x128xi32, #tpu.memory_space<vmem>>)
    %dma_wait3A_1178 = arith.constant 72 : i32
    %dma_wait3A_1179 = arith.constant 0 : i32
    %dma_wait3A_1180 = tpu.memref_slice %arg7[%dma_wait3A_1178, %dma_wait3A_1179] : memref<256x128xi32, #tpu.memory_space<vmem>> -> memref<4x128xi32, #tpu.memory_space<vmem>>
    %dma_wait3A_1181 = arith.constant 0 : i32
    %dma_wait3A_1182 = tpu.memref_slice %arg3[%add3A_284, %dma_wait3A_1181] : memref<8192x128xi32, #tpu.memory_space<hbm>> -> memref<4x128xi32, #tpu.memory_space<hbm>>
    %dma_wait3A_1183 = arith.constant 72 : i32
    %dma_wait3A_1184 = arith.constant 0 : i32
    %dma_wait3A_1185 = tpu.memref_slice %arg7[%dma_wait3A_1183, %dma_wait3A_1184] : memref<256x128xi32, #tpu.memory_space<vmem>> -> memref<4x128xi32, #tpu.memory_space<vmem>>
    %dma_wait3A_1186 = arith.constant 0 : i32
    %dma_wait3A_1187 = tpu.memref_slice %arg3[%add3A_284, %dma_wait3A_1186] : memref<8192x128xi32, #tpu.memory_space<hbm>> -> memref<4x128xi32, #tpu.memory_space<hbm>>
    tpu.wait_dma2 semaphore(%arg10 : memref<!tpu.dma_semaphore, #tpu.memory_space<semaphore_mem>>) src(%dma_wait3A_1187 : memref<4x128xi32, #tpu.memory_space<hbm>>) dst(%dma_wait3A_1185 : memref<4x128xi32, #tpu.memory_space<vmem>>)
    %dma_wait3A_1188 = arith.constant 76 : i32
    %dma_wait3A_1189 = arith.constant 0 : i32
    %dma_wait3A_1190 = tpu.memref_slice %arg7[%dma_wait3A_1188, %dma_wait3A_1189] : memref<256x128xi32, #tpu.memory_space<vmem>> -> memref<4x128xi32, #tpu.memory_space<vmem>>
    %dma_wait3A_1191 = arith.constant 0 : i32
    %dma_wait3A_1192 = tpu.memref_slice %arg3[%add3A_299, %dma_wait3A_1191] : memref<8192x128xi32, #tpu.memory_space<hbm>> -> memref<4x128xi32, #tpu.memory_space<hbm>>
    %dma_wait3A_1193 = arith.constant 76 : i32
    %dma_wait3A_1194 = arith.constant 0 : i32
    %dma_wait3A_1195 = tpu.memref_slice %arg7[%dma_wait3A_1193, %dma_wait3A_1194] : memref<256x128xi32, #tpu.memory_space<vmem>> -> memref<4x128xi32, #tpu.memory_space<vmem>>
    %dma_wait3A_1196 = arith.constant 0 : i32
    %dma_wait3A_1197 = tpu.memref_slice %arg3[%add3A_299, %dma_wait3A_1196] : memref<8192x128xi32, #tpu.memory_space<hbm>> -> memref<4x128xi32, #tpu.memory_space<hbm>>
    tpu.wait_dma2 semaphore(%arg10 : memref<!tpu.dma_semaphore, #tpu.memory_space<semaphore_mem>>) src(%dma_wait3A_1197 : memref<4x128xi32, #tpu.memory_space<hbm>>) dst(%dma_wait3A_1195 : memref<4x128xi32, #tpu.memory_space<vmem>>)
    %dma_wait3A_1198 = arith.constant 80 : i32
    %dma_wait3A_1199 = arith.constant 0 : i32
    %dma_wait3A_1200 = tpu.memref_slice %arg7[%dma_wait3A_1198, %dma_wait3A_1199] : memref<256x128xi32, #tpu.memory_space<vmem>> -> memref<4x128xi32, #tpu.memory_space<vmem>>
    %dma_wait3A_1201 = arith.constant 0 : i32
    %dma_wait3A_1202 = tpu.memref_slice %arg3[%add3A_314, %dma_wait3A_1201] : memref<8192x128xi32, #tpu.memory_space<hbm>> -> memref<4x128xi32, #tpu.memory_space<hbm>>
    %dma_wait3A_1203 = arith.constant 80 : i32
    %dma_wait3A_1204 = arith.constant 0 : i32
    %dma_wait3A_1205 = tpu.memref_slice %arg7[%dma_wait3A_1203, %dma_wait3A_1204] : memref<256x128xi32, #tpu.memory_space<vmem>> -> memref<4x128xi32, #tpu.memory_space<vmem>>
    %dma_wait3A_1206 = arith.constant 0 : i32
    %dma_wait3A_1207 = tpu.memref_slice %arg3[%add3A_314, %dma_wait3A_1206] : memref<8192x128xi32, #tpu.memory_space<hbm>> -> memref<4x128xi32, #tpu.memory_space<hbm>>
    tpu.wait_dma2 semaphore(%arg10 : memref<!tpu.dma_semaphore, #tpu.memory_space<semaphore_mem>>) src(%dma_wait3A_1207 : memref<4x128xi32, #tpu.memory_space<hbm>>) dst(%dma_wait3A_1205 : memref<4x128xi32, #tpu.memory_space<vmem>>)
    %dma_wait3A_1208 = arith.constant 84 : i32
    %dma_wait3A_1209 = arith.constant 0 : i32
    %dma_wait3A_1210 = tpu.memref_slice %arg7[%dma_wait3A_1208, %dma_wait3A_1209] : memref<256x128xi32, #tpu.memory_space<vmem>> -> memref<4x128xi32, #tpu.memory_space<vmem>>
    %dma_wait3A_1211 = arith.constant 0 : i32
    %dma_wait3A_1212 = tpu.memref_slice %arg3[%add3A_329, %dma_wait3A_1211] : memref<8192x128xi32, #tpu.memory_space<hbm>> -> memref<4x128xi32, #tpu.memory_space<hbm>>
    %dma_wait3A_1213 = arith.constant 84 : i32
    %dma_wait3A_1214 = arith.constant 0 : i32
    %dma_wait3A_1215 = tpu.memref_slice %arg7[%dma_wait3A_1213, %dma_wait3A_1214] : memref<256x128xi32, #tpu.memory_space<vmem>> -> memref<4x128xi32, #tpu.memory_space<vmem>>
    %dma_wait3A_1216 = arith.constant 0 : i32
    %dma_wait3A_1217 = tpu.memref_slice %arg3[%add3A_329, %dma_wait3A_1216] : memref<8192x128xi32, #tpu.memory_space<hbm>> -> memref<4x128xi32, #tpu.memory_space<hbm>>
    tpu.wait_dma2 semaphore(%arg10 : memref<!tpu.dma_semaphore, #tpu.memory_space<semaphore_mem>>) src(%dma_wait3A_1217 : memref<4x128xi32, #tpu.memory_space<hbm>>) dst(%dma_wait3A_1215 : memref<4x128xi32, #tpu.memory_space<vmem>>)
    %dma_wait3A_1218 = arith.constant 88 : i32
    %dma_wait3A_1219 = arith.constant 0 : i32
    %dma_wait3A_1220 = tpu.memref_slice %arg7[%dma_wait3A_1218, %dma_wait3A_1219] : memref<256x128xi32, #tpu.memory_space<vmem>> -> memref<4x128xi32, #tpu.memory_space<vmem>>
    %dma_wait3A_1221 = arith.constant 0 : i32
    %dma_wait3A_1222 = tpu.memref_slice %arg3[%add3A_344, %dma_wait3A_1221] : memref<8192x128xi32, #tpu.memory_space<hbm>> -> memref<4x128xi32, #tpu.memory_space<hbm>>
    %dma_wait3A_1223 = arith.constant 88 : i32
    %dma_wait3A_1224 = arith.constant 0 : i32
    %dma_wait3A_1225 = tpu.memref_slice %arg7[%dma_wait3A_1223, %dma_wait3A_1224] : memref<256x128xi32, #tpu.memory_space<vmem>> -> memref<4x128xi32, #tpu.memory_space<vmem>>
    %dma_wait3A_1226 = arith.constant 0 : i32
    %dma_wait3A_1227 = tpu.memref_slice %arg3[%add3A_344, %dma_wait3A_1226] : memref<8192x128xi32, #tpu.memory_space<hbm>> -> memref<4x128xi32, #tpu.memory_space<hbm>>
    tpu.wait_dma2 semaphore(%arg10 : memref<!tpu.dma_semaphore, #tpu.memory_space<semaphore_mem>>) src(%dma_wait3A_1227 : memref<4x128xi32, #tpu.memory_space<hbm>>) dst(%dma_wait3A_1225 : memref<4x128xi32, #tpu.memory_space<vmem>>)
    %dma_wait3A_1228 = arith.constant 92 : i32
    %dma_wait3A_1229 = arith.constant 0 : i32
    %dma_wait3A_1230 = tpu.memref_slice %arg7[%dma_wait3A_1228, %dma_wait3A_1229] : memref<256x128xi32, #tpu.memory_space<vmem>> -> memref<4x128xi32, #tpu.memory_space<vmem>>
    %dma_wait3A_1231 = arith.constant 0 : i32
    %dma_wait3A_1232 = tpu.memref_slice %arg3[%add3A_359, %dma_wait3A_1231] : memref<8192x128xi32, #tpu.memory_space<hbm>> -> memref<4x128xi32, #tpu.memory_space<hbm>>
    %dma_wait3A_1233 = arith.constant 92 : i32
    %dma_wait3A_1234 = arith.constant 0 : i32
    %dma_wait3A_1235 = tpu.memref_slice %arg7[%dma_wait3A_1233, %dma_wait3A_1234] : memref<256x128xi32, #tpu.memory_space<vmem>> -> memref<4x128xi32, #tpu.memory_space<vmem>>
    %dma_wait3A_1236 = arith.constant 0 : i32
    %dma_wait3A_1237 = tpu.memref_slice %arg3[%add3A_359, %dma_wait3A_1236] : memref<8192x128xi32, #tpu.memory_space<hbm>> -> memref<4x128xi32, #tpu.memory_space<hbm>>
    tpu.wait_dma2 semaphore(%arg10 : memref<!tpu.dma_semaphore, #tpu.memory_space<semaphore_mem>>) src(%dma_wait3A_1237 : memref<4x128xi32, #tpu.memory_space<hbm>>) dst(%dma_wait3A_1235 : memref<4x128xi32, #tpu.memory_space<vmem>>)
    %dma_wait3A_1238 = arith.constant 96 : i32
    %dma_wait3A_1239 = arith.constant 0 : i32
    %dma_wait3A_1240 = tpu.memref_slice %arg7[%dma_wait3A_1238, %dma_wait3A_1239] : memref<256x128xi32, #tpu.memory_space<vmem>> -> memref<4x128xi32, #tpu.memory_space<vmem>>
    %dma_wait3A_1241 = arith.constant 0 : i32
    %dma_wait3A_1242 = tpu.memref_slice %arg3[%add3A_374, %dma_wait3A_1241] : memref<8192x128xi32, #tpu.memory_space<hbm>> -> memref<4x128xi32, #tpu.memory_space<hbm>>
    %dma_wait3A_1243 = arith.constant 96 : i32
    %dma_wait3A_1244 = arith.constant 0 : i32
    %dma_wait3A_1245 = tpu.memref_slice %arg7[%dma_wait3A_1243, %dma_wait3A_1244] : memref<256x128xi32, #tpu.memory_space<vmem>> -> memref<4x128xi32, #tpu.memory_space<vmem>>
    %dma_wait3A_1246 = arith.constant 0 : i32
    %dma_wait3A_1247 = tpu.memref_slice %arg3[%add3A_374, %dma_wait3A_1246] : memref<8192x128xi32, #tpu.memory_space<hbm>> -> memref<4x128xi32, #tpu.memory_space<hbm>>
    tpu.wait_dma2 semaphore(%arg10 : memref<!tpu.dma_semaphore, #tpu.memory_space<semaphore_mem>>) src(%dma_wait3A_1247 : memref<4x128xi32, #tpu.memory_space<hbm>>) dst(%dma_wait3A_1245 : memref<4x128xi32, #tpu.memory_space<vmem>>)
    %dma_wait3A_1248 = arith.constant 100 : i32
    %dma_wait3A_1249 = arith.constant 0 : i32
    %dma_wait3A_1250 = tpu.memref_slice %arg7[%dma_wait3A_1248, %dma_wait3A_1249] : memref<256x128xi32, #tpu.memory_space<vmem>> -> memref<4x128xi32, #tpu.memory_space<vmem>>
    %dma_wait3A_1251 = arith.constant 0 : i32
    %dma_wait3A_1252 = tpu.memref_slice %arg3[%add3A_389, %dma_wait3A_1251] : memref<8192x128xi32, #tpu.memory_space<hbm>> -> memref<4x128xi32, #tpu.memory_space<hbm>>
    %dma_wait3A_1253 = arith.constant 100 : i32
    %dma_wait3A_1254 = arith.constant 0 : i32
    %dma_wait3A_1255 = tpu.memref_slice %arg7[%dma_wait3A_1253, %dma_wait3A_1254] : memref<256x128xi32, #tpu.memory_space<vmem>> -> memref<4x128xi32, #tpu.memory_space<vmem>>
    %dma_wait3A_1256 = arith.constant 0 : i32
    %dma_wait3A_1257 = tpu.memref_slice %arg3[%add3A_389, %dma_wait3A_1256] : memref<8192x128xi32, #tpu.memory_space<hbm>> -> memref<4x128xi32, #tpu.memory_space<hbm>>
    tpu.wait_dma2 semaphore(%arg10 : memref<!tpu.dma_semaphore, #tpu.memory_space<semaphore_mem>>) src(%dma_wait3A_1257 : memref<4x128xi32, #tpu.memory_space<hbm>>) dst(%dma_wait3A_1255 : memref<4x128xi32, #tpu.memory_space<vmem>>)
    %dma_wait3A_1258 = arith.constant 104 : i32
    %dma_wait3A_1259 = arith.constant 0 : i32
    %dma_wait3A_1260 = tpu.memref_slice %arg7[%dma_wait3A_1258, %dma_wait3A_1259] : memref<256x128xi32, #tpu.memory_space<vmem>> -> memref<4x128xi32, #tpu.memory_space<vmem>>
    %dma_wait3A_1261 = arith.constant 0 : i32
    %dma_wait3A_1262 = tpu.memref_slice %arg3[%add3A_404, %dma_wait3A_1261] : memref<8192x128xi32, #tpu.memory_space<hbm>> -> memref<4x128xi32, #tpu.memory_space<hbm>>
    %dma_wait3A_1263 = arith.constant 104 : i32
    %dma_wait3A_1264 = arith.constant 0 : i32
    %dma_wait3A_1265 = tpu.memref_slice %arg7[%dma_wait3A_1263, %dma_wait3A_1264] : memref<256x128xi32, #tpu.memory_space<vmem>> -> memref<4x128xi32, #tpu.memory_space<vmem>>
    %dma_wait3A_1266 = arith.constant 0 : i32
    %dma_wait3A_1267 = tpu.memref_slice %arg3[%add3A_404, %dma_wait3A_1266] : memref<8192x128xi32, #tpu.memory_space<hbm>> -> memref<4x128xi32, #tpu.memory_space<hbm>>
    tpu.wait_dma2 semaphore(%arg10 : memref<!tpu.dma_semaphore, #tpu.memory_space<semaphore_mem>>) src(%dma_wait3A_1267 : memref<4x128xi32, #tpu.memory_space<hbm>>) dst(%dma_wait3A_1265 : memref<4x128xi32, #tpu.memory_space<vmem>>)
    %dma_wait3A_1268 = arith.constant 108 : i32
    %dma_wait3A_1269 = arith.constant 0 : i32
    %dma_wait3A_1270 = tpu.memref_slice %arg7[%dma_wait3A_1268, %dma_wait3A_1269] : memref<256x128xi32, #tpu.memory_space<vmem>> -> memref<4x128xi32, #tpu.memory_space<vmem>>
    %dma_wait3A_1271 = arith.constant 0 : i32
    %dma_wait3A_1272 = tpu.memref_slice %arg3[%add3A_419, %dma_wait3A_1271] : memref<8192x128xi32, #tpu.memory_space<hbm>> -> memref<4x128xi32, #tpu.memory_space<hbm>>
    %dma_wait3A_1273 = arith.constant 108 : i32
    %dma_wait3A_1274 = arith.constant 0 : i32
    %dma_wait3A_1275 = tpu.memref_slice %arg7[%dma_wait3A_1273, %dma_wait3A_1274] : memref<256x128xi32, #tpu.memory_space<vmem>> -> memref<4x128xi32, #tpu.memory_space<vmem>>
    %dma_wait3A_1276 = arith.constant 0 : i32
    %dma_wait3A_1277 = tpu.memref_slice %arg3[%add3A_419, %dma_wait3A_1276] : memref<8192x128xi32, #tpu.memory_space<hbm>> -> memref<4x128xi32, #tpu.memory_space<hbm>>
    tpu.wait_dma2 semaphore(%arg10 : memref<!tpu.dma_semaphore, #tpu.memory_space<semaphore_mem>>) src(%dma_wait3A_1277 : memref<4x128xi32, #tpu.memory_space<hbm>>) dst(%dma_wait3A_1275 : memref<4x128xi32, #tpu.memory_space<vmem>>)
    %dma_wait3A_1278 = arith.constant 112 : i32
    %dma_wait3A_1279 = arith.constant 0 : i32
    %dma_wait3A_1280 = tpu.memref_slice %arg7[%dma_wait3A_1278, %dma_wait3A_1279] : memref<256x128xi32, #tpu.memory_space<vmem>> -> memref<4x128xi32, #tpu.memory_space<vmem>>
    %dma_wait3A_1281 = arith.constant 0 : i32
    %dma_wait3A_1282 = tpu.memref_slice %arg3[%add3A_434, %dma_wait3A_1281] : memref<8192x128xi32, #tpu.memory_space<hbm>> -> memref<4x128xi32, #tpu.memory_space<hbm>>
    %dma_wait3A_1283 = arith.constant 112 : i32
    %dma_wait3A_1284 = arith.constant 0 : i32
    %dma_wait3A_1285 = tpu.memref_slice %arg7[%dma_wait3A_1283, %dma_wait3A_1284] : memref<256x128xi32, #tpu.memory_space<vmem>> -> memref<4x128xi32, #tpu.memory_space<vmem>>
    %dma_wait3A_1286 = arith.constant 0 : i32
    %dma_wait3A_1287 = tpu.memref_slice %arg3[%add3A_434, %dma_wait3A_1286] : memref<8192x128xi32, #tpu.memory_space<hbm>> -> memref<4x128xi32, #tpu.memory_space<hbm>>
    tpu.wait_dma2 semaphore(%arg10 : memref<!tpu.dma_semaphore, #tpu.memory_space<semaphore_mem>>) src(%dma_wait3A_1287 : memref<4x128xi32, #tpu.memory_space<hbm>>) dst(%dma_wait3A_1285 : memref<4x128xi32, #tpu.memory_space<vmem>>)
    %dma_wait3A_1288 = arith.constant 116 : i32
    %dma_wait3A_1289 = arith.constant 0 : i32
    %dma_wait3A_1290 = tpu.memref_slice %arg7[%dma_wait3A_1288, %dma_wait3A_1289] : memref<256x128xi32, #tpu.memory_space<vmem>> -> memref<4x128xi32, #tpu.memory_space<vmem>>
    %dma_wait3A_1291 = arith.constant 0 : i32
    %dma_wait3A_1292 = tpu.memref_slice %arg3[%add3A_449, %dma_wait3A_1291] : memref<8192x128xi32, #tpu.memory_space<hbm>> -> memref<4x128xi32, #tpu.memory_space<hbm>>
    %dma_wait3A_1293 = arith.constant 116 : i32
    %dma_wait3A_1294 = arith.constant 0 : i32
    %dma_wait3A_1295 = tpu.memref_slice %arg7[%dma_wait3A_1293, %dma_wait3A_1294] : memref<256x128xi32, #tpu.memory_space<vmem>> -> memref<4x128xi32, #tpu.memory_space<vmem>>
    %dma_wait3A_1296 = arith.constant 0 : i32
    %dma_wait3A_1297 = tpu.memref_slice %arg3[%add3A_449, %dma_wait3A_1296] : memref<8192x128xi32, #tpu.memory_space<hbm>> -> memref<4x128xi32, #tpu.memory_space<hbm>>
    tpu.wait_dma2 semaphore(%arg10 : memref<!tpu.dma_semaphore, #tpu.memory_space<semaphore_mem>>) src(%dma_wait3A_1297 : memref<4x128xi32, #tpu.memory_space<hbm>>) dst(%dma_wait3A_1295 : memref<4x128xi32, #tpu.memory_space<vmem>>)
    %dma_wait3A_1298 = arith.constant 120 : i32
    %dma_wait3A_1299 = arith.constant 0 : i32
    %dma_wait3A_1300 = tpu.memref_slice %arg7[%dma_wait3A_1298, %dma_wait3A_1299] : memref<256x128xi32, #tpu.memory_space<vmem>> -> memref<4x128xi32, #tpu.memory_space<vmem>>
    %dma_wait3A_1301 = arith.constant 0 : i32
    %dma_wait3A_1302 = tpu.memref_slice %arg3[%add3A_464, %dma_wait3A_1301] : memref<8192x128xi32, #tpu.memory_space<hbm>> -> memref<4x128xi32, #tpu.memory_space<hbm>>
    %dma_wait3A_1303 = arith.constant 120 : i32
    %dma_wait3A_1304 = arith.constant 0 : i32
    %dma_wait3A_1305 = tpu.memref_slice %arg7[%dma_wait3A_1303, %dma_wait3A_1304] : memref<256x128xi32, #tpu.memory_space<vmem>> -> memref<4x128xi32, #tpu.memory_space<vmem>>
    %dma_wait3A_1306 = arith.constant 0 : i32
    %dma_wait3A_1307 = tpu.memref_slice %arg3[%add3A_464, %dma_wait3A_1306] : memref<8192x128xi32, #tpu.memory_space<hbm>> -> memref<4x128xi32, #tpu.memory_space<hbm>>
    tpu.wait_dma2 semaphore(%arg10 : memref<!tpu.dma_semaphore, #tpu.memory_space<semaphore_mem>>) src(%dma_wait3A_1307 : memref<4x128xi32, #tpu.memory_space<hbm>>) dst(%dma_wait3A_1305 : memref<4x128xi32, #tpu.memory_space<vmem>>)
    %dma_wait3A_1308 = arith.constant 124 : i32
    %dma_wait3A_1309 = arith.constant 0 : i32
    %dma_wait3A_1310 = tpu.memref_slice %arg7[%dma_wait3A_1308, %dma_wait3A_1309] : memref<256x128xi32, #tpu.memory_space<vmem>> -> memref<4x128xi32, #tpu.memory_space<vmem>>
    %dma_wait3A_1311 = arith.constant 0 : i32
    %dma_wait3A_1312 = tpu.memref_slice %arg3[%add3A_479, %dma_wait3A_1311] : memref<8192x128xi32, #tpu.memory_space<hbm>> -> memref<4x128xi32, #tpu.memory_space<hbm>>
    %dma_wait3A_1313 = arith.constant 124 : i32
    %dma_wait3A_1314 = arith.constant 0 : i32
    %dma_wait3A_1315 = tpu.memref_slice %arg7[%dma_wait3A_1313, %dma_wait3A_1314] : memref<256x128xi32, #tpu.memory_space<vmem>> -> memref<4x128xi32, #tpu.memory_space<vmem>>
    %dma_wait3A_1316 = arith.constant 0 : i32
    %dma_wait3A_1317 = tpu.memref_slice %arg3[%add3A_479, %dma_wait3A_1316] : memref<8192x128xi32, #tpu.memory_space<hbm>> -> memref<4x128xi32, #tpu.memory_space<hbm>>
    tpu.wait_dma2 semaphore(%arg10 : memref<!tpu.dma_semaphore, #tpu.memory_space<semaphore_mem>>) src(%dma_wait3A_1317 : memref<4x128xi32, #tpu.memory_space<hbm>>) dst(%dma_wait3A_1315 : memref<4x128xi32, #tpu.memory_space<vmem>>)
    %dma_wait3A_1318 = arith.constant 128 : i32
    %dma_wait3A_1319 = arith.constant 0 : i32
    %dma_wait3A_1320 = tpu.memref_slice %arg7[%dma_wait3A_1318, %dma_wait3A_1319] : memref<256x128xi32, #tpu.memory_space<vmem>> -> memref<4x128xi32, #tpu.memory_space<vmem>>
    %dma_wait3A_1321 = arith.constant 0 : i32
    %dma_wait3A_1322 = tpu.memref_slice %arg3[%add3A_494, %dma_wait3A_1321] : memref<8192x128xi32, #tpu.memory_space<hbm>> -> memref<4x128xi32, #tpu.memory_space<hbm>>
    %dma_wait3A_1323 = arith.constant 128 : i32
    %dma_wait3A_1324 = arith.constant 0 : i32
    %dma_wait3A_1325 = tpu.memref_slice %arg7[%dma_wait3A_1323, %dma_wait3A_1324] : memref<256x128xi32, #tpu.memory_space<vmem>> -> memref<4x128xi32, #tpu.memory_space<vmem>>
    %dma_wait3A_1326 = arith.constant 0 : i32
    %dma_wait3A_1327 = tpu.memref_slice %arg3[%add3A_494, %dma_wait3A_1326] : memref<8192x128xi32, #tpu.memory_space<hbm>> -> memref<4x128xi32, #tpu.memory_space<hbm>>
    tpu.wait_dma2 semaphore(%arg10 : memref<!tpu.dma_semaphore, #tpu.memory_space<semaphore_mem>>) src(%dma_wait3A_1327 : memref<4x128xi32, #tpu.memory_space<hbm>>) dst(%dma_wait3A_1325 : memref<4x128xi32, #tpu.memory_space<vmem>>)
    %dma_wait3A_1328 = arith.constant 132 : i32
    %dma_wait3A_1329 = arith.constant 0 : i32
    %dma_wait3A_1330 = tpu.memref_slice %arg7[%dma_wait3A_1328, %dma_wait3A_1329] : memref<256x128xi32, #tpu.memory_space<vmem>> -> memref<4x128xi32, #tpu.memory_space<vmem>>
    %dma_wait3A_1331 = arith.constant 0 : i32
    %dma_wait3A_1332 = tpu.memref_slice %arg3[%add3A_509, %dma_wait3A_1331] : memref<8192x128xi32, #tpu.memory_space<hbm>> -> memref<4x128xi32, #tpu.memory_space<hbm>>
    %dma_wait3A_1333 = arith.constant 132 : i32
    %dma_wait3A_1334 = arith.constant 0 : i32
    %dma_wait3A_1335 = tpu.memref_slice %arg7[%dma_wait3A_1333, %dma_wait3A_1334] : memref<256x128xi32, #tpu.memory_space<vmem>> -> memref<4x128xi32, #tpu.memory_space<vmem>>
    %dma_wait3A_1336 = arith.constant 0 : i32
    %dma_wait3A_1337 = tpu.memref_slice %arg3[%add3A_509, %dma_wait3A_1336] : memref<8192x128xi32, #tpu.memory_space<hbm>> -> memref<4x128xi32, #tpu.memory_space<hbm>>
    tpu.wait_dma2 semaphore(%arg10 : memref<!tpu.dma_semaphore, #tpu.memory_space<semaphore_mem>>) src(%dma_wait3A_1337 : memref<4x128xi32, #tpu.memory_space<hbm>>) dst(%dma_wait3A_1335 : memref<4x128xi32, #tpu.memory_space<vmem>>)
    %dma_wait3A_1338 = arith.constant 136 : i32
    %dma_wait3A_1339 = arith.constant 0 : i32
    %dma_wait3A_1340 = tpu.memref_slice %arg7[%dma_wait3A_1338, %dma_wait3A_1339] : memref<256x128xi32, #tpu.memory_space<vmem>> -> memref<4x128xi32, #tpu.memory_space<vmem>>
    %dma_wait3A_1341 = arith.constant 0 : i32
    %dma_wait3A_1342 = tpu.memref_slice %arg3[%add3A_524, %dma_wait3A_1341] : memref<8192x128xi32, #tpu.memory_space<hbm>> -> memref<4x128xi32, #tpu.memory_space<hbm>>
    %dma_wait3A_1343 = arith.constant 136 : i32
    %dma_wait3A_1344 = arith.constant 0 : i32
    %dma_wait3A_1345 = tpu.memref_slice %arg7[%dma_wait3A_1343, %dma_wait3A_1344] : memref<256x128xi32, #tpu.memory_space<vmem>> -> memref<4x128xi32, #tpu.memory_space<vmem>>
    %dma_wait3A_1346 = arith.constant 0 : i32
    %dma_wait3A_1347 = tpu.memref_slice %arg3[%add3A_524, %dma_wait3A_1346] : memref<8192x128xi32, #tpu.memory_space<hbm>> -> memref<4x128xi32, #tpu.memory_space<hbm>>
    tpu.wait_dma2 semaphore(%arg10 : memref<!tpu.dma_semaphore, #tpu.memory_space<semaphore_mem>>) src(%dma_wait3A_1347 : memref<4x128xi32, #tpu.memory_space<hbm>>) dst(%dma_wait3A_1345 : memref<4x128xi32, #tpu.memory_space<vmem>>)
    %dma_wait3A_1348 = arith.constant 140 : i32
    %dma_wait3A_1349 = arith.constant 0 : i32
    %dma_wait3A_1350 = tpu.memref_slice %arg7[%dma_wait3A_1348, %dma_wait3A_1349] : memref<256x128xi32, #tpu.memory_space<vmem>> -> memref<4x128xi32, #tpu.memory_space<vmem>>
    %dma_wait3A_1351 = arith.constant 0 : i32
    %dma_wait3A_1352 = tpu.memref_slice %arg3[%add3A_539, %dma_wait3A_1351] : memref<8192x128xi32, #tpu.memory_space<hbm>> -> memref<4x128xi32, #tpu.memory_space<hbm>>
    %dma_wait3A_1353 = arith.constant 140 : i32
    %dma_wait3A_1354 = arith.constant 0 : i32
    %dma_wait3A_1355 = tpu.memref_slice %arg7[%dma_wait3A_1353, %dma_wait3A_1354] : memref<256x128xi32, #tpu.memory_space<vmem>> -> memref<4x128xi32, #tpu.memory_space<vmem>>
    %dma_wait3A_1356 = arith.constant 0 : i32
    %dma_wait3A_1357 = tpu.memref_slice %arg3[%add3A_539, %dma_wait3A_1356] : memref<8192x128xi32, #tpu.memory_space<hbm>> -> memref<4x128xi32, #tpu.memory_space<hbm>>
    tpu.wait_dma2 semaphore(%arg10 : memref<!tpu.dma_semaphore, #tpu.memory_space<semaphore_mem>>) src(%dma_wait3A_1357 : memref<4x128xi32, #tpu.memory_space<hbm>>) dst(%dma_wait3A_1355 : memref<4x128xi32, #tpu.memory_space<vmem>>)
    %dma_wait3A_1358 = arith.constant 144 : i32
    %dma_wait3A_1359 = arith.constant 0 : i32
    %dma_wait3A_1360 = tpu.memref_slice %arg7[%dma_wait3A_1358, %dma_wait3A_1359] : memref<256x128xi32, #tpu.memory_space<vmem>> -> memref<4x128xi32, #tpu.memory_space<vmem>>
    %dma_wait3A_1361 = arith.constant 0 : i32
    %dma_wait3A_1362 = tpu.memref_slice %arg3[%add3A_554, %dma_wait3A_1361] : memref<8192x128xi32, #tpu.memory_space<hbm>> -> memref<4x128xi32, #tpu.memory_space<hbm>>
    %dma_wait3A_1363 = arith.constant 144 : i32
    %dma_wait3A_1364 = arith.constant 0 : i32
    %dma_wait3A_1365 = tpu.memref_slice %arg7[%dma_wait3A_1363, %dma_wait3A_1364] : memref<256x128xi32, #tpu.memory_space<vmem>> -> memref<4x128xi32, #tpu.memory_space<vmem>>
    %dma_wait3A_1366 = arith.constant 0 : i32
    %dma_wait3A_1367 = tpu.memref_slice %arg3[%add3A_554, %dma_wait3A_1366] : memref<8192x128xi32, #tpu.memory_space<hbm>> -> memref<4x128xi32, #tpu.memory_space<hbm>>
    tpu.wait_dma2 semaphore(%arg10 : memref<!tpu.dma_semaphore, #tpu.memory_space<semaphore_mem>>) src(%dma_wait3A_1367 : memref<4x128xi32, #tpu.memory_space<hbm>>) dst(%dma_wait3A_1365 : memref<4x128xi32, #tpu.memory_space<vmem>>)
    %dma_wait3A_1368 = arith.constant 148 : i32
    %dma_wait3A_1369 = arith.constant 0 : i32
    %dma_wait3A_1370 = tpu.memref_slice %arg7[%dma_wait3A_1368, %dma_wait3A_1369] : memref<256x128xi32, #tpu.memory_space<vmem>> -> memref<4x128xi32, #tpu.memory_space<vmem>>
    %dma_wait3A_1371 = arith.constant 0 : i32
    %dma_wait3A_1372 = tpu.memref_slice %arg3[%add3A_569, %dma_wait3A_1371] : memref<8192x128xi32, #tpu.memory_space<hbm>> -> memref<4x128xi32, #tpu.memory_space<hbm>>
    %dma_wait3A_1373 = arith.constant 148 : i32
    %dma_wait3A_1374 = arith.constant 0 : i32
    %dma_wait3A_1375 = tpu.memref_slice %arg7[%dma_wait3A_1373, %dma_wait3A_1374] : memref<256x128xi32, #tpu.memory_space<vmem>> -> memref<4x128xi32, #tpu.memory_space<vmem>>
    %dma_wait3A_1376 = arith.constant 0 : i32
    %dma_wait3A_1377 = tpu.memref_slice %arg3[%add3A_569, %dma_wait3A_1376] : memref<8192x128xi32, #tpu.memory_space<hbm>> -> memref<4x128xi32, #tpu.memory_space<hbm>>
    tpu.wait_dma2 semaphore(%arg10 : memref<!tpu.dma_semaphore, #tpu.memory_space<semaphore_mem>>) src(%dma_wait3A_1377 : memref<4x128xi32, #tpu.memory_space<hbm>>) dst(%dma_wait3A_1375 : memref<4x128xi32, #tpu.memory_space<vmem>>)
    %dma_wait3A_1378 = arith.constant 152 : i32
    %dma_wait3A_1379 = arith.constant 0 : i32
    %dma_wait3A_1380 = tpu.memref_slice %arg7[%dma_wait3A_1378, %dma_wait3A_1379] : memref<256x128xi32, #tpu.memory_space<vmem>> -> memref<4x128xi32, #tpu.memory_space<vmem>>
    %dma_wait3A_1381 = arith.constant 0 : i32
    %dma_wait3A_1382 = tpu.memref_slice %arg3[%add3A_584, %dma_wait3A_1381] : memref<8192x128xi32, #tpu.memory_space<hbm>> -> memref<4x128xi32, #tpu.memory_space<hbm>>
    %dma_wait3A_1383 = arith.constant 152 : i32
    %dma_wait3A_1384 = arith.constant 0 : i32
    %dma_wait3A_1385 = tpu.memref_slice %arg7[%dma_wait3A_1383, %dma_wait3A_1384] : memref<256x128xi32, #tpu.memory_space<vmem>> -> memref<4x128xi32, #tpu.memory_space<vmem>>
    %dma_wait3A_1386 = arith.constant 0 : i32
    %dma_wait3A_1387 = tpu.memref_slice %arg3[%add3A_584, %dma_wait3A_1386] : memref<8192x128xi32, #tpu.memory_space<hbm>> -> memref<4x128xi32, #tpu.memory_space<hbm>>
    tpu.wait_dma2 semaphore(%arg10 : memref<!tpu.dma_semaphore, #tpu.memory_space<semaphore_mem>>) src(%dma_wait3A_1387 : memref<4x128xi32, #tpu.memory_space<hbm>>) dst(%dma_wait3A_1385 : memref<4x128xi32, #tpu.memory_space<vmem>>)
    %dma_wait3A_1388 = arith.constant 156 : i32
    %dma_wait3A_1389 = arith.constant 0 : i32
    %dma_wait3A_1390 = tpu.memref_slice %arg7[%dma_wait3A_1388, %dma_wait3A_1389] : memref<256x128xi32, #tpu.memory_space<vmem>> -> memref<4x128xi32, #tpu.memory_space<vmem>>
    %dma_wait3A_1391 = arith.constant 0 : i32
    %dma_wait3A_1392 = tpu.memref_slice %arg3[%add3A_599, %dma_wait3A_1391] : memref<8192x128xi32, #tpu.memory_space<hbm>> -> memref<4x128xi32, #tpu.memory_space<hbm>>
    %dma_wait3A_1393 = arith.constant 156 : i32
    %dma_wait3A_1394 = arith.constant 0 : i32
    %dma_wait3A_1395 = tpu.memref_slice %arg7[%dma_wait3A_1393, %dma_wait3A_1394] : memref<256x128xi32, #tpu.memory_space<vmem>> -> memref<4x128xi32, #tpu.memory_space<vmem>>
    %dma_wait3A_1396 = arith.constant 0 : i32
    %dma_wait3A_1397 = tpu.memref_slice %arg3[%add3A_599, %dma_wait3A_1396] : memref<8192x128xi32, #tpu.memory_space<hbm>> -> memref<4x128xi32, #tpu.memory_space<hbm>>
    tpu.wait_dma2 semaphore(%arg10 : memref<!tpu.dma_semaphore, #tpu.memory_space<semaphore_mem>>) src(%dma_wait3A_1397 : memref<4x128xi32, #tpu.memory_space<hbm>>) dst(%dma_wait3A_1395 : memref<4x128xi32, #tpu.memory_space<vmem>>)
    %dma_wait3A_1398 = arith.constant 160 : i32
    %dma_wait3A_1399 = arith.constant 0 : i32
    %dma_wait3A_1400 = tpu.memref_slice %arg7[%dma_wait3A_1398, %dma_wait3A_1399] : memref<256x128xi32, #tpu.memory_space<vmem>> -> memref<4x128xi32, #tpu.memory_space<vmem>>
    %dma_wait3A_1401 = arith.constant 0 : i32
    %dma_wait3A_1402 = tpu.memref_slice %arg3[%add3A_614, %dma_wait3A_1401] : memref<8192x128xi32, #tpu.memory_space<hbm>> -> memref<4x128xi32, #tpu.memory_space<hbm>>
    %dma_wait3A_1403 = arith.constant 160 : i32
    %dma_wait3A_1404 = arith.constant 0 : i32
    %dma_wait3A_1405 = tpu.memref_slice %arg7[%dma_wait3A_1403, %dma_wait3A_1404] : memref<256x128xi32, #tpu.memory_space<vmem>> -> memref<4x128xi32, #tpu.memory_space<vmem>>
    %dma_wait3A_1406 = arith.constant 0 : i32
    %dma_wait3A_1407 = tpu.memref_slice %arg3[%add3A_614, %dma_wait3A_1406] : memref<8192x128xi32, #tpu.memory_space<hbm>> -> memref<4x128xi32, #tpu.memory_space<hbm>>
    tpu.wait_dma2 semaphore(%arg10 : memref<!tpu.dma_semaphore, #tpu.memory_space<semaphore_mem>>) src(%dma_wait3A_1407 : memref<4x128xi32, #tpu.memory_space<hbm>>) dst(%dma_wait3A_1405 : memref<4x128xi32, #tpu.memory_space<vmem>>)
    %dma_wait3A_1408 = arith.constant 164 : i32
    %dma_wait3A_1409 = arith.constant 0 : i32
    %dma_wait3A_1410 = tpu.memref_slice %arg7[%dma_wait3A_1408, %dma_wait3A_1409] : memref<256x128xi32, #tpu.memory_space<vmem>> -> memref<4x128xi32, #tpu.memory_space<vmem>>
    %dma_wait3A_1411 = arith.constant 0 : i32
    %dma_wait3A_1412 = tpu.memref_slice %arg3[%add3A_629, %dma_wait3A_1411] : memref<8192x128xi32, #tpu.memory_space<hbm>> -> memref<4x128xi32, #tpu.memory_space<hbm>>
    %dma_wait3A_1413 = arith.constant 164 : i32
    %dma_wait3A_1414 = arith.constant 0 : i32
    %dma_wait3A_1415 = tpu.memref_slice %arg7[%dma_wait3A_1413, %dma_wait3A_1414] : memref<256x128xi32, #tpu.memory_space<vmem>> -> memref<4x128xi32, #tpu.memory_space<vmem>>
    %dma_wait3A_1416 = arith.constant 0 : i32
    %dma_wait3A_1417 = tpu.memref_slice %arg3[%add3A_629, %dma_wait3A_1416] : memref<8192x128xi32, #tpu.memory_space<hbm>> -> memref<4x128xi32, #tpu.memory_space<hbm>>
    tpu.wait_dma2 semaphore(%arg10 : memref<!tpu.dma_semaphore, #tpu.memory_space<semaphore_mem>>) src(%dma_wait3A_1417 : memref<4x128xi32, #tpu.memory_space<hbm>>) dst(%dma_wait3A_1415 : memref<4x128xi32, #tpu.memory_space<vmem>>)
    %dma_wait3A_1418 = arith.constant 168 : i32
    %dma_wait3A_1419 = arith.constant 0 : i32
    %dma_wait3A_1420 = tpu.memref_slice %arg7[%dma_wait3A_1418, %dma_wait3A_1419] : memref<256x128xi32, #tpu.memory_space<vmem>> -> memref<4x128xi32, #tpu.memory_space<vmem>>
    %dma_wait3A_1421 = arith.constant 0 : i32
    %dma_wait3A_1422 = tpu.memref_slice %arg3[%add3A_644, %dma_wait3A_1421] : memref<8192x128xi32, #tpu.memory_space<hbm>> -> memref<4x128xi32, #tpu.memory_space<hbm>>
    %dma_wait3A_1423 = arith.constant 168 : i32
    %dma_wait3A_1424 = arith.constant 0 : i32
    %dma_wait3A_1425 = tpu.memref_slice %arg7[%dma_wait3A_1423, %dma_wait3A_1424] : memref<256x128xi32, #tpu.memory_space<vmem>> -> memref<4x128xi32, #tpu.memory_space<vmem>>
    %dma_wait3A_1426 = arith.constant 0 : i32
    %dma_wait3A_1427 = tpu.memref_slice %arg3[%add3A_644, %dma_wait3A_1426] : memref<8192x128xi32, #tpu.memory_space<hbm>> -> memref<4x128xi32, #tpu.memory_space<hbm>>
    tpu.wait_dma2 semaphore(%arg10 : memref<!tpu.dma_semaphore, #tpu.memory_space<semaphore_mem>>) src(%dma_wait3A_1427 : memref<4x128xi32, #tpu.memory_space<hbm>>) dst(%dma_wait3A_1425 : memref<4x128xi32, #tpu.memory_space<vmem>>)
    %dma_wait3A_1428 = arith.constant 172 : i32
    %dma_wait3A_1429 = arith.constant 0 : i32
    %dma_wait3A_1430 = tpu.memref_slice %arg7[%dma_wait3A_1428, %dma_wait3A_1429] : memref<256x128xi32, #tpu.memory_space<vmem>> -> memref<4x128xi32, #tpu.memory_space<vmem>>
    %dma_wait3A_1431 = arith.constant 0 : i32
    %dma_wait3A_1432 = tpu.memref_slice %arg3[%add3A_659, %dma_wait3A_1431] : memref<8192x128xi32, #tpu.memory_space<hbm>> -> memref<4x128xi32, #tpu.memory_space<hbm>>
    %dma_wait3A_1433 = arith.constant 172 : i32
    %dma_wait3A_1434 = arith.constant 0 : i32
    %dma_wait3A_1435 = tpu.memref_slice %arg7[%dma_wait3A_1433, %dma_wait3A_1434] : memref<256x128xi32, #tpu.memory_space<vmem>> -> memref<4x128xi32, #tpu.memory_space<vmem>>
    %dma_wait3A_1436 = arith.constant 0 : i32
    %dma_wait3A_1437 = tpu.memref_slice %arg3[%add3A_659, %dma_wait3A_1436] : memref<8192x128xi32, #tpu.memory_space<hbm>> -> memref<4x128xi32, #tpu.memory_space<hbm>>
    tpu.wait_dma2 semaphore(%arg10 : memref<!tpu.dma_semaphore, #tpu.memory_space<semaphore_mem>>) src(%dma_wait3A_1437 : memref<4x128xi32, #tpu.memory_space<hbm>>) dst(%dma_wait3A_1435 : memref<4x128xi32, #tpu.memory_space<vmem>>)
    %dma_wait3A_1438 = arith.constant 176 : i32
    %dma_wait3A_1439 = arith.constant 0 : i32
    %dma_wait3A_1440 = tpu.memref_slice %arg7[%dma_wait3A_1438, %dma_wait3A_1439] : memref<256x128xi32, #tpu.memory_space<vmem>> -> memref<4x128xi32, #tpu.memory_space<vmem>>
    %dma_wait3A_1441 = arith.constant 0 : i32
    %dma_wait3A_1442 = tpu.memref_slice %arg3[%add3A_674, %dma_wait3A_1441] : memref<8192x128xi32, #tpu.memory_space<hbm>> -> memref<4x128xi32, #tpu.memory_space<hbm>>
    %dma_wait3A_1443 = arith.constant 176 : i32
    %dma_wait3A_1444 = arith.constant 0 : i32
    %dma_wait3A_1445 = tpu.memref_slice %arg7[%dma_wait3A_1443, %dma_wait3A_1444] : memref<256x128xi32, #tpu.memory_space<vmem>> -> memref<4x128xi32, #tpu.memory_space<vmem>>
    %dma_wait3A_1446 = arith.constant 0 : i32
    %dma_wait3A_1447 = tpu.memref_slice %arg3[%add3A_674, %dma_wait3A_1446] : memref<8192x128xi32, #tpu.memory_space<hbm>> -> memref<4x128xi32, #tpu.memory_space<hbm>>
    tpu.wait_dma2 semaphore(%arg10 : memref<!tpu.dma_semaphore, #tpu.memory_space<semaphore_mem>>) src(%dma_wait3A_1447 : memref<4x128xi32, #tpu.memory_space<hbm>>) dst(%dma_wait3A_1445 : memref<4x128xi32, #tpu.memory_space<vmem>>)
    %dma_wait3A_1448 = arith.constant 180 : i32
    %dma_wait3A_1449 = arith.constant 0 : i32
    %dma_wait3A_1450 = tpu.memref_slice %arg7[%dma_wait3A_1448, %dma_wait3A_1449] : memref<256x128xi32, #tpu.memory_space<vmem>> -> memref<4x128xi32, #tpu.memory_space<vmem>>
    %dma_wait3A_1451 = arith.constant 0 : i32
    %dma_wait3A_1452 = tpu.memref_slice %arg3[%add3A_689, %dma_wait3A_1451] : memref<8192x128xi32, #tpu.memory_space<hbm>> -> memref<4x128xi32, #tpu.memory_space<hbm>>
    %dma_wait3A_1453 = arith.constant 180 : i32
    %dma_wait3A_1454 = arith.constant 0 : i32
    %dma_wait3A_1455 = tpu.memref_slice %arg7[%dma_wait3A_1453, %dma_wait3A_1454] : memref<256x128xi32, #tpu.memory_space<vmem>> -> memref<4x128xi32, #tpu.memory_space<vmem>>
    %dma_wait3A_1456 = arith.constant 0 : i32
    %dma_wait3A_1457 = tpu.memref_slice %arg3[%add3A_689, %dma_wait3A_1456] : memref<8192x128xi32, #tpu.memory_space<hbm>> -> memref<4x128xi32, #tpu.memory_space<hbm>>
    tpu.wait_dma2 semaphore(%arg10 : memref<!tpu.dma_semaphore, #tpu.memory_space<semaphore_mem>>) src(%dma_wait3A_1457 : memref<4x128xi32, #tpu.memory_space<hbm>>) dst(%dma_wait3A_1455 : memref<4x128xi32, #tpu.memory_space<vmem>>)
    %dma_wait3A_1458 = arith.constant 184 : i32
    %dma_wait3A_1459 = arith.constant 0 : i32
    %dma_wait3A_1460 = tpu.memref_slice %arg7[%dma_wait3A_1458, %dma_wait3A_1459] : memref<256x128xi32, #tpu.memory_space<vmem>> -> memref<4x128xi32, #tpu.memory_space<vmem>>
    %dma_wait3A_1461 = arith.constant 0 : i32
    %dma_wait3A_1462 = tpu.memref_slice %arg3[%add3A_704, %dma_wait3A_1461] : memref<8192x128xi32, #tpu.memory_space<hbm>> -> memref<4x128xi32, #tpu.memory_space<hbm>>
    %dma_wait3A_1463 = arith.constant 184 : i32
    %dma_wait3A_1464 = arith.constant 0 : i32
    %dma_wait3A_1465 = tpu.memref_slice %arg7[%dma_wait3A_1463, %dma_wait3A_1464] : memref<256x128xi32, #tpu.memory_space<vmem>> -> memref<4x128xi32, #tpu.memory_space<vmem>>
    %dma_wait3A_1466 = arith.constant 0 : i32
    %dma_wait3A_1467 = tpu.memref_slice %arg3[%add3A_704, %dma_wait3A_1466] : memref<8192x128xi32, #tpu.memory_space<hbm>> -> memref<4x128xi32, #tpu.memory_space<hbm>>
    tpu.wait_dma2 semaphore(%arg10 : memref<!tpu.dma_semaphore, #tpu.memory_space<semaphore_mem>>) src(%dma_wait3A_1467 : memref<4x128xi32, #tpu.memory_space<hbm>>) dst(%dma_wait3A_1465 : memref<4x128xi32, #tpu.memory_space<vmem>>)
    %dma_wait3A_1468 = arith.constant 188 : i32
    %dma_wait3A_1469 = arith.constant 0 : i32
    %dma_wait3A_1470 = tpu.memref_slice %arg7[%dma_wait3A_1468, %dma_wait3A_1469] : memref<256x128xi32, #tpu.memory_space<vmem>> -> memref<4x128xi32, #tpu.memory_space<vmem>>
    %dma_wait3A_1471 = arith.constant 0 : i32
    %dma_wait3A_1472 = tpu.memref_slice %arg3[%add3A_719, %dma_wait3A_1471] : memref<8192x128xi32, #tpu.memory_space<hbm>> -> memref<4x128xi32, #tpu.memory_space<hbm>>
    %dma_wait3A_1473 = arith.constant 188 : i32
    %dma_wait3A_1474 = arith.constant 0 : i32
    %dma_wait3A_1475 = tpu.memref_slice %arg7[%dma_wait3A_1473, %dma_wait3A_1474] : memref<256x128xi32, #tpu.memory_space<vmem>> -> memref<4x128xi32, #tpu.memory_space<vmem>>
    %dma_wait3A_1476 = arith.constant 0 : i32
    %dma_wait3A_1477 = tpu.memref_slice %arg3[%add3A_719, %dma_wait3A_1476] : memref<8192x128xi32, #tpu.memory_space<hbm>> -> memref<4x128xi32, #tpu.memory_space<hbm>>
    tpu.wait_dma2 semaphore(%arg10 : memref<!tpu.dma_semaphore, #tpu.memory_space<semaphore_mem>>) src(%dma_wait3A_1477 : memref<4x128xi32, #tpu.memory_space<hbm>>) dst(%dma_wait3A_1475 : memref<4x128xi32, #tpu.memory_space<vmem>>)
    %dma_wait3A_1478 = arith.constant 192 : i32
    %dma_wait3A_1479 = arith.constant 0 : i32
    %dma_wait3A_1480 = tpu.memref_slice %arg7[%dma_wait3A_1478, %dma_wait3A_1479] : memref<256x128xi32, #tpu.memory_space<vmem>> -> memref<4x128xi32, #tpu.memory_space<vmem>>
    %dma_wait3A_1481 = arith.constant 0 : i32
    %dma_wait3A_1482 = tpu.memref_slice %arg3[%add3A_734, %dma_wait3A_1481] : memref<8192x128xi32, #tpu.memory_space<hbm>> -> memref<4x128xi32, #tpu.memory_space<hbm>>
    %dma_wait3A_1483 = arith.constant 192 : i32
    %dma_wait3A_1484 = arith.constant 0 : i32
    %dma_wait3A_1485 = tpu.memref_slice %arg7[%dma_wait3A_1483, %dma_wait3A_1484] : memref<256x128xi32, #tpu.memory_space<vmem>> -> memref<4x128xi32, #tpu.memory_space<vmem>>
    %dma_wait3A_1486 = arith.constant 0 : i32
    %dma_wait3A_1487 = tpu.memref_slice %arg3[%add3A_734, %dma_wait3A_1486] : memref<8192x128xi32, #tpu.memory_space<hbm>> -> memref<4x128xi32, #tpu.memory_space<hbm>>
    tpu.wait_dma2 semaphore(%arg10 : memref<!tpu.dma_semaphore, #tpu.memory_space<semaphore_mem>>) src(%dma_wait3A_1487 : memref<4x128xi32, #tpu.memory_space<hbm>>) dst(%dma_wait3A_1485 : memref<4x128xi32, #tpu.memory_space<vmem>>)
    %dma_wait3A_1488 = arith.constant 196 : i32
    %dma_wait3A_1489 = arith.constant 0 : i32
    %dma_wait3A_1490 = tpu.memref_slice %arg7[%dma_wait3A_1488, %dma_wait3A_1489] : memref<256x128xi32, #tpu.memory_space<vmem>> -> memref<4x128xi32, #tpu.memory_space<vmem>>
    %dma_wait3A_1491 = arith.constant 0 : i32
    %dma_wait3A_1492 = tpu.memref_slice %arg3[%add3A_749, %dma_wait3A_1491] : memref<8192x128xi32, #tpu.memory_space<hbm>> -> memref<4x128xi32, #tpu.memory_space<hbm>>
    %dma_wait3A_1493 = arith.constant 196 : i32
    %dma_wait3A_1494 = arith.constant 0 : i32
    %dma_wait3A_1495 = tpu.memref_slice %arg7[%dma_wait3A_1493, %dma_wait3A_1494] : memref<256x128xi32, #tpu.memory_space<vmem>> -> memref<4x128xi32, #tpu.memory_space<vmem>>
    %dma_wait3A_1496 = arith.constant 0 : i32
    %dma_wait3A_1497 = tpu.memref_slice %arg3[%add3A_749, %dma_wait3A_1496] : memref<8192x128xi32, #tpu.memory_space<hbm>> -> memref<4x128xi32, #tpu.memory_space<hbm>>
    tpu.wait_dma2 semaphore(%arg10 : memref<!tpu.dma_semaphore, #tpu.memory_space<semaphore_mem>>) src(%dma_wait3A_1497 : memref<4x128xi32, #tpu.memory_space<hbm>>) dst(%dma_wait3A_1495 : memref<4x128xi32, #tpu.memory_space<vmem>>)
    %dma_wait3A_1498 = arith.constant 200 : i32
    %dma_wait3A_1499 = arith.constant 0 : i32
    %dma_wait3A_1500 = tpu.memref_slice %arg7[%dma_wait3A_1498, %dma_wait3A_1499] : memref<256x128xi32, #tpu.memory_space<vmem>> -> memref<4x128xi32, #tpu.memory_space<vmem>>
    %dma_wait3A_1501 = arith.constant 0 : i32
    %dma_wait3A_1502 = tpu.memref_slice %arg3[%add3A_764, %dma_wait3A_1501] : memref<8192x128xi32, #tpu.memory_space<hbm>> -> memref<4x128xi32, #tpu.memory_space<hbm>>
    %dma_wait3A_1503 = arith.constant 200 : i32
    %dma_wait3A_1504 = arith.constant 0 : i32
    %dma_wait3A_1505 = tpu.memref_slice %arg7[%dma_wait3A_1503, %dma_wait3A_1504] : memref<256x128xi32, #tpu.memory_space<vmem>> -> memref<4x128xi32, #tpu.memory_space<vmem>>
    %dma_wait3A_1506 = arith.constant 0 : i32
    %dma_wait3A_1507 = tpu.memref_slice %arg3[%add3A_764, %dma_wait3A_1506] : memref<8192x128xi32, #tpu.memory_space<hbm>> -> memref<4x128xi32, #tpu.memory_space<hbm>>
    tpu.wait_dma2 semaphore(%arg10 : memref<!tpu.dma_semaphore, #tpu.memory_space<semaphore_mem>>) src(%dma_wait3A_1507 : memref<4x128xi32, #tpu.memory_space<hbm>>) dst(%dma_wait3A_1505 : memref<4x128xi32, #tpu.memory_space<vmem>>)
    %dma_wait3A_1508 = arith.constant 204 : i32
    %dma_wait3A_1509 = arith.constant 0 : i32
    %dma_wait3A_1510 = tpu.memref_slice %arg7[%dma_wait3A_1508, %dma_wait3A_1509] : memref<256x128xi32, #tpu.memory_space<vmem>> -> memref<4x128xi32, #tpu.memory_space<vmem>>
    %dma_wait3A_1511 = arith.constant 0 : i32
    %dma_wait3A_1512 = tpu.memref_slice %arg3[%add3A_779, %dma_wait3A_1511] : memref<8192x128xi32, #tpu.memory_space<hbm>> -> memref<4x128xi32, #tpu.memory_space<hbm>>
    %dma_wait3A_1513 = arith.constant 204 : i32
    %dma_wait3A_1514 = arith.constant 0 : i32
    %dma_wait3A_1515 = tpu.memref_slice %arg7[%dma_wait3A_1513, %dma_wait3A_1514] : memref<256x128xi32, #tpu.memory_space<vmem>> -> memref<4x128xi32, #tpu.memory_space<vmem>>
    %dma_wait3A_1516 = arith.constant 0 : i32
    %dma_wait3A_1517 = tpu.memref_slice %arg3[%add3A_779, %dma_wait3A_1516] : memref<8192x128xi32, #tpu.memory_space<hbm>> -> memref<4x128xi32, #tpu.memory_space<hbm>>
    tpu.wait_dma2 semaphore(%arg10 : memref<!tpu.dma_semaphore, #tpu.memory_space<semaphore_mem>>) src(%dma_wait3A_1517 : memref<4x128xi32, #tpu.memory_space<hbm>>) dst(%dma_wait3A_1515 : memref<4x128xi32, #tpu.memory_space<vmem>>)
    %dma_wait3A_1518 = arith.constant 208 : i32
    %dma_wait3A_1519 = arith.constant 0 : i32
    %dma_wait3A_1520 = tpu.memref_slice %arg7[%dma_wait3A_1518, %dma_wait3A_1519] : memref<256x128xi32, #tpu.memory_space<vmem>> -> memref<4x128xi32, #tpu.memory_space<vmem>>
    %dma_wait3A_1521 = arith.constant 0 : i32
    %dma_wait3A_1522 = tpu.memref_slice %arg3[%add3A_794, %dma_wait3A_1521] : memref<8192x128xi32, #tpu.memory_space<hbm>> -> memref<4x128xi32, #tpu.memory_space<hbm>>
    %dma_wait3A_1523 = arith.constant 208 : i32
    %dma_wait3A_1524 = arith.constant 0 : i32
    %dma_wait3A_1525 = tpu.memref_slice %arg7[%dma_wait3A_1523, %dma_wait3A_1524] : memref<256x128xi32, #tpu.memory_space<vmem>> -> memref<4x128xi32, #tpu.memory_space<vmem>>
    %dma_wait3A_1526 = arith.constant 0 : i32
    %dma_wait3A_1527 = tpu.memref_slice %arg3[%add3A_794, %dma_wait3A_1526] : memref<8192x128xi32, #tpu.memory_space<hbm>> -> memref<4x128xi32, #tpu.memory_space<hbm>>
    tpu.wait_dma2 semaphore(%arg10 : memref<!tpu.dma_semaphore, #tpu.memory_space<semaphore_mem>>) src(%dma_wait3A_1527 : memref<4x128xi32, #tpu.memory_space<hbm>>) dst(%dma_wait3A_1525 : memref<4x128xi32, #tpu.memory_space<vmem>>)
    %dma_wait3A_1528 = arith.constant 212 : i32
    %dma_wait3A_1529 = arith.constant 0 : i32
    %dma_wait3A_1530 = tpu.memref_slice %arg7[%dma_wait3A_1528, %dma_wait3A_1529] : memref<256x128xi32, #tpu.memory_space<vmem>> -> memref<4x128xi32, #tpu.memory_space<vmem>>
    %dma_wait3A_1531 = arith.constant 0 : i32
    %dma_wait3A_1532 = tpu.memref_slice %arg3[%add3A_809, %dma_wait3A_1531] : memref<8192x128xi32, #tpu.memory_space<hbm>> -> memref<4x128xi32, #tpu.memory_space<hbm>>
    %dma_wait3A_1533 = arith.constant 212 : i32
    %dma_wait3A_1534 = arith.constant 0 : i32
    %dma_wait3A_1535 = tpu.memref_slice %arg7[%dma_wait3A_1533, %dma_wait3A_1534] : memref<256x128xi32, #tpu.memory_space<vmem>> -> memref<4x128xi32, #tpu.memory_space<vmem>>
    %dma_wait3A_1536 = arith.constant 0 : i32
    %dma_wait3A_1537 = tpu.memref_slice %arg3[%add3A_809, %dma_wait3A_1536] : memref<8192x128xi32, #tpu.memory_space<hbm>> -> memref<4x128xi32, #tpu.memory_space<hbm>>
    tpu.wait_dma2 semaphore(%arg10 : memref<!tpu.dma_semaphore, #tpu.memory_space<semaphore_mem>>) src(%dma_wait3A_1537 : memref<4x128xi32, #tpu.memory_space<hbm>>) dst(%dma_wait3A_1535 : memref<4x128xi32, #tpu.memory_space<vmem>>)
    %dma_wait3A_1538 = arith.constant 216 : i32
    %dma_wait3A_1539 = arith.constant 0 : i32
    %dma_wait3A_1540 = tpu.memref_slice %arg7[%dma_wait3A_1538, %dma_wait3A_1539] : memref<256x128xi32, #tpu.memory_space<vmem>> -> memref<4x128xi32, #tpu.memory_space<vmem>>
    %dma_wait3A_1541 = arith.constant 0 : i32
    %dma_wait3A_1542 = tpu.memref_slice %arg3[%add3A_824, %dma_wait3A_1541] : memref<8192x128xi32, #tpu.memory_space<hbm>> -> memref<4x128xi32, #tpu.memory_space<hbm>>
    %dma_wait3A_1543 = arith.constant 216 : i32
    %dma_wait3A_1544 = arith.constant 0 : i32
    %dma_wait3A_1545 = tpu.memref_slice %arg7[%dma_wait3A_1543, %dma_wait3A_1544] : memref<256x128xi32, #tpu.memory_space<vmem>> -> memref<4x128xi32, #tpu.memory_space<vmem>>
    %dma_wait3A_1546 = arith.constant 0 : i32
    %dma_wait3A_1547 = tpu.memref_slice %arg3[%add3A_824, %dma_wait3A_1546] : memref<8192x128xi32, #tpu.memory_space<hbm>> -> memref<4x128xi32, #tpu.memory_space<hbm>>
    tpu.wait_dma2 semaphore(%arg10 : memref<!tpu.dma_semaphore, #tpu.memory_space<semaphore_mem>>) src(%dma_wait3A_1547 : memref<4x128xi32, #tpu.memory_space<hbm>>) dst(%dma_wait3A_1545 : memref<4x128xi32, #tpu.memory_space<vmem>>)
    %dma_wait3A_1548 = arith.constant 220 : i32
    %dma_wait3A_1549 = arith.constant 0 : i32
    %dma_wait3A_1550 = tpu.memref_slice %arg7[%dma_wait3A_1548, %dma_wait3A_1549] : memref<256x128xi32, #tpu.memory_space<vmem>> -> memref<4x128xi32, #tpu.memory_space<vmem>>
    %dma_wait3A_1551 = arith.constant 0 : i32
    %dma_wait3A_1552 = tpu.memref_slice %arg3[%add3A_839, %dma_wait3A_1551] : memref<8192x128xi32, #tpu.memory_space<hbm>> -> memref<4x128xi32, #tpu.memory_space<hbm>>
    %dma_wait3A_1553 = arith.constant 220 : i32
    %dma_wait3A_1554 = arith.constant 0 : i32
    %dma_wait3A_1555 = tpu.memref_slice %arg7[%dma_wait3A_1553, %dma_wait3A_1554] : memref<256x128xi32, #tpu.memory_space<vmem>> -> memref<4x128xi32, #tpu.memory_space<vmem>>
    %dma_wait3A_1556 = arith.constant 0 : i32
    %dma_wait3A_1557 = tpu.memref_slice %arg3[%add3A_839, %dma_wait3A_1556] : memref<8192x128xi32, #tpu.memory_space<hbm>> -> memref<4x128xi32, #tpu.memory_space<hbm>>
    tpu.wait_dma2 semaphore(%arg10 : memref<!tpu.dma_semaphore, #tpu.memory_space<semaphore_mem>>) src(%dma_wait3A_1557 : memref<4x128xi32, #tpu.memory_space<hbm>>) dst(%dma_wait3A_1555 : memref<4x128xi32, #tpu.memory_space<vmem>>)
    %dma_wait3A_1558 = arith.constant 224 : i32
    %dma_wait3A_1559 = arith.constant 0 : i32
    %dma_wait3A_1560 = tpu.memref_slice %arg7[%dma_wait3A_1558, %dma_wait3A_1559] : memref<256x128xi32, #tpu.memory_space<vmem>> -> memref<4x128xi32, #tpu.memory_space<vmem>>
    %dma_wait3A_1561 = arith.constant 0 : i32
    %dma_wait3A_1562 = tpu.memref_slice %arg3[%add3A_854, %dma_wait3A_1561] : memref<8192x128xi32, #tpu.memory_space<hbm>> -> memref<4x128xi32, #tpu.memory_space<hbm>>
    %dma_wait3A_1563 = arith.constant 224 : i32
    %dma_wait3A_1564 = arith.constant 0 : i32
    %dma_wait3A_1565 = tpu.memref_slice %arg7[%dma_wait3A_1563, %dma_wait3A_1564] : memref<256x128xi32, #tpu.memory_space<vmem>> -> memref<4x128xi32, #tpu.memory_space<vmem>>
    %dma_wait3A_1566 = arith.constant 0 : i32
    %dma_wait3A_1567 = tpu.memref_slice %arg3[%add3A_854, %dma_wait3A_1566] : memref<8192x128xi32, #tpu.memory_space<hbm>> -> memref<4x128xi32, #tpu.memory_space<hbm>>
    tpu.wait_dma2 semaphore(%arg10 : memref<!tpu.dma_semaphore, #tpu.memory_space<semaphore_mem>>) src(%dma_wait3A_1567 : memref<4x128xi32, #tpu.memory_space<hbm>>) dst(%dma_wait3A_1565 : memref<4x128xi32, #tpu.memory_space<vmem>>)
    %dma_wait3A_1568 = arith.constant 228 : i32
    %dma_wait3A_1569 = arith.constant 0 : i32
    %dma_wait3A_1570 = tpu.memref_slice %arg7[%dma_wait3A_1568, %dma_wait3A_1569] : memref<256x128xi32, #tpu.memory_space<vmem>> -> memref<4x128xi32, #tpu.memory_space<vmem>>
    %dma_wait3A_1571 = arith.constant 0 : i32
    %dma_wait3A_1572 = tpu.memref_slice %arg3[%add3A_869, %dma_wait3A_1571] : memref<8192x128xi32, #tpu.memory_space<hbm>> -> memref<4x128xi32, #tpu.memory_space<hbm>>
    %dma_wait3A_1573 = arith.constant 228 : i32
    %dma_wait3A_1574 = arith.constant 0 : i32
    %dma_wait3A_1575 = tpu.memref_slice %arg7[%dma_wait3A_1573, %dma_wait3A_1574] : memref<256x128xi32, #tpu.memory_space<vmem>> -> memref<4x128xi32, #tpu.memory_space<vmem>>
    %dma_wait3A_1576 = arith.constant 0 : i32
    %dma_wait3A_1577 = tpu.memref_slice %arg3[%add3A_869, %dma_wait3A_1576] : memref<8192x128xi32, #tpu.memory_space<hbm>> -> memref<4x128xi32, #tpu.memory_space<hbm>>
    tpu.wait_dma2 semaphore(%arg10 : memref<!tpu.dma_semaphore, #tpu.memory_space<semaphore_mem>>) src(%dma_wait3A_1577 : memref<4x128xi32, #tpu.memory_space<hbm>>) dst(%dma_wait3A_1575 : memref<4x128xi32, #tpu.memory_space<vmem>>)
    %dma_wait3A_1578 = arith.constant 232 : i32
    %dma_wait3A_1579 = arith.constant 0 : i32
    %dma_wait3A_1580 = tpu.memref_slice %arg7[%dma_wait3A_1578, %dma_wait3A_1579] : memref<256x128xi32, #tpu.memory_space<vmem>> -> memref<4x128xi32, #tpu.memory_space<vmem>>
    %dma_wait3A_1581 = arith.constant 0 : i32
    %dma_wait3A_1582 = tpu.memref_slice %arg3[%add3A_884, %dma_wait3A_1581] : memref<8192x128xi32, #tpu.memory_space<hbm>> -> memref<4x128xi32, #tpu.memory_space<hbm>>
    %dma_wait3A_1583 = arith.constant 232 : i32
    %dma_wait3A_1584 = arith.constant 0 : i32
    %dma_wait3A_1585 = tpu.memref_slice %arg7[%dma_wait3A_1583, %dma_wait3A_1584] : memref<256x128xi32, #tpu.memory_space<vmem>> -> memref<4x128xi32, #tpu.memory_space<vmem>>
    %dma_wait3A_1586 = arith.constant 0 : i32
    %dma_wait3A_1587 = tpu.memref_slice %arg3[%add3A_884, %dma_wait3A_1586] : memref<8192x128xi32, #tpu.memory_space<hbm>> -> memref<4x128xi32, #tpu.memory_space<hbm>>
    tpu.wait_dma2 semaphore(%arg10 : memref<!tpu.dma_semaphore, #tpu.memory_space<semaphore_mem>>) src(%dma_wait3A_1587 : memref<4x128xi32, #tpu.memory_space<hbm>>) dst(%dma_wait3A_1585 : memref<4x128xi32, #tpu.memory_space<vmem>>)
    %dma_wait3A_1588 = arith.constant 236 : i32
    %dma_wait3A_1589 = arith.constant 0 : i32
    %dma_wait3A_1590 = tpu.memref_slice %arg7[%dma_wait3A_1588, %dma_wait3A_1589] : memref<256x128xi32, #tpu.memory_space<vmem>> -> memref<4x128xi32, #tpu.memory_space<vmem>>
    %dma_wait3A_1591 = arith.constant 0 : i32
    %dma_wait3A_1592 = tpu.memref_slice %arg3[%add3A_899, %dma_wait3A_1591] : memref<8192x128xi32, #tpu.memory_space<hbm>> -> memref<4x128xi32, #tpu.memory_space<hbm>>
    %dma_wait3A_1593 = arith.constant 236 : i32
    %dma_wait3A_1594 = arith.constant 0 : i32
    %dma_wait3A_1595 = tpu.memref_slice %arg7[%dma_wait3A_1593, %dma_wait3A_1594] : memref<256x128xi32, #tpu.memory_space<vmem>> -> memref<4x128xi32, #tpu.memory_space<vmem>>
    %dma_wait3A_1596 = arith.constant 0 : i32
    %dma_wait3A_1597 = tpu.memref_slice %arg3[%add3A_899, %dma_wait3A_1596] : memref<8192x128xi32, #tpu.memory_space<hbm>> -> memref<4x128xi32, #tpu.memory_space<hbm>>
    tpu.wait_dma2 semaphore(%arg10 : memref<!tpu.dma_semaphore, #tpu.memory_space<semaphore_mem>>) src(%dma_wait3A_1597 : memref<4x128xi32, #tpu.memory_space<hbm>>) dst(%dma_wait3A_1595 : memref<4x128xi32, #tpu.memory_space<vmem>>)
    %dma_wait3A_1598 = arith.constant 240 : i32
    %dma_wait3A_1599 = arith.constant 0 : i32
    %dma_wait3A_1600 = tpu.memref_slice %arg7[%dma_wait3A_1598, %dma_wait3A_1599] : memref<256x128xi32, #tpu.memory_space<vmem>> -> memref<4x128xi32, #tpu.memory_space<vmem>>
    %dma_wait3A_1601 = arith.constant 0 : i32
    %dma_wait3A_1602 = tpu.memref_slice %arg3[%add3A_914, %dma_wait3A_1601] : memref<8192x128xi32, #tpu.memory_space<hbm>> -> memref<4x128xi32, #tpu.memory_space<hbm>>
    %dma_wait3A_1603 = arith.constant 240 : i32
    %dma_wait3A_1604 = arith.constant 0 : i32
    %dma_wait3A_1605 = tpu.memref_slice %arg7[%dma_wait3A_1603, %dma_wait3A_1604] : memref<256x128xi32, #tpu.memory_space<vmem>> -> memref<4x128xi32, #tpu.memory_space<vmem>>
    %dma_wait3A_1606 = arith.constant 0 : i32
    %dma_wait3A_1607 = tpu.memref_slice %arg3[%add3A_914, %dma_wait3A_1606] : memref<8192x128xi32, #tpu.memory_space<hbm>> -> memref<4x128xi32, #tpu.memory_space<hbm>>
    tpu.wait_dma2 semaphore(%arg10 : memref<!tpu.dma_semaphore, #tpu.memory_space<semaphore_mem>>) src(%dma_wait3A_1607 : memref<4x128xi32, #tpu.memory_space<hbm>>) dst(%dma_wait3A_1605 : memref<4x128xi32, #tpu.memory_space<vmem>>)
    %dma_wait3A_1608 = arith.constant 244 : i32
    %dma_wait3A_1609 = arith.constant 0 : i32
    %dma_wait3A_1610 = tpu.memref_slice %arg7[%dma_wait3A_1608, %dma_wait3A_1609] : memref<256x128xi32, #tpu.memory_space<vmem>> -> memref<4x128xi32, #tpu.memory_space<vmem>>
    %dma_wait3A_1611 = arith.constant 0 : i32
    %dma_wait3A_1612 = tpu.memref_slice %arg3[%add3A_929, %dma_wait3A_1611] : memref<8192x128xi32, #tpu.memory_space<hbm>> -> memref<4x128xi32, #tpu.memory_space<hbm>>
    %dma_wait3A_1613 = arith.constant 244 : i32
    %dma_wait3A_1614 = arith.constant 0 : i32
    %dma_wait3A_1615 = tpu.memref_slice %arg7[%dma_wait3A_1613, %dma_wait3A_1614] : memref<256x128xi32, #tpu.memory_space<vmem>> -> memref<4x128xi32, #tpu.memory_space<vmem>>
    %dma_wait3A_1616 = arith.constant 0 : i32
    %dma_wait3A_1617 = tpu.memref_slice %arg3[%add3A_929, %dma_wait3A_1616] : memref<8192x128xi32, #tpu.memory_space<hbm>> -> memref<4x128xi32, #tpu.memory_space<hbm>>
    tpu.wait_dma2 semaphore(%arg10 : memref<!tpu.dma_semaphore, #tpu.memory_space<semaphore_mem>>) src(%dma_wait3A_1617 : memref<4x128xi32, #tpu.memory_space<hbm>>) dst(%dma_wait3A_1615 : memref<4x128xi32, #tpu.memory_space<vmem>>)
    %dma_wait3A_1618 = arith.constant 248 : i32
    %dma_wait3A_1619 = arith.constant 0 : i32
    %dma_wait3A_1620 = tpu.memref_slice %arg7[%dma_wait3A_1618, %dma_wait3A_1619] : memref<256x128xi32, #tpu.memory_space<vmem>> -> memref<4x128xi32, #tpu.memory_space<vmem>>
    %dma_wait3A_1621 = arith.constant 0 : i32
    %dma_wait3A_1622 = tpu.memref_slice %arg3[%add3A_944, %dma_wait3A_1621] : memref<8192x128xi32, #tpu.memory_space<hbm>> -> memref<4x128xi32, #tpu.memory_space<hbm>>
    %dma_wait3A_1623 = arith.constant 248 : i32
    %dma_wait3A_1624 = arith.constant 0 : i32
    %dma_wait3A_1625 = tpu.memref_slice %arg7[%dma_wait3A_1623, %dma_wait3A_1624] : memref<256x128xi32, #tpu.memory_space<vmem>> -> memref<4x128xi32, #tpu.memory_space<vmem>>
    %dma_wait3A_1626 = arith.constant 0 : i32
    %dma_wait3A_1627 = tpu.memref_slice %arg3[%add3A_944, %dma_wait3A_1626] : memref<8192x128xi32, #tpu.memory_space<hbm>> -> memref<4x128xi32, #tpu.memory_space<hbm>>
    tpu.wait_dma2 semaphore(%arg10 : memref<!tpu.dma_semaphore, #tpu.memory_space<semaphore_mem>>) src(%dma_wait3A_1627 : memref<4x128xi32, #tpu.memory_space<hbm>>) dst(%dma_wait3A_1625 : memref<4x128xi32, #tpu.memory_space<vmem>>)
    %dma_wait3A_1628 = arith.constant 252 : i32
    %dma_wait3A_1629 = arith.constant 0 : i32
    %dma_wait3A_1630 = tpu.memref_slice %arg7[%dma_wait3A_1628, %dma_wait3A_1629] : memref<256x128xi32, #tpu.memory_space<vmem>> -> memref<4x128xi32, #tpu.memory_space<vmem>>
    %dma_wait3A_1631 = arith.constant 0 : i32
    %dma_wait3A_1632 = tpu.memref_slice %arg3[%add3A_959, %dma_wait3A_1631] : memref<8192x128xi32, #tpu.memory_space<hbm>> -> memref<4x128xi32, #tpu.memory_space<hbm>>
    %dma_wait3A_1633 = arith.constant 252 : i32
    %dma_wait3A_1634 = arith.constant 0 : i32
    %dma_wait3A_1635 = tpu.memref_slice %arg7[%dma_wait3A_1633, %dma_wait3A_1634] : memref<256x128xi32, #tpu.memory_space<vmem>> -> memref<4x128xi32, #tpu.memory_space<vmem>>
    %dma_wait3A_1636 = arith.constant 0 : i32
    %dma_wait3A_1637 = tpu.memref_slice %arg3[%add3A_959, %dma_wait3A_1636] : memref<8192x128xi32, #tpu.memory_space<hbm>> -> memref<4x128xi32, #tpu.memory_space<hbm>>
    tpu.wait_dma2 semaphore(%arg10 : memref<!tpu.dma_semaphore, #tpu.memory_space<semaphore_mem>>) src(%dma_wait3A_1637 : memref<4x128xi32, #tpu.memory_space<hbm>>) dst(%dma_wait3A_1635 : memref<4x128xi32, #tpu.memory_space<vmem>>)
    tpu.wait_dma2 semaphore(%arg10 : memref<!tpu.dma_semaphore, #tpu.memory_space<semaphore_mem>>) src(%arg4 : memref<64x128xf32, #tpu.memory_space<hbm>>) dst(%arg8 : memref<64x128xf32, #tpu.memory_space<vmem>>)
    %scan3A = arith.constant 0 : i32
    %scan3A_1638 = arith.constant 512 : i32
    %scan3A_1639 = arith.addi %scan3A, %scan3A_1638 : i32
    %scan3A_1640 = arith.constant 2 : i32
    %scan3A_1641:4 = scf.for %scan3A_1789 = %scan3A to %scan3A_1639 step %scan3A_1640 iter_args(%scan3A_1790 = %broadcast_in_dim3A_973, %scan3A_1791 = %broadcast_in_dim3A_973, %scan3A_1792 = %broadcast_in_dim3A_973, %scan3A_1793 = %broadcast_in_dim3A_973) -> (vector<16xf32>, vector<16xf32>, vector<16xf32>, vector<16xf32>)  : i32 {
      %shift_right_arithmetic3A_1794 = arith.constant 3 : i32
      %shift_right_arithmetic3A_1795 = arith.shrsi %scan3A_1789, %shift_right_arithmetic3A_1794 : i32
      %and3A_1796 = arith.constant 7 : i32
      %and3A_1797 = arith.andi %scan3A_1789, %and3A_1796 : i32
      %mul3A_1798 = arith.constant 16 : i32
      %mul3A_1799 = arith.muli %and3A_1797, %mul3A_1798 : i32
      %get3A = arith.index_cast %shift_right_arithmetic3A_1795 : i32 to index
      %get3A_1800 = arith.index_cast %mul3A_1799 : i32 to index
      %get3A_1801 = tpu.vector_load %arg8[%get3A, %get3A_1800] {strides = array<i32>} : memref<64x128xf32, #tpu.memory_space<vmem>>, vector<16xf32>,
      %mul3A_1802 = arith.constant 16 : i32
      %mul3A_1803 = arith.muli %scan3A_1789, %mul3A_1802 : i32
      %add3A_1804 = vector.broadcast %mul3A_1803 : i32 to vector<16xi32>
      %add3A_1805 = arith.addi %add3A_1804, %iota3A : vector<16xi32>
      %mul3A_1806 = arith.constant 2 : i32
      %mul3A_1807 = arith.muli %shift_right_arithmetic3A_1795, %mul3A_1806 : i32
      %add3A_1808 = arith.constant 0 : i32
      %add3A_1809 = arith.addi %add3A_1808, %mul3A_1807 : i32
      %add3A_1810 = arith.constant 1 : i32
      %add3A_1811 = arith.addi %add3A_1809, %add3A_1810 : i32
      %get3A_1812 = arith.index_cast %add3A_1811 : i32 to index
      %get3A_1813 = arith.index_cast %mul3A_1799 : i32 to index
      %get3A_1814 = tpu.vector_load %arg6[%get3A_1812, %get3A_1813] {strides = array<i32>} : memref<512x128xf32, #tpu.memory_space<vmem>>, vector<16xf32>,
      %mul3A_1815 = arith.constant 4 : i32
      %mul3A_1816 = arith.muli %shift_right_arithmetic3A_1795, %mul3A_1815 : i32
      %add3A_1817 = arith.constant 0 : i32
      %add3A_1818 = arith.addi %mul3A_1816, %add3A_1817 : i32
      %get3A_1819 = arith.index_cast %add3A_1818 : i32 to index
      %get3A_1820 = arith.index_cast %mul3A_1799 : i32 to index
      %get3A_1821 = tpu.vector_load %arg7[%get3A_1819, %get3A_1820] {strides = array<i32>} : memref<256x128xi32, #tpu.memory_space<vmem>>, vector<16xi32>,
      %eq3A_1822 = arith.constant 1 : i32
      %eq3A_1823 = vector.broadcast %eq3A_1822 : i32 to vector<16xi32>
      %eq3A_1824 = arith.cmpi eq, %get3A_1821, %eq3A_1823 : vector<16xi32>
      %jit3A_1825 = arith.constant 6.500000e-02 : f32
      %broadcast_in_dim3A_1826 = vector.broadcast %jit3A_1825 : f32 to vector<16xf32>
      %select_n3A_1827 = arith.select %eq3A_1824, %get3A_1801, %broadcast_in_dim3A_1826 : vector<16xi1>, vector<16xf32>
      %mul3A_1828 = arith.mulf %get3A_1814, %select_n3A_1827 : vector<16xf32>
      %lt3A_1829 = vector.broadcast %select_n3A : i32 to vector<16xi32>
      %lt3A_1830 = arith.cmpi slt, %add3A_1805, %lt3A_1829 : vector<16xi32>
      %jit3A_1831 = arith.constant 0.000000e+00 : f32
      %broadcast_in_dim3A_1832 = vector.broadcast %jit3A_1831 : f32 to vector<16xf32>
      %select_n3A_1833 = arith.select %lt3A_1830, %mul3A_1828, %broadcast_in_dim3A_1832 : vector<16xi1>, vector<16xf32>
      %add3A_1834 = arith.addf %scan3A_1790, %select_n3A_1833 : vector<16xf32>
      %mul3A_1835 = arith.constant 2 : i32
      %mul3A_1836 = arith.muli %shift_right_arithmetic3A_1795, %mul3A_1835 : i32
      %add3A_1837 = arith.constant 128 : i32
      %add3A_1838 = arith.addi %add3A_1837, %mul3A_1836 : i32
      %add3A_1839 = arith.constant 1 : i32
      %add3A_1840 = arith.addi %add3A_1838, %add3A_1839 : i32
      %get3A_1841 = arith.index_cast %add3A_1840 : i32 to index
      %get3A_1842 = arith.index_cast %mul3A_1799 : i32 to index
      %get3A_1843 = tpu.vector_load %arg6[%get3A_1841, %get3A_1842] {strides = array<i32>} : memref<512x128xf32, #tpu.memory_space<vmem>>, vector<16xf32>,
      %mul3A_1844 = arith.constant 4 : i32
      %mul3A_1845 = arith.muli %shift_right_arithmetic3A_1795, %mul3A_1844 : i32
      %add3A_1846 = arith.constant 1 : i32
      %add3A_1847 = arith.addi %mul3A_1845, %add3A_1846 : i32
      %get3A_1848 = arith.index_cast %add3A_1847 : i32 to index
      %get3A_1849 = arith.index_cast %mul3A_1799 : i32 to index
      %get3A_1850 = tpu.vector_load %arg7[%get3A_1848, %get3A_1849] {strides = array<i32>} : memref<256x128xi32, #tpu.memory_space<vmem>>, vector<16xi32>,
      %eq3A_1851 = arith.constant 1 : i32
      %eq3A_1852 = vector.broadcast %eq3A_1851 : i32 to vector<16xi32>
      %eq3A_1853 = arith.cmpi eq, %get3A_1850, %eq3A_1852 : vector<16xi32>
      %jit3A_1854 = arith.constant 6.500000e-02 : f32
      %broadcast_in_dim3A_1855 = vector.broadcast %jit3A_1854 : f32 to vector<16xf32>
      %select_n3A_1856 = arith.select %eq3A_1853, %get3A_1801, %broadcast_in_dim3A_1855 : vector<16xi1>, vector<16xf32>
      %mul3A_1857 = arith.mulf %get3A_1843, %select_n3A_1856 : vector<16xf32>
      %lt3A_1858 = vector.broadcast %select_n3A_983 : i32 to vector<16xi32>
      %lt3A_1859 = arith.cmpi slt, %add3A_1805, %lt3A_1858 : vector<16xi32>
      %jit3A_1860 = arith.constant 0.000000e+00 : f32
      %broadcast_in_dim3A_1861 = vector.broadcast %jit3A_1860 : f32 to vector<16xf32>
      %select_n3A_1862 = arith.select %lt3A_1859, %mul3A_1857, %broadcast_in_dim3A_1861 : vector<16xi1>, vector<16xf32>
      %add3A_1863 = arith.addf %scan3A_1791, %select_n3A_1862 : vector<16xf32>
      %mul3A_1864 = arith.constant 2 : i32
      %mul3A_1865 = arith.muli %shift_right_arithmetic3A_1795, %mul3A_1864 : i32
      %add3A_1866 = arith.constant 256 : i32
      %add3A_1867 = arith.addi %add3A_1866, %mul3A_1865 : i32
      %add3A_1868 = arith.constant 1 : i32
      %add3A_1869 = arith.addi %add3A_1867, %add3A_1868 : i32
      %get3A_1870 = arith.index_cast %add3A_1869 : i32 to index
      %get3A_1871 = arith.index_cast %mul3A_1799 : i32 to index
      %get3A_1872 = tpu.vector_load %arg6[%get3A_1870, %get3A_1871] {strides = array<i32>} : memref<512x128xf32, #tpu.memory_space<vmem>>, vector<16xf32>,
      %mul3A_1873 = arith.constant 4 : i32
      %mul3A_1874 = arith.muli %shift_right_arithmetic3A_1795, %mul3A_1873 : i32
      %add3A_1875 = arith.constant 2 : i32
      %add3A_1876 = arith.addi %mul3A_1874, %add3A_1875 : i32
      %get3A_1877 = arith.index_cast %add3A_1876 : i32 to index
      %get3A_1878 = arith.index_cast %mul3A_1799 : i32 to index
      %get3A_1879 = tpu.vector_load %arg7[%get3A_1877, %get3A_1878] {strides = array<i32>} : memref<256x128xi32, #tpu.memory_space<vmem>>, vector<16xi32>,
      %eq3A_1880 = arith.constant 1 : i32
      %eq3A_1881 = vector.broadcast %eq3A_1880 : i32 to vector<16xi32>
      %eq3A_1882 = arith.cmpi eq, %get3A_1879, %eq3A_1881 : vector<16xi32>
      %jit3A_1883 = arith.constant 6.500000e-02 : f32
      %broadcast_in_dim3A_1884 = vector.broadcast %jit3A_1883 : f32 to vector<16xf32>
      %select_n3A_1885 = arith.select %eq3A_1882, %get3A_1801, %broadcast_in_dim3A_1884 : vector<16xi1>, vector<16xf32>
      %mul3A_1886 = arith.mulf %get3A_1872, %select_n3A_1885 : vector<16xf32>
      %lt3A_1887 = vector.broadcast %select_n3A_990 : i32 to vector<16xi32>
      %lt3A_1888 = arith.cmpi slt, %add3A_1805, %lt3A_1887 : vector<16xi32>
      %jit3A_1889 = arith.constant 0.000000e+00 : f32
      %broadcast_in_dim3A_1890 = vector.broadcast %jit3A_1889 : f32 to vector<16xf32>
      %select_n3A_1891 = arith.select %lt3A_1888, %mul3A_1886, %broadcast_in_dim3A_1890 : vector<16xi1>, vector<16xf32>
      %add3A_1892 = arith.addf %scan3A_1792, %select_n3A_1891 : vector<16xf32>
      %mul3A_1893 = arith.constant 2 : i32
      %mul3A_1894 = arith.muli %shift_right_arithmetic3A_1795, %mul3A_1893 : i32
      %add3A_1895 = arith.constant 384 : i32
      %add3A_1896 = arith.addi %add3A_1895, %mul3A_1894 : i32
      %add3A_1897 = arith.constant 1 : i32
      %add3A_1898 = arith.addi %add3A_1896, %add3A_1897 : i32
      %get3A_1899 = arith.index_cast %add3A_1898 : i32 to index
      %get3A_1900 = arith.index_cast %mul3A_1799 : i32 to index
      %get3A_1901 = tpu.vector_load %arg6[%get3A_1899, %get3A_1900] {strides = array<i32>} : memref<512x128xf32, #tpu.memory_space<vmem>>, vector<16xf32>,
      %mul3A_1902 = arith.constant 4 : i32
      %mul3A_1903 = arith.muli %shift_right_arithmetic3A_1795, %mul3A_1902 : i32
      %add3A_1904 = arith.constant 3 : i32
      %add3A_1905 = arith.addi %mul3A_1903, %add3A_1904 : i32
      %get3A_1906 = arith.index_cast %add3A_1905 : i32 to index
      %get3A_1907 = arith.index_cast %mul3A_1799 : i32 to index
      %get3A_1908 = tpu.vector_load %arg7[%get3A_1906, %get3A_1907] {strides = array<i32>} : memref<256x128xi32, #tpu.memory_space<vmem>>, vector<16xi32>,
      %eq3A_1909 = arith.constant 1 : i32
      %eq3A_1910 = vector.broadcast %eq3A_1909 : i32 to vector<16xi32>
      %eq3A_1911 = arith.cmpi eq, %get3A_1908, %eq3A_1910 : vector<16xi32>
      %jit3A_1912 = arith.constant 6.500000e-02 : f32
      %broadcast_in_dim3A_1913 = vector.broadcast %jit3A_1912 : f32 to vector<16xf32>
      %select_n3A_1914 = arith.select %eq3A_1911, %get3A_1801, %broadcast_in_dim3A_1913 : vector<16xi1>, vector<16xf32>
      %mul3A_1915 = arith.mulf %get3A_1901, %select_n3A_1914 : vector<16xf32>
      %lt3A_1916 = vector.broadcast %select_n3A_997 : i32 to vector<16xi32>
      %lt3A_1917 = arith.cmpi slt, %add3A_1805, %lt3A_1916 : vector<16xi32>
      %jit3A_1918 = arith.constant 0.000000e+00 : f32
      %broadcast_in_dim3A_1919 = vector.broadcast %jit3A_1918 : f32 to vector<16xf32>
      %select_n3A_1920 = arith.select %lt3A_1917, %mul3A_1915, %broadcast_in_dim3A_1919 : vector<16xi1>, vector<16xf32>
      %add3A_1921 = arith.addf %scan3A_1793, %select_n3A_1920 : vector<16xf32>
      %scan3A_1922 = arith.constant 1 : i32
      %scan3A_1923 = arith.addi %scan3A_1789, %scan3A_1922 : i32
      %shift_right_arithmetic3A_1924 = arith.constant 3 : i32
      %shift_right_arithmetic3A_1925 = arith.shrsi %scan3A_1923, %shift_right_arithmetic3A_1924 : i32
      %and3A_1926 = arith.constant 7 : i32
      %and3A_1927 = arith.andi %scan3A_1923, %and3A_1926 : i32
      %mul3A_1928 = arith.constant 16 : i32
      %mul3A_1929 = arith.muli %and3A_1927, %mul3A_1928 : i32
      %get3A_1930 = arith.index_cast %shift_right_arithmetic3A_1925 : i32 to index
      %get3A_1931 = arith.index_cast %mul3A_1929 : i32 to index
      %get3A_1932 = tpu.vector_load %arg8[%get3A_1930, %get3A_1931] {strides = array<i32>} : memref<64x128xf32, #tpu.memory_space<vmem>>, vector<16xf32>,
      %mul3A_1933 = arith.constant 16 : i32
      %mul3A_1934 = arith.muli %scan3A_1923, %mul3A_1933 : i32
      %add3A_1935 = vector.broadcast %mul3A_1934 : i32 to vector<16xi32>
      %add3A_1936 = arith.addi %add3A_1935, %iota3A : vector<16xi32>
      %mul3A_1937 = arith.constant 2 : i32
      %mul3A_1938 = arith.muli %shift_right_arithmetic3A_1925, %mul3A_1937 : i32
      %add3A_1939 = arith.constant 0 : i32
      %add3A_1940 = arith.addi %add3A_1939, %mul3A_1938 : i32
      %add3A_1941 = arith.constant 1 : i32
      %add3A_1942 = arith.addi %add3A_1940, %add3A_1941 : i32
      %get3A_1943 = arith.index_cast %add3A_1942 : i32 to index
      %get3A_1944 = arith.index_cast %mul3A_1929 : i32 to index
      %get3A_1945 = tpu.vector_load %arg6[%get3A_1943, %get3A_1944] {strides = array<i32>} : memref<512x128xf32, #tpu.memory_space<vmem>>, vector<16xf32>,
      %mul3A_1946 = arith.constant 4 : i32
      %mul3A_1947 = arith.muli %shift_right_arithmetic3A_1925, %mul3A_1946 : i32
      %add3A_1948 = arith.constant 0 : i32
      %add3A_1949 = arith.addi %mul3A_1947, %add3A_1948 : i32
      %get3A_1950 = arith.index_cast %add3A_1949 : i32 to index
      %get3A_1951 = arith.index_cast %mul3A_1929 : i32 to index
      %get3A_1952 = tpu.vector_load %arg7[%get3A_1950, %get3A_1951] {strides = array<i32>} : memref<256x128xi32, #tpu.memory_space<vmem>>, vector<16xi32>,
      %eq3A_1953 = arith.constant 1 : i32
      %eq3A_1954 = vector.broadcast %eq3A_1953 : i32 to vector<16xi32>
      %eq3A_1955 = arith.cmpi eq, %get3A_1952, %eq3A_1954 : vector<16xi32>
      %jit3A_1956 = arith.constant 6.500000e-02 : f32
      %broadcast_in_dim3A_1957 = vector.broadcast %jit3A_1956 : f32 to vector<16xf32>
      %select_n3A_1958 = arith.select %eq3A_1955, %get3A_1932, %broadcast_in_dim3A_1957 : vector<16xi1>, vector<16xf32>
      %mul3A_1959 = arith.mulf %get3A_1945, %select_n3A_1958 : vector<16xf32>
      %lt3A_1960 = vector.broadcast %select_n3A : i32 to vector<16xi32>
      %lt3A_1961 = arith.cmpi slt, %add3A_1936, %lt3A_1960 : vector<16xi32>
      %jit3A_1962 = arith.constant 0.000000e+00 : f32
      %broadcast_in_dim3A_1963 = vector.broadcast %jit3A_1962 : f32 to vector<16xf32>
      %select_n3A_1964 = arith.select %lt3A_1961, %mul3A_1959, %broadcast_in_dim3A_1963 : vector<16xi1>, vector<16xf32>
      %add3A_1965 = arith.addf %add3A_1834, %select_n3A_1964 : vector<16xf32>
      %mul3A_1966 = arith.constant 2 : i32
      %mul3A_1967 = arith.muli %shift_right_arithmetic3A_1925, %mul3A_1966 : i32
      %add3A_1968 = arith.constant 128 : i32
      %add3A_1969 = arith.addi %add3A_1968, %mul3A_1967 : i32
      %add3A_1970 = arith.constant 1 : i32
      %add3A_1971 = arith.addi %add3A_1969, %add3A_1970 : i32
      %get3A_1972 = arith.index_cast %add3A_1971 : i32 to index
      %get3A_1973 = arith.index_cast %mul3A_1929 : i32 to index
      %get3A_1974 = tpu.vector_load %arg6[%get3A_1972, %get3A_1973] {strides = array<i32>} : memref<512x128xf32, #tpu.memory_space<vmem>>, vector<16xf32>,
      %mul3A_1975 = arith.constant 4 : i32
      %mul3A_1976 = arith.muli %shift_right_arithmetic3A_1925, %mul3A_1975 : i32
      %add3A_1977 = arith.constant 1 : i32
      %add3A_1978 = arith.addi %mul3A_1976, %add3A_1977 : i32
      %get3A_1979 = arith.index_cast %add3A_1978 : i32 to index
      %get3A_1980 = arith.index_cast %mul3A_1929 : i32 to index
      %get3A_1981 = tpu.vector_load %arg7[%get3A_1979, %get3A_1980] {strides = array<i32>} : memref<256x128xi32, #tpu.memory_space<vmem>>, vector<16xi32>,
      %eq3A_1982 = arith.constant 1 : i32
      %eq3A_1983 = vector.broadcast %eq3A_1982 : i32 to vector<16xi32>
      %eq3A_1984 = arith.cmpi eq, %get3A_1981, %eq3A_1983 : vector<16xi32>
      %jit3A_1985 = arith.constant 6.500000e-02 : f32
      %broadcast_in_dim3A_1986 = vector.broadcast %jit3A_1985 : f32 to vector<16xf32>
      %select_n3A_1987 = arith.select %eq3A_1984, %get3A_1932, %broadcast_in_dim3A_1986 : vector<16xi1>, vector<16xf32>
      %mul3A_1988 = arith.mulf %get3A_1974, %select_n3A_1987 : vector<16xf32>
      %lt3A_1989 = vector.broadcast %select_n3A_983 : i32 to vector<16xi32>
      %lt3A_1990 = arith.cmpi slt, %add3A_1936, %lt3A_1989 : vector<16xi32>
      %jit3A_1991 = arith.constant 0.000000e+00 : f32
      %broadcast_in_dim3A_1992 = vector.broadcast %jit3A_1991 : f32 to vector<16xf32>
      %select_n3A_1993 = arith.select %lt3A_1990, %mul3A_1988, %broadcast_in_dim3A_1992 : vector<16xi1>, vector<16xf32>
      %add3A_1994 = arith.addf %add3A_1863, %select_n3A_1993 : vector<16xf32>
      %mul3A_1995 = arith.constant 2 : i32
      %mul3A_1996 = arith.muli %shift_right_arithmetic3A_1925, %mul3A_1995 : i32
      %add3A_1997 = arith.constant 256 : i32
      %add3A_1998 = arith.addi %add3A_1997, %mul3A_1996 : i32
      %add3A_1999 = arith.constant 1 : i32
      %add3A_2000 = arith.addi %add3A_1998, %add3A_1999 : i32
      %get3A_2001 = arith.index_cast %add3A_2000 : i32 to index
      %get3A_2002 = arith.index_cast %mul3A_1929 : i32 to index
      %get3A_2003 = tpu.vector_load %arg6[%get3A_2001, %get3A_2002] {strides = array<i32>} : memref<512x128xf32, #tpu.memory_space<vmem>>, vector<16xf32>,
      %mul3A_2004 = arith.constant 4 : i32
      %mul3A_2005 = arith.muli %shift_right_arithmetic3A_1925, %mul3A_2004 : i32
      %add3A_2006 = arith.constant 2 : i32
      %add3A_2007 = arith.addi %mul3A_2005, %add3A_2006 : i32
      %get3A_2008 = arith.index_cast %add3A_2007 : i32 to index
      %get3A_2009 = arith.index_cast %mul3A_1929 : i32 to index
      %get3A_2010 = tpu.vector_load %arg7[%get3A_2008, %get3A_2009] {strides = array<i32>} : memref<256x128xi32, #tpu.memory_space<vmem>>, vector<16xi32>,
      %eq3A_2011 = arith.constant 1 : i32
      %eq3A_2012 = vector.broadcast %eq3A_2011 : i32 to vector<16xi32>
      %eq3A_2013 = arith.cmpi eq, %get3A_2010, %eq3A_2012 : vector<16xi32>
      %jit3A_2014 = arith.constant 6.500000e-02 : f32
      %broadcast_in_dim3A_2015 = vector.broadcast %jit3A_2014 : f32 to vector<16xf32>
      %select_n3A_2016 = arith.select %eq3A_2013, %get3A_1932, %broadcast_in_dim3A_2015 : vector<16xi1>, vector<16xf32>
      %mul3A_2017 = arith.mulf %get3A_2003, %select_n3A_2016 : vector<16xf32>
      %lt3A_2018 = vector.broadcast %select_n3A_990 : i32 to vector<16xi32>
      %lt3A_2019 = arith.cmpi slt, %add3A_1936, %lt3A_2018 : vector<16xi32>
      %jit3A_2020 = arith.constant 0.000000e+00 : f32
      %broadcast_in_dim3A_2021 = vector.broadcast %jit3A_2020 : f32 to vector<16xf32>
      %select_n3A_2022 = arith.select %lt3A_2019, %mul3A_2017, %broadcast_in_dim3A_2021 : vector<16xi1>, vector<16xf32>
      %add3A_2023 = arith.addf %add3A_1892, %select_n3A_2022 : vector<16xf32>
      %mul3A_2024 = arith.constant 2 : i32
      %mul3A_2025 = arith.muli %shift_right_arithmetic3A_1925, %mul3A_2024 : i32
      %add3A_2026 = arith.constant 384 : i32
      %add3A_2027 = arith.addi %add3A_2026, %mul3A_2025 : i32
      %add3A_2028 = arith.constant 1 : i32
      %add3A_2029 = arith.addi %add3A_2027, %add3A_2028 : i32
      %get3A_2030 = arith.index_cast %add3A_2029 : i32 to index
      %get3A_2031 = arith.index_cast %mul3A_1929 : i32 to index
      %get3A_2032 = tpu.vector_load %arg6[%get3A_2030, %get3A_2031] {strides = array<i32>} : memref<512x128xf32, #tpu.memory_space<vmem>>, vector<16xf32>,
      %mul3A_2033 = arith.constant 4 : i32
      %mul3A_2034 = arith.muli %shift_right_arithmetic3A_1925, %mul3A_2033 : i32
      %add3A_2035 = arith.constant 3 : i32
      %add3A_2036 = arith.addi %mul3A_2034, %add3A_2035 : i32
      %get3A_2037 = arith.index_cast %add3A_2036 : i32 to index
      %get3A_2038 = arith.index_cast %mul3A_1929 : i32 to index
      %get3A_2039 = tpu.vector_load %arg7[%get3A_2037, %get3A_2038] {strides = array<i32>} : memref<256x128xi32, #tpu.memory_space<vmem>>, vector<16xi32>,
      %eq3A_2040 = arith.constant 1 : i32
      %eq3A_2041 = vector.broadcast %eq3A_2040 : i32 to vector<16xi32>
      %eq3A_2042 = arith.cmpi eq, %get3A_2039, %eq3A_2041 : vector<16xi32>
      %jit3A_2043 = arith.constant 6.500000e-02 : f32
      %broadcast_in_dim3A_2044 = vector.broadcast %jit3A_2043 : f32 to vector<16xf32>
      %select_n3A_2045 = arith.select %eq3A_2042, %get3A_1932, %broadcast_in_dim3A_2044 : vector<16xi1>, vector<16xf32>
      %mul3A_2046 = arith.mulf %get3A_2032, %select_n3A_2045 : vector<16xf32>
      %lt3A_2047 = vector.broadcast %select_n3A_997 : i32 to vector<16xi32>
      %lt3A_2048 = arith.cmpi slt, %add3A_1936, %lt3A_2047 : vector<16xi32>
      %jit3A_2049 = arith.constant 0.000000e+00 : f32
      %broadcast_in_dim3A_2050 = vector.broadcast %jit3A_2049 : f32 to vector<16xf32>
      %select_n3A_2051 = arith.select %lt3A_2048, %mul3A_2046, %broadcast_in_dim3A_2050 : vector<16xi1>, vector<16xf32>
      %add3A_2052 = arith.addf %add3A_1921, %select_n3A_2051 : vector<16xf32>
      scf.yield %add3A_1965, %add3A_1994, %add3A_2023, %add3A_2052 : vector<16xf32>, vector<16xf32>, vector<16xf32>, vector<16xf32>
    }
    %scan3A_1642 = arith.constant 512 : i32
    %reduce_sum3A = arith.constant true
    %reduce_sum3A_1643 = vector.broadcast %reduce_sum3A : i1 to vector<16xi1>
    %reduce_sum3A_1644 = tpu.scan <sum>, %scan3A_1641#0 masked %reduce_sum3A_1643 : vector<16xf32>, vector<16xi1> -> vector<16xf32>
    %reduce_sum3A_1645 = vector.extract %reduce_sum3A_1644[15] : f32 from vector<16xf32>
    %add3A_1646 = arith.constant 0.000000e+00 : f32
    %add3A_1647 = arith.addf %add3A_1646, %reduce_sum3A_1645 : f32
    %reduce_sum3A_1648 = arith.constant true
    %reduce_sum3A_1649 = vector.broadcast %reduce_sum3A_1648 : i1 to vector<16xi1>
    %reduce_sum3A_1650 = tpu.scan <sum>, %scan3A_1641#1 masked %reduce_sum3A_1649 : vector<16xf32>, vector<16xi1> -> vector<16xf32>
    %reduce_sum3A_1651 = vector.extract %reduce_sum3A_1650[15] : f32 from vector<16xf32>
    %add3A_1652 = arith.addf %add3A_1647, %reduce_sum3A_1651 : f32
    %reduce_sum3A_1653 = arith.constant true
    %reduce_sum3A_1654 = vector.broadcast %reduce_sum3A_1653 : i1 to vector<16xi1>
    %reduce_sum3A_1655 = tpu.scan <sum>, %scan3A_1641#2 masked %reduce_sum3A_1654 : vector<16xf32>, vector<16xi1> -> vector<16xf32>
    %reduce_sum3A_1656 = vector.extract %reduce_sum3A_1655[15] : f32 from vector<16xf32>
    %add3A_1657 = arith.addf %add3A_1652, %reduce_sum3A_1656 : f32
    %reduce_sum3A_1658 = arith.constant true
    %reduce_sum3A_1659 = vector.broadcast %reduce_sum3A_1658 : i1 to vector<16xi1>
    %reduce_sum3A_1660 = tpu.scan <sum>, %scan3A_1641#3 masked %reduce_sum3A_1659 : vector<16xf32>, vector<16xi1> -> vector<16xf32>
    %reduce_sum3A_1661 = vector.extract %reduce_sum3A_1660[15] : f32 from vector<16xf32>
    %add3A_1662 = arith.addf %add3A_1657, %reduce_sum3A_1661 : f32
    %eq3A = arith.constant 0 : i32
    %eq3A_1663 = vector.broadcast %eq3A : i32 to vector<16xi32>
    %eq3A_1664 = arith.cmpi eq, %iota3A, %eq3A_1663 : vector<16xi32>
    %mul3A_1665 = arith.constant 7.812500e-03 : f32
    %mul3A_1666 = arith.mulf %add3A_1662, %mul3A_1665 : f32
    %jit3A_1667 = arith.constant true
    %jit3A_1668 = arith.constant 0.000000e+00 : f32
    %select_n3A_1669 = arith.select %jit3A_1667, %mul3A_1666, %jit3A_1668 : f32
    %jit3A_1670 = arith.constant 0.000000e+00 : f32
    %broadcast_in_dim3A_1671 = vector.broadcast %select_n3A_1669 : f32 to vector<16xf32>
    %broadcast_in_dim3A_1672 = vector.broadcast %jit3A_1670 : f32 to vector<16xf32>
    %select_n3A_1673 = arith.select %eq3A_1664, %broadcast_in_dim3A_1671, %broadcast_in_dim3A_1672 : vector<16xi1>, vector<16xf32>
    %swap3A = arith.constant 0 : i32
    %swap3A_1674 = arith.index_cast %swap3A : i32 to index
    %swap3A_1675 = arith.constant 0 : index
    %swap3A_1676 = tpu.vector_load %arg9[%swap3A_1674, %swap3A_1675] {strides = array<i32>} : memref<1x128xf32, #tpu.memory_space<vmem>>, vector<16xf32>,
    tpu.vector_store %arg9[%swap3A_1674, %swap3A_1675], %select_n3A_1673 {strides = array<i32>} : memref<1x128xf32, #tpu.memory_space<vmem>>, vector<16xf32>,
    %eq3A_1677 = arith.constant 0 : i32
    %eq3A_1678 = vector.broadcast %eq3A_1677 : i32 to vector<16xi32>
    %eq3A_1679 = arith.cmpi eq, %iota3A, %eq3A_1678 : vector<16xi32>
    %mul3A_1680 = arith.constant 7.812500e-03 : f32
    %mul3A_1681 = arith.mulf %add3A_1662, %mul3A_1680 : f32
    %jit3A_1682 = arith.constant false
    %jit3A_1683 = arith.constant 0.000000e+00 : f32
    %select_n3A_1684 = arith.select %jit3A_1682, %mul3A_1681, %jit3A_1683 : f32
    %jit3A_1685 = arith.constant 0.000000e+00 : f32
    %broadcast_in_dim3A_1686 = vector.broadcast %select_n3A_1684 : f32 to vector<16xf32>
    %broadcast_in_dim3A_1687 = vector.broadcast %jit3A_1685 : f32 to vector<16xf32>
    %select_n3A_1688 = arith.select %eq3A_1679, %broadcast_in_dim3A_1686, %broadcast_in_dim3A_1687 : vector<16xi1>, vector<16xf32>
    %swap3A_1689 = arith.constant 0 : i32
    %swap3A_1690 = arith.index_cast %swap3A_1689 : i32 to index
    %swap3A_1691 = arith.constant 16 : index
    %swap3A_1692 = tpu.vector_load %arg9[%swap3A_1690, %swap3A_1691] {strides = array<i32>} : memref<1x128xf32, #tpu.memory_space<vmem>>, vector<16xf32>,
    tpu.vector_store %arg9[%swap3A_1690, %swap3A_1691], %select_n3A_1688 {strides = array<i32>} : memref<1x128xf32, #tpu.memory_space<vmem>>, vector<16xf32>,
    %eq3A_1693 = arith.constant 0 : i32
    %eq3A_1694 = vector.broadcast %eq3A_1693 : i32 to vector<16xi32>
    %eq3A_1695 = arith.cmpi eq, %iota3A, %eq3A_1694 : vector<16xi32>
    %mul3A_1696 = arith.constant 7.812500e-03 : f32
    %mul3A_1697 = arith.mulf %add3A_1662, %mul3A_1696 : f32
    %jit3A_1698 = arith.constant false
    %jit3A_1699 = arith.constant 0.000000e+00 : f32
    %select_n3A_1700 = arith.select %jit3A_1698, %mul3A_1697, %jit3A_1699 : f32
    %jit3A_1701 = arith.constant 0.000000e+00 : f32
    %broadcast_in_dim3A_1702 = vector.broadcast %select_n3A_1700 : f32 to vector<16xf32>
    %broadcast_in_dim3A_1703 = vector.broadcast %jit3A_1701 : f32 to vector<16xf32>
    %select_n3A_1704 = arith.select %eq3A_1695, %broadcast_in_dim3A_1702, %broadcast_in_dim3A_1703 : vector<16xi1>, vector<16xf32>
    %swap3A_1705 = arith.constant 0 : i32
    %swap3A_1706 = arith.index_cast %swap3A_1705 : i32 to index
    %swap3A_1707 = arith.constant 32 : index
    %swap3A_1708 = tpu.vector_load %arg9[%swap3A_1706, %swap3A_1707] {strides = array<i32>} : memref<1x128xf32, #tpu.memory_space<vmem>>, vector<16xf32>,
    tpu.vector_store %arg9[%swap3A_1706, %swap3A_1707], %select_n3A_1704 {strides = array<i32>} : memref<1x128xf32, #tpu.memory_space<vmem>>, vector<16xf32>,
    %eq3A_1709 = arith.constant 0 : i32
    %eq3A_1710 = vector.broadcast %eq3A_1709 : i32 to vector<16xi32>
    %eq3A_1711 = arith.cmpi eq, %iota3A, %eq3A_1710 : vector<16xi32>
    %mul3A_1712 = arith.constant 7.812500e-03 : f32
    %mul3A_1713 = arith.mulf %add3A_1662, %mul3A_1712 : f32
    %jit3A_1714 = arith.constant false
    %jit3A_1715 = arith.constant 0.000000e+00 : f32
    %select_n3A_1716 = arith.select %jit3A_1714, %mul3A_1713, %jit3A_1715 : f32
    %jit3A_1717 = arith.constant 0.000000e+00 : f32
    %broadcast_in_dim3A_1718 = vector.broadcast %select_n3A_1716 : f32 to vector<16xf32>
    %broadcast_in_dim3A_1719 = vector.broadcast %jit3A_1717 : f32 to vector<16xf32>
    %select_n3A_1720 = arith.select %eq3A_1711, %broadcast_in_dim3A_1718, %broadcast_in_dim3A_1719 : vector<16xi1>, vector<16xf32>
    %swap3A_1721 = arith.constant 0 : i32
    %swap3A_1722 = arith.index_cast %swap3A_1721 : i32 to index
    %swap3A_1723 = arith.constant 48 : index
    %swap3A_1724 = tpu.vector_load %arg9[%swap3A_1722, %swap3A_1723] {strides = array<i32>} : memref<1x128xf32, #tpu.memory_space<vmem>>, vector<16xf32>,
    tpu.vector_store %arg9[%swap3A_1722, %swap3A_1723], %select_n3A_1720 {strides = array<i32>} : memref<1x128xf32, #tpu.memory_space<vmem>>, vector<16xf32>,
    %eq3A_1725 = arith.constant 0 : i32
    %eq3A_1726 = vector.broadcast %eq3A_1725 : i32 to vector<16xi32>
    %eq3A_1727 = arith.cmpi eq, %iota3A, %eq3A_1726 : vector<16xi32>
    %mul3A_1728 = arith.constant 7.812500e-03 : f32
    %mul3A_1729 = arith.mulf %add3A_1662, %mul3A_1728 : f32
    %jit3A_1730 = arith.constant false
    %jit3A_1731 = arith.constant 0.000000e+00 : f32
    %select_n3A_1732 = arith.select %jit3A_1730, %mul3A_1729, %jit3A_1731 : f32
    %jit3A_1733 = arith.constant 0.000000e+00 : f32
    %broadcast_in_dim3A_1734 = vector.broadcast %select_n3A_1732 : f32 to vector<16xf32>
    %broadcast_in_dim3A_1735 = vector.broadcast %jit3A_1733 : f32 to vector<16xf32>
    %select_n3A_1736 = arith.select %eq3A_1727, %broadcast_in_dim3A_1734, %broadcast_in_dim3A_1735 : vector<16xi1>, vector<16xf32>
    %swap3A_1737 = arith.constant 0 : i32
    %swap3A_1738 = arith.index_cast %swap3A_1737 : i32 to index
    %swap3A_1739 = arith.constant 64 : index
    %swap3A_1740 = tpu.vector_load %arg9[%swap3A_1738, %swap3A_1739] {strides = array<i32>} : memref<1x128xf32, #tpu.memory_space<vmem>>, vector<16xf32>,
    tpu.vector_store %arg9[%swap3A_1738, %swap3A_1739], %select_n3A_1736 {strides = array<i32>} : memref<1x128xf32, #tpu.memory_space<vmem>>, vector<16xf32>,
    %eq3A_1741 = arith.constant 0 : i32
    %eq3A_1742 = vector.broadcast %eq3A_1741 : i32 to vector<16xi32>
    %eq3A_1743 = arith.cmpi eq, %iota3A, %eq3A_1742 : vector<16xi32>
    %mul3A_1744 = arith.constant 7.812500e-03 : f32
    %mul3A_1745 = arith.mulf %add3A_1662, %mul3A_1744 : f32
    %jit3A_1746 = arith.constant false
    %jit3A_1747 = arith.constant 0.000000e+00 : f32
    %select_n3A_1748 = arith.select %jit3A_1746, %mul3A_1745, %jit3A_1747 : f32
    %jit3A_1749 = arith.constant 0.000000e+00 : f32
    %broadcast_in_dim3A_1750 = vector.broadcast %select_n3A_1748 : f32 to vector<16xf32>
    %broadcast_in_dim3A_1751 = vector.broadcast %jit3A_1749 : f32 to vector<16xf32>
    %select_n3A_1752 = arith.select %eq3A_1743, %broadcast_in_dim3A_1750, %broadcast_in_dim3A_1751 : vector<16xi1>, vector<16xf32>
    %swap3A_1753 = arith.constant 0 : i32
    %swap3A_1754 = arith.index_cast %swap3A_1753 : i32 to index
    %swap3A_1755 = arith.constant 80 : index
    %swap3A_1756 = tpu.vector_load %arg9[%swap3A_1754, %swap3A_1755] {strides = array<i32>} : memref<1x128xf32, #tpu.memory_space<vmem>>, vector<16xf32>,
    tpu.vector_store %arg9[%swap3A_1754, %swap3A_1755], %select_n3A_1752 {strides = array<i32>} : memref<1x128xf32, #tpu.memory_space<vmem>>, vector<16xf32>,
    %eq3A_1757 = arith.constant 0 : i32
    %eq3A_1758 = vector.broadcast %eq3A_1757 : i32 to vector<16xi32>
    %eq3A_1759 = arith.cmpi eq, %iota3A, %eq3A_1758 : vector<16xi32>
    %mul3A_1760 = arith.constant 7.812500e-03 : f32
    %mul3A_1761 = arith.mulf %add3A_1662, %mul3A_1760 : f32
    %jit3A_1762 = arith.constant false
    %jit3A_1763 = arith.constant 0.000000e+00 : f32
    %select_n3A_1764 = arith.select %jit3A_1762, %mul3A_1761, %jit3A_1763 : f32
    %jit3A_1765 = arith.constant 0.000000e+00 : f32
    %broadcast_in_dim3A_1766 = vector.broadcast %select_n3A_1764 : f32 to vector<16xf32>
    %broadcast_in_dim3A_1767 = vector.broadcast %jit3A_1765 : f32 to vector<16xf32>
    %select_n3A_1768 = arith.select %eq3A_1759, %broadcast_in_dim3A_1766, %broadcast_in_dim3A_1767 : vector<16xi1>, vector<16xf32>
    %swap3A_1769 = arith.constant 0 : i32
    %swap3A_1770 = arith.index_cast %swap3A_1769 : i32 to index
    %swap3A_1771 = arith.constant 96 : index
    %swap3A_1772 = tpu.vector_load %arg9[%swap3A_1770, %swap3A_1771] {strides = array<i32>} : memref<1x128xf32, #tpu.memory_space<vmem>>, vector<16xf32>,
    tpu.vector_store %arg9[%swap3A_1770, %swap3A_1771], %select_n3A_1768 {strides = array<i32>} : memref<1x128xf32, #tpu.memory_space<vmem>>, vector<16xf32>,
    %eq3A_1773 = arith.constant 0 : i32
    %eq3A_1774 = vector.broadcast %eq3A_1773 : i32 to vector<16xi32>
    %eq3A_1775 = arith.cmpi eq, %iota3A, %eq3A_1774 : vector<16xi32>
    %mul3A_1776 = arith.constant 7.812500e-03 : f32
    %mul3A_1777 = arith.mulf %add3A_1662, %mul3A_1776 : f32
    %jit3A_1778 = arith.constant false
    %jit3A_1779 = arith.constant 0.000000e+00 : f32
    %select_n3A_1780 = arith.select %jit3A_1778, %mul3A_1777, %jit3A_1779 : f32
    %jit3A_1781 = arith.constant 0.000000e+00 : f32
    %broadcast_in_dim3A_1782 = vector.broadcast %select_n3A_1780 : f32 to vector<16xf32>
    %broadcast_in_dim3A_1783 = vector.broadcast %jit3A_1781 : f32 to vector<16xf32>
    %select_n3A_1784 = arith.select %eq3A_1775, %broadcast_in_dim3A_1782, %broadcast_in_dim3A_1783 : vector<16xi1>, vector<16xf32>
    %swap3A_1785 = arith.constant 0 : i32
    %swap3A_1786 = arith.index_cast %swap3A_1785 : i32 to index
    %swap3A_1787 = arith.constant 112 : index
    %swap3A_1788 = tpu.vector_load %arg9[%swap3A_1786, %swap3A_1787] {strides = array<i32>} : memref<1x128xf32, #tpu.memory_space<vmem>>, vector<16xf32>,
    tpu.vector_store %arg9[%swap3A_1786, %swap3A_1787], %select_n3A_1784 {strides = array<i32>} : memref<1x128xf32, #tpu.memory_space<vmem>>, vector<16xf32>,
    "tpu.region"() ({
      %run_scoped3A = tpu.sem_alloc : memref<!tpu.dma_semaphore, #tpu.memory_space<semaphore_mem>>
      %dma_start3A_1789 = arith.constant 0 : i32
      %dma_start3A_1790 = tpu.memref_slice %arg5[%add3A, %dma_start3A_1789] : memref<32x128xf32, #tpu.memory_space<hbm>> -> memref<1x128xf32, #tpu.memory_space<hbm>>
      %dma_start3A_1791 = arith.constant 0 : i32
      %dma_start3A_1792 = tpu.memref_slice %arg5[%add3A, %dma_start3A_1791] : memref<32x128xf32, #tpu.memory_space<hbm>> -> memref<1x128xf32, #tpu.memory_space<hbm>>
      tpu.enqueue_dma source(%arg9 : memref<1x128xf32, #tpu.memory_space<vmem>>) target(%dma_start3A_1792 : memref<1x128xf32, #tpu.memory_space<hbm>>) target_semaphore(%run_scoped3A : memref<!tpu.dma_semaphore, #tpu.memory_space<semaphore_mem>>)
      %dma_wait3A_1793 = arith.constant 0 : i32
      %dma_wait3A_1794 = tpu.memref_slice %arg5[%add3A, %dma_wait3A_1793] : memref<32x128xf32, #tpu.memory_space<hbm>> -> memref<1x128xf32, #tpu.memory_space<hbm>>
      %dma_wait3A_1795 = arith.constant 0 : i32
      %dma_wait3A_1796 = tpu.memref_slice %arg5[%add3A, %dma_wait3A_1795] : memref<32x128xf32, #tpu.memory_space<hbm>> -> memref<1x128xf32, #tpu.memory_space<hbm>>
      tpu.wait_dma2 semaphore(%run_scoped3A : memref<!tpu.dma_semaphore, #tpu.memory_space<semaphore_mem>>) src(%arg9 : memref<1x128xf32, #tpu.memory_space<vmem>>) dst(%dma_wait3A_1796 : memref<1x128xf32, #tpu.memory_space<hbm>>)
      tpu.yield
    }) : () -> ()
    return
  }
}

</mosaic_0001>

<sc_bundles>
// kernel: kernel.3.cloned.1.call-start
scs
__scs_entry_jumppad:
0x0: {  	(pc) =	sbr.rel $0x88, $3  }
0x1: {  	(tag) =	ssettag $0x0;
	lr =	simm.s32 $0x1  }
0x2: {  	[smem:$0x3F9F] =	sst lr;
	_ =	strace $0xD0000000  }
0x3: {  	_ = 	snop  }
0x4: {  	_ = 	snop  }
0x5: {  	_ = 	snop  }
0x6: {  	_ = 	snop  }
0x7: {  	_ = 	snop  }
__scs_overlays_trampoline_lowered:
0x8: {  	[smem:$0x3FAE] =	sst s0  }
0x9: {  	[smem:$0x3FAF] =	sst s1  }
0xa: {  	[smem:$0x3FB0] =	sst s2  }
0xb: {  	[smem:$0x3FB1] =	sst s3  }
0xc: {  	[smem:$0x3FB2] =	sst s4  }
0xd: {  	[smem:$0x3FB3] =	sst s5  }
0xe: {  	[smem:$0x3FB4] =	sst s6  }
0xf: {  	[smem:$0x3FB5] =	sst s7  }
0x10: {  	[smem:$0x3FB6] =	sst s8  }
0x11: {  	[smem:$0x3FB7] =	sst s9;
	s0 =	simm.s32 @!p0 $0x0  }
0x12: {  	s1 =	sld [smem:$0x3F9D];
	s0 =	simm.s32 @p0 $0x1  }
0x13: {  	[smem:$0x3FB8] =	sst s0;
	s0 =	simm.s32 @!p1 $0x0  }
0x14: {  	s2 =	sld [smem:$0x3F9C];
	s0 =	simm.s32 @p1 $0x1  }
0x15: {  	[smem:$0x3FB9] =	sst s0;
	s0 =	simm.s32 @!p2 $0x0  }
0x16: {  	s3 =	sld [smem:$0x3FDB];
	s0 =	simm.s32 @p2 $0x1  }
0x17: {  	s4 =	simm.s32 $0x1BF5;
	[smem:$0x3FBB] =	sst s0  }
0x18: {  	s0 =	sld [smem:$0x3F9E];
	_ =	swait.ge [sflag:s4], $0x0  }
0x19: {  	s7 =	sld [smem:$0x3F9F]  }
0x1a: {  	s8 =	sadd.s32 $0xFFFFE003, lr  }
0x1b: {  	s9 =	sadd.s32 $0xFFFFFEF7, lr;
	s5 =	simm.s32 $0xFFFFFFFF;
	p2 =	slt.u32 s8, $0xFFFFF086  }
0x1c: {  	p1 =	slt.u32 s9, $0xF7A;
	s5 =	simm.s32 @!p2 $0x0  }
0x1d: {  	s5 =	simm.s32 @p1 $0x1;
	p0 =	seq.s32 s7, s2  }
0x1e: {  	s7 =	smul.u32 @!p0 $0xF7A, s2;
	p2 =	seq.s32 @!p0 s5, $0x0  }
0x1f: {  	s9 =	smul.u32 $0xF7A, s1;
	s8 =	simm.s32 @!p0 $0x1BF5;
	p2 =	por !p2, p0  }
0x20: {  	[sflag:s8] =	ssyncset.s32 @!p0 $0xFFFFF086;
	s6 =	sadd.s32 @!p0 s3, s7;
	s7 =	simm.s32 @!p0 $0x108  }
0x21: {  	s3 =	sadd.s32 s3, s9;
	s6 =	sadd.s32 @!p0 $0x88, s6;
	s7 =	simm.s32 @p2 $0x1082  }
0x22: {  	[simem:s7], [sflag:s8] =	dma.local @!p0 [hbm:s6], $0xF7A  }
0x23: {  	s9 =	sor.u32 $0xD0000000, s2;
	s6 =	simm.s32 $0x108;
	_ =	swait.ge @!p0 [sflag:s8], $0x0  }
0x24: {  	s3 =	sadd.s32 $0x88, s3;
	s6 =	simm.s32 @!p1 $0x1082;
	[sflag:s4] =	ssyncset.s32 $0xFFFFF086  }
0x25: {  	[simem:s6], [sflag:s4] =	dma.local [hbm:s3], $0xF7A  }
0x26: {  	[smem:$0x3F9F] =	sst s1;
	(tag) =	ssettag s2;
	_ =	strace s9  }
0x27: {  	s1 =	sld [smem:$0x3FAF]  }
0x28: {  	s2 =	sld [smem:$0x3FB0]  }
0x29: {  	s4 =	sld [smem:$0x3FB2]  }
0x2a: {  	p0 =	seq.s32 s5, $0x0;
	s5 =	sld [smem:$0x3FB3]  }
0x2b: {  	s6 =	sld [smem:$0x3FB4]  }
0x2c: {  	s7 =	sld [smem:$0x3FB5]  }
0x2d: {  	s3 =	simm.s32 $0x108;
	s8 =	sld [smem:$0x3FB6]  }
0x2e: {  	s3 =	simm.s32 @!p0 $0x1082;
	s9 =	sld [smem:$0x3FB7]  }
0x2f: {  	lr =	sadd.s32 s0, s3;
	s0 =	sld [smem:$0x3FAE]  }
0x30: {  	s3 =	sld [smem:$0x3FB1]  }
0x31: {  	[smem:$0x3FBA] =	sst s10  }
0x32: {  	s10 =	sld [smem:$0x3FB8];
	_ =	sdelay $0x3  }
0x33: {  	p0 =	seq.s32 s10, $0x1;
	s10 =	sld [smem:$0x3FBA];
	_ =	sdelay $0x3  }
0x34: {  	[smem:$0x3FBA] =	sst s10  }
0x35: {  	s10 =	sld [smem:$0x3FB9];
	_ =	sdelay $0x3  }
0x36: {  	p1 =	seq.s32 s10, $0x1;
	s10 =	sld [smem:$0x3FBA];
	_ =	sdelay $0x3  }
0x37: {  	[smem:$0x3FBA] =	sst s10  }
0x38: {  	s10 =	sld [smem:$0x3FBB]  }
0x39: {  	_ = 	snop;
	(pc) =	sbr.ind lr, $3  }
0x3a: {  	_ = 	snop  }
0x3b: {  	_ = 	snop  }
0x3c: {  	p2 =	seq.s32 s10, $0x1;
	s10 =	sld [smem:$0x3FBA]  }
0x3d: {  	_ =	shalt  }
0x3e: {  	_ =	shalt  }
0x3f: {  	_ =	shalt  }
0x40: {  	_ =	shalt  }
0x41: {  	_ =	shalt  }
0x42: {  	_ =	shalt  }
0x43: {  	_ =	shalt  }
0x44: {  	_ =	shalt  }
0x45: {  	_ =	shalt  }
0x46: {  	_ =	shalt  }
0x47: {  	_ =	shalt  }
0x48: {  	_ =	shalt  }
0x49: {  	_ =	shalt  }
0x4a: {  	_ =	shalt  }
0x4b: {  	_ =	shalt  }
0x4c: {  	_ =	shalt  }
0x4d: {  	_ =	shalt  }
0x4e: {  	_ =	shalt  }
0x4f: {  	_ =	shalt  }
0x50: {  	_ =	shalt  }
0x51: {  	_ =	shalt  }
0x52: {  	_ =	shalt  }
0x53: {  	_ =	shalt  }
0x54: {  	_ =	shalt  }
0x55: {  	_ =	shalt  }
0x56: {  	_ =	shalt  }
0x57: {  	_ =	shalt  }
0x58: {  	_ =	shalt  }
0x59: {  	_ =	shalt  }
0x5a: {  	_ =	shalt  }
0x5b: {  	_ =	shalt  }
0x5c: {  	_ =	shalt  }
0x5d: {  	_ =	shalt  }
0x5e: {  	_ =	shalt  }
0x5f: {  	_ =	shalt  }
0x60: {  	_ =	shalt  }
0x61: {  	_ =	shalt  }
0x62: {  	_ =	shalt  }
0x63: {  	_ =	shalt  }
0x64: {  	_ =	shalt  }
0x65: {  	_ =	shalt  }
0x66: {  	_ =	shalt  }
0x67: {  	_ =	shalt  }
0x68: {  	_ =	shalt  }
0x69: {  	_ =	shalt  }
0x6a: {  	_ =	shalt  }
0x6b: {  	_ =	shalt  }
0x6c: {  	_ =	shalt  }
0x6d: {  	_ =	shalt  }
0x6e: {  	_ =	shalt  }
0x6f: {  	_ =	shalt  }
0x70: {  	_ =	shalt  }
0x71: {  	_ =	shalt  }
0x72: {  	_ =	shalt  }
0x73: {  	_ =	shalt  }
0x74: {  	_ =	shalt  }
0x75: {  	_ =	shalt  }
0x76: {  	_ =	shalt  }
0x77: {  	_ =	shalt  }
0x78: {  	_ =	shalt  }
0x79: {  	_ =	shalt  }
0x7a: {  	_ =	shalt  }
0x7b: {  	_ =	shalt  }
0x7c: {  	_ =	shalt  }
0x7d: {  	_ =	shalt  }
0x7e: {  	_ =	shalt  }
0x7f: {  	_ =	shalt  }
0x80: {  	_ =	shalt  }
0x81: {  	_ =	shalt  }
0x82: {  	_ =	shalt  }
0x83: {  	_ =	shalt  }
0x84: {  	_ =	shalt  }
0x85: {  	_ =	shalt  }
0x86: {  	_ =	shalt  }
0x87: {  	_ =	shalt  }
.Lfunc_end0:
.L_simem_size_0:
called_computation_lowered:
.L_overlay_start_0:
0x88: {  	s2 =	sld [smem:$0x3FD9]  }
0x89: {  	s3 =	sld [smem:$0x3FFE];
	_ =	sdelay $0x1  }
0x8a: {  	s1 =	srdreg.scid  }
0x8b: {  	s0 =	sand.u32 $0x1, s1  }
0x8c: {  	s17 =	sshll.u32 s0, $0xA;
	s2 =	sadd.s32 s3, s2  }
0x8d: {  	s2 =	sadd.s32 s2, s17  }
0x8e: {  	[smem:$0x3FC6] =	sst s2  }
0x8f: {  	_ = 	snop  }
0x90: {  	s2 =	sld [smem:$0x3FC9]  }
0x91: {  	s18 =	sld [smem:$0x3FC8];
	(tm) =	ssettm $0x1  }
0x92: {  	s4 =	sld [smem:$0x3FFB];
	_ =	sdelay $0x3  }
0x93: {  	_ =	strace s4  }
0x94: {  	s4 =	sld [smem:$0x3FFC];
	_ =	sdelay $0x3  }
0x95: {  	_ =	strace s4  }
0x96: {  	s4 =	sld [smem:$0x3FFD];
	_ =	sdelay $0x3  }
0x97: {  	_ =	strace s4  }
0x98: {  	_ =	strace $0x8FFFFFFF  }
0x99: {  	s19 =	sld [smem:$0x3FDB];
	_ =	sdelay $0x1  }
0x9a: {  	s5 =	simm.s32 $_scs_section_size  }
0x9b: {  	s6 =	simm.s32 $_size__tile_overlayer_lowered;
	s7 =	simm.s32 $_tile_overlayer_lowered  }
0x9c: {  	s22 =	simm.s32 $0x1BFF;
	s21 =	sshll.u32 s7, $0x1;
	s4 =	sadd.s32 s5, s19  }
0x9d: {  	s8 =	simm.s32 $0x0;
	s20 =	sshll.u32 s6, $0x1;
	s6 =	sadd.s32 s21, s4  }
0x9e: {  	[timem:s8], [sflag:s22] =	dma.local [hbm:s6], s20  }
0x9f: {  	_ =	swait.ge [sflag:s22], s20  }
0xa0: {  	s5 =	ssub.s32 $0x0, s20;
	[sflag:s22] =	ssyncset.done $0x0  }
0xa1: {  	[sflag:s22] =	ssyncadd.s32 s5;
	_ =	sdelay $0x1  }
0xa2: {  	s23 =	simm.s32 $0x1B8B  }
0xa3: {  	_ =	swait.ge [sflag:s23], $0x1  }
0xa4: {  	[sflag:s23] =	ssyncset.done $0x0  }
0xa5: {  	s25 =	simm.s32 $0x1B8E;
	s24 =	sld [smem:$0x3FFE];
	[sflag:s23] =	ssyncadd.s32 $0xFFFFFFFF  }
0xa6: {  	s26 =	simm.s32 $execute0_lowered;
	[smem:$0x3FD2] =	sst s25  }
0xa7: {  	s6 =	sshll.u32 s26, $0x1;
	_ =	strace $0x80000046;
	[dreg:$0x1] =	wrdreg $0xFFFFFFFF  }
0xa8: {  	s28 =	simm.s32 $_size_execute0_lowered;
	s4 =	sadd.s32 s4, s6;
	[dreg:$0x0] =	wrdreg $0x0  }
0xa9: {  	s6 =	sshll.u32 s28, $0x1;
	[dreg:$0x2] =	wrdreg s4  }
0xaa: {  	[dreg:$0x3] =	wrdreg s6  }
0xab: {  	[dreg:$0x4] =	wrdreg $0xC0  }
0xac: {  	_ =	task [dreg:s8], $0x5FFFF  }
0xad: {  	[dreg:$0x1] =	wrdreg $0xFFFFFFFF  }
0xae: {  	[dreg:$0x0] =	wrdreg $0x60  }
0xaf: {  	[dreg:$0x2] =	wrdreg s2  }
0xb0: {  	[dreg:$0x3] =	wrdreg s18  }
0xb1: {  	[dreg:$0x4] =	wrdreg s24  }
0xb2: {  	[dreg:$0x5] =	wrdreg $0x9  }
0xb3: {  	_ =	task.clear_ibuf [dreg:s8], $0x6FFFF;
	_ =	strace $0x90000046  }
0xb4: {  	s29 =	simm.s32 $0x9;
	_ =	strace $0x80000048  }
0xb5: {  	_ =	swait.ge [sflag:s29], $0x1  }
0xb6: {  	[sflag:s29] =	ssyncadd.s32 $0xFFFFFFFF  }
0xb7: {  	_ =	strace $0x90000048  }
0xb8: {  	_ =	sfence  }
0xb9: {  	s30 =	sld [smem:$0x0];
	_ =	sdelay $0x2  }
0xba: {  	s31 =	sshll.u32 s1, $0xD;
	s1 =	sshrl.u32 s1, $0x2  }
0xbb: {  	s3 =	sand.u32 $0x4000, s31;
	s1 =	sadd.s32 s1, s30  }
0xbc: {  	s0 =	sor.u32 s3, s0;
	s1 =	sshll.u32 s1, $0x11  }
0xbd: {  	s0 =	sor.u32 s1, s0  }
0xbe: {  	s0 =	sadd.s32 $0x8F2B, s0  }
0xbf: {  	[sflag:s0] =	ssyncadd.remote.s32 $0x1  }
0xc0: {  	_ =	sfence.sel $0xFFFF  }
0xc1: {  	[dreg:$0x0] =	wrdreg $0xFFFFFFFF;
	(pc) =	sbr.abs _section_cstart, $3  }
0xc2: {  	[dreg:$0x1] =	wrdreg $0xFFFFFFFF  }
0xc3: {  	_ =	task.clear_ibuf [dreg:s8], $0x2FFFF;
	_ =	strace $0x9FFFFFFF  }
0xc4: {  	(tm) =	ssettm $0x7FFFFFFF  }
0xc5: {  	_ =	shalt  }
tec
execute0_lowered:
.L_overlay_start_1:
0x0: {  	(tag) =	ssettag $0x1  }
0x1: {  	s3 =	rddreg [dreg:$0x0]  }
0x2: {  	s1 =	srdreg.scid;
	s0 =	rddreg [dreg:$0x1]  }
0x3: {  	s8 =	stileid.u32;
	s5 =	sand.u32 $0x1, s1;
	s1 =	simm.s32 $0x0  }
0x4: {  	s2 =	sshll.u32 s8, $0x1;
	s8 =	sshll.u32 s8, $0xD;
	s6 =	ssub.s32 $0x2, s5  }
0x5: {  	[smem:$0x7FF] =	sst s1;
	s7 =	sor.u32 s5, s2;
	s5 =	sshll.u32 s5, $0x6  }
0x6: {  	s4 =	sshll.u32 s7, $0x4;
	s24 =	sshll.u32 s7, $0xD;
	s7 =	sshll.u32 s7, $0xC  }
0x7: {  	s23 =	sshrl.u32 s6, $0x1;
	s25 =	sor.u32 s5, s8;
	s5 =	sor.u32 s5, s7  }
0x8: {  	s2 =	ssub.s32 s6, s23;
	s3 =	sadd.s32 s3, s24;
	s26 =	sor.u32 $0x1000, s5  }
0x9: {  	[dreg:$0x4] =	wrdreg s3;
	s7 =	sor.u32 $0x1080, s5;
	s6 =	sadd.s32 s0, s26  }
0xa: {  	s10 =	sor.u32 $0x1200, s5;
	s7 =	sadd.s32 s0, s7;
	[dreg:$0x5] =	wrdreg s6  }
0xb: {  	s14 =	sor.u32 $0x1380, s5;
	s11 =	sadd.s32 s0, s10;
	[dreg:$0x6] =	wrdreg s7  }
0xc: {  	s18 =	sor.u32 $0x1500, s5;
	s15 =	sadd.s32 s0, s14;
	[dreg:$0x9] =	wrdreg s11  }
0xd: {  	s22 =	sor.u32 $0x1680, s5;
	s19 =	sadd.s32 s0, s18;
	[dreg:$0xc] =	wrdreg s15  }
0xe: {  	s8 =	sor.u32 $0x1100, s5;
	s23 =	sadd.s32 s0, s22;
	[dreg:$0xf] =	wrdreg s19  }
0xf: {  	s26 =	sor.u32 $0x1800, s5;
	s6 =	sadd.s32 s0, s8;
	[dreg:$0x12] =	wrdreg s23  }
0x10: {  	s10 =	sor.u32 $0x1980, s5;
	s7 =	sadd.s32 s0, s26;
	[dreg:$0x7] =	wrdreg s6  }
0x11: {  	s14 =	sor.u32 $0x1B00, s5;
	s11 =	sadd.s32 s0, s10;
	[dreg:$0x15] =	wrdreg s7  }
0x12: {  	s18 =	sor.u32 $0x1C80, s5;
	s15 =	sadd.s32 s0, s14;
	[dreg:$0x18] =	wrdreg s11  }
0x13: {  	s22 =	sor.u32 $0x1E00, s5;
	s19 =	sadd.s32 s0, s18;
	[dreg:$0x1b] =	wrdreg s15  }
0x14: {  	s9 =	sor.u32 $0x1180, s5;
	s23 =	sadd.s32 s0, s22;
	[dreg:$0x1e] =	wrdreg s19  }
0x15: {  	s12 =	sor.u32 $0x1280, s5;
	s6 =	sadd.s32 s0, s9;
	[smem:$0x7E6] =	sst s23  }
0x16: {  	s13 =	sor.u32 $0x1300, s5;
	[dreg:$0x8] =	wrdreg s6;
	s6 =	sadd.s32 s0, s12  }
0x17: {  	s16 =	sor.u32 $0x1400, s5;
	[dreg:$0xa] =	wrdreg s6;
	s6 =	sadd.s32 s0, s13  }
0x18: {  	s17 =	sor.u32 $0x1480, s5;
	[dreg:$0xb] =	wrdreg s6;
	s6 =	sadd.s32 s0, s16  }
0x19: {  	s20 =	sor.u32 $0x1580, s5;
	[dreg:$0xd] =	wrdreg s6;
	s6 =	sadd.s32 s0, s17  }
0x1a: {  	s21 =	sor.u32 $0x1600, s5;
	[dreg:$0xe] =	wrdreg s6;
	s6 =	sadd.s32 s0, s20  }
0x1b: {  	s24 =	sor.u32 $0x1700, s5;
	[dreg:$0x10] =	wrdreg s6;
	s6 =	sadd.s32 s0, s21  }
0x1c: {  	[dreg:$0x11] =	wrdreg s6;
	s6 =	sadd.s32 s0, s24  }
0x1d: {  	s3 =	sadd.s32 s0, s25;
	s25 =	sor.u32 $0x1780, s5;
	[dreg:$0x13] =	wrdreg s6  }
0x1e: {  	s8 =	sor.u32 $0x1880, s5;
	s6 =	sadd.s32 s0, s25;
	s25 =	rddreg [dreg:$0x2]  }
0x1f: {  	s9 =	sor.u32 $0x1900, s5;
	[dreg:$0x14] =	wrdreg s6;
	s6 =	sadd.s32 s0, s8  }
0x20: {  	s12 =	sor.u32 $0x1A00, s5;
	[dreg:$0x16] =	wrdreg s6;
	s6 =	sadd.s32 s0, s9  }
0x21: {  	s13 =	sor.u32 $0x1A80, s5;
	[dreg:$0x17] =	wrdreg s6;
	s6 =	sadd.s32 s0, s12  }
0x22: {  	s16 =	sor.u32 $0x1B80, s5;
	[dreg:$0x19] =	wrdreg s6;
	s6 =	sadd.s32 s0, s13  }
0x23: {  	s17 =	sor.u32 $0x1C00, s5;
	[dreg:$0x1a] =	wrdreg s6;
	s6 =	sadd.s32 s0, s16  }
0x24: {  	s20 =	sor.u32 $0x1D00, s5;
	[dreg:$0x1c] =	wrdreg s6;
	s6 =	sadd.s32 s0, s17  }
0x25: {  	s21 =	sor.u32 $0x1D80, s5;
	[dreg:$0x1d] =	wrdreg s6;
	s6 =	sadd.s32 s0, s20  }
0x26: {  	s24 =	sor.u32 $0x1E80, s5;
	[dreg:$0x1f] =	wrdreg s6;
	s6 =	sadd.s32 s0, s21  }
0x27: {  	s26 =	sor.u32 $0x1F00, s5;
	[smem:$0x7E5] =	sst s6;
	s6 =	sadd.s32 s0, s24  }
0x28: {  	s5 =	sor.u32 $0x1F80, s5;
	[smem:$0x7E7] =	sst s6;
	s6 =	sadd.s32 s0, s26  }
0x29: {  	s7 =	sadd.s32 s4, s25;
	s0 =	sadd.s32 s0, s5;
	[smem:$0x7E8] =	sst s6  }
0x2a: {  	[smem:$0x7E9] =	sst s0;
	s0 =	sadd.s32 $0x400, s7  }
0x2b: {  	s8 =	smax.u32 s2, $0x1;
	_ =	strace $0x80000047;
	[smem:$0x7EA] =	sst s0  }
0x2c: {  	s9 =	sadd.s32 $0x80, s3;
	[smem:$0x7EB] =	sst s8  }
0x2d: {  	s10 =	sadd.s32 $0x100, s3;
	[smem:$0x7EC] =	sst s9  }
0x2e: {  	s11 =	sadd.s32 $0x180, s3;
	[smem:$0x7ED] =	sst s10  }
0x2f: {  	s12 =	sadd.s32 $0x200, s3;
	[smem:$0x7EE] =	sst s11  }
0x30: {  	s13 =	sadd.s32 $0x280, s3;
	[smem:$0x7EF] =	sst s12  }
0x31: {  	s14 =	sadd.s32 $0x300, s3;
	[smem:$0x7F0] =	sst s13  }
0x32: {  	s15 =	sadd.s32 $0x380, s3;
	[smem:$0x7F1] =	sst s14  }
0x33: {  	s16 =	sadd.s32 $0x400, s3;
	[smem:$0x7F2] =	sst s15  }
0x34: {  	s17 =	sadd.s32 $0x480, s3;
	[smem:$0x7F3] =	sst s16  }
0x35: {  	s18 =	sadd.s32 $0x500, s3;
	[smem:$0x7F4] =	sst s17  }
0x36: {  	s28 =	sadd.s32 $0x980, s3;
	s19 =	sadd.s32 $0x580, s3;
	[smem:$0x7F5] =	sst s18  }
0x37: {  	s29 =	sadd.s32 $0xA00, s3;
	s20 =	sadd.s32 $0x600, s3;
	[smem:$0x7F6] =	sst s19  }
0x38: {  	s30 =	sadd.s32 $0xA80, s3;
	s21 =	sadd.s32 $0x680, s3;
	[smem:$0x7F7] =	sst s20  }
0x39: {  	s31 =	sadd.s32 $0xB00, s3;
	s22 =	sadd.s32 $0x700, s3;
	[smem:$0x7F8] =	sst s21  }
0x3a: {  	s23 =	sadd.s32 $0x780, s3;
	s25 =	sadd.s32 $0x880, s3;
	[smem:$0x7F9] =	sst s22  }
0x3b: {  	s2 =	sadd.s32 $0xC00, s3;
	s24 =	sadd.s32 $0x800, s3;
	[smem:$0x7FA] =	sst s23  }
0x3c: {  	s4 =	sadd.s32 $0xC80, s3;
	s26 =	sadd.s32 $0x900, s3;
	[smem:$0x7FB] =	sst s24  }
0x3d: {  	s5 =	sadd.s32 $0xD00, s3;
	s6 =	sadd.s32 $0xD80, s3;
	[smem:$0x7FC] =	sst s25  }
0x3e: {  	s7 =	sadd.s32 $0xE00, s3;
	[smem:$0x7FD] =	sst s26;
	s0 =	sadd.s32 $0xB80, s3  }
0x3f: {  	v0 =	vlaneseq.u32;
	s8 =	sadd.s32 $0xE80, s3;
	s9 =	sadd.s32 $0xF00, s3;
	s10 =	sadd.s32 $0xF80, s3  }
0x40: {  	v2 =	vimm.f32 $0.0e+00;
	v1 =	vor.u32 $0x80000000, v0;
	s11 =	simm.s32 $0x1;
	s12 =	simm.s32 $0x2;
	s13 =	simm.s32 $0x0  }
.LBB2_1:
0x41: {  	s14 =	rddreg [dreg:$0x4]  }
0x42: {  	[tilespmem:s1], [sflag:$0x1] =	stream.linear.gather [hbm4b:s14+s1], $0x10000, $0x38;
	[tilespmem:$0x1A080] =	vst v63  }
0x43: {  	s19 =	simm.s32 $0x10000;
	s20 =	sld [smem:$0x7EC]  }
0x44: {  	[tilespmem:s19], [sflag:$0x1] =	stream.linear.gather [hbm4b:s3+s1], $0x200, $0x38;
	[tilespmem:$0x1A080] =	vst v63  }
0x45: {  	s15 =	simm.s32 $0x10200;
	s21 =	sld [smem:$0x7ED]  }
0x46: {  	[tilespmem:s15], [sflag:$0x1] =	stream.linear.gather [hbm4b:s20+s1], $0x200, $0x38;
	[tilespmem:$0x1A080] =	vst v63  }
0x47: {  	s22 =	simm.s32 $0x10400;
	s23 =	sld [smem:$0x7EE]  }
0x48: {  	[tilespmem:s22], [sflag:$0x1] =	stream.linear.gather [hbm4b:s21+s1], $0x200, $0x38;
	[tilespmem:$0x1A080] =	vst v63  }
0x49: {  	s24 =	simm.s32 $0x10600;
	s25 =	sld [smem:$0x7EF]  }
0x4a: {  	[tilespmem:s24], [sflag:$0x1] =	stream.linear.gather [hbm4b:s23+s1], $0x200, $0x38;
	[tilespmem:$0x1A080] =	vst v63  }
0x4b: {  	s26 =	simm.s32 $0x10800;
	s15 =	sld [smem:$0x7F0]  }
0x4c: {  	[tilespmem:s26], [sflag:$0x1] =	stream.linear.gather [hbm4b:s25+s1], $0x200, $0x38;
	[tilespmem:$0x1A080] =	vst v63  }
0x4d: {  	s16 =	simm.s32 $0x10A00;
	s17 =	sld [smem:$0x7F1]  }
0x4e: {  	[tilespmem:s16], [sflag:$0x1] =	stream.linear.gather [hbm4b:s15+s1], $0x200, $0x38;
	[tilespmem:$0x1A080] =	vst v63  }
0x4f: {  	s18 =	simm.s32 $0x10C00;
	s19 =	sld [smem:$0x7F2]  }
0x50: {  	[tilespmem:s18], [sflag:$0x1] =	stream.linear.gather [hbm4b:s17+s1], $0x200, $0x38;
	[tilespmem:$0x1A080] =	vst v63  }
0x51: {  	s20 =	simm.s32 $0x10E00;
	s21 =	sld [smem:$0x7F3]  }
0x52: {  	[tilespmem:s20], [sflag:$0x1] =	stream.linear.gather [hbm4b:s19+s1], $0x200, $0x38;
	[tilespmem:$0x1A080] =	vst v63  }
0x53: {  	s22 =	simm.s32 $0x11000;
	s23 =	sld [smem:$0x7F4]  }
0x54: {  	[tilespmem:s22], [sflag:$0x1] =	stream.linear.gather [hbm4b:s21+s1], $0x200, $0x38;
	[tilespmem:$0x1A080] =	vst v63  }
0x55: {  	s24 =	simm.s32 $0x11200;
	s25 =	sld [smem:$0x7F5]  }
0x56: {  	[tilespmem:s24], [sflag:$0x1] =	stream.linear.gather [hbm4b:s23+s1], $0x200, $0x38;
	[tilespmem:$0x1A080] =	vst v63  }
0x57: {  	s26 =	simm.s32 $0x11400;
	s15 =	sld [smem:$0x7F6]  }
0x58: {  	[tilespmem:s26], [sflag:$0x1] =	stream.linear.gather [hbm4b:s25+s1], $0x200, $0x38;
	[tilespmem:$0x1A080] =	vst v63  }
0x59: {  	s16 =	simm.s32 $0x11600;
	s17 =	sld [smem:$0x7F7]  }
0x5a: {  	[tilespmem:s16], [sflag:$0x1] =	stream.linear.gather [hbm4b:s15+s1], $0x200, $0x38;
	[tilespmem:$0x1A080] =	vst v63  }
0x5b: {  	s18 =	simm.s32 $0x11800;
	s19 =	sld [smem:$0x7F8]  }
0x5c: {  	[tilespmem:s18], [sflag:$0x1] =	stream.linear.gather [hbm4b:s17+s1], $0x200, $0x38;
	[tilespmem:$0x1A080] =	vst v63  }
0x5d: {  	s20 =	simm.s32 $0x11A00;
	s21 =	sld [smem:$0x7F9]  }
0x5e: {  	[tilespmem:s20], [sflag:$0x1] =	stream.linear.gather [hbm4b:s19+s1], $0x200, $0x38;
	[tilespmem:$0x1A080] =	vst v63  }
0x5f: {  	s22 =	simm.s32 $0x11C00;
	s23 =	sld [smem:$0x7FA]  }
0x60: {  	[tilespmem:s22], [sflag:$0x1] =	stream.linear.gather [hbm4b:s21+s1], $0x200, $0x38;
	[tilespmem:$0x1A080] =	vst v63  }
0x61: {  	s24 =	simm.s32 $0x11E00;
	s25 =	sld [smem:$0x7FB]  }
0x62: {  	[tilespmem:s24], [sflag:$0x1] =	stream.linear.gather [hbm4b:s23+s1], $0x200, $0x38;
	[tilespmem:$0x1A080] =	vst v63  }
0x63: {  	s26 =	simm.s32 $0x12000;
	s16 =	sld [smem:$0x7FC]  }
0x64: {  	[tilespmem:s26], [sflag:$0x1] =	stream.linear.gather [hbm4b:s25+s1], $0x200, $0x38;
	[tilespmem:$0x1A080] =	vst v63  }
0x65: {  	s17 =	simm.s32 $0x12200;
	s18 =	sld [smem:$0x7FD]  }
0x66: {  	[tilespmem:s17], [sflag:$0x1] =	stream.linear.gather [hbm4b:s16+s1], $0x200, $0x38;
	[tilespmem:$0x1A080] =	vst v63  }
0x67: {  	s19 =	simm.s32 $0x12400  }
0x68: {  	[tilespmem:s19], [sflag:$0x1] =	stream.linear.gather [hbm4b:s18+s1], $0x200, $0x38;
	[tilespmem:$0x1A080] =	vst v63  }
0x69: {  	s20 =	simm.s32 $0x12600  }
0x6a: {  	[tilespmem:s20], [sflag:$0x1] =	stream.linear.gather [hbm4b:s28+s1], $0x200, $0x38;
	[tilespmem:$0x1A080] =	vst v63  }
0x6b: {  	s21 =	simm.s32 $0x12800  }
0x6c: {  	[tilespmem:s21], [sflag:$0x1] =	stream.linear.gather [hbm4b:s29+s1], $0x200, $0x38;
	[tilespmem:$0x1A080] =	vst v63  }
0x6d: {  	s22 =	simm.s32 $0x12A00  }
0x6e: {  	[tilespmem:s22], [sflag:$0x1] =	stream.linear.gather [hbm4b:s30+s1], $0x200, $0x38;
	[tilespmem:$0x1A080] =	vst v63  }
0x6f: {  	s23 =	simm.s32 $0x12C00  }
0x70: {  	[tilespmem:s23], [sflag:$0x1] =	stream.linear.gather [hbm4b:s31+s1], $0x200, $0x38;
	[tilespmem:$0x1A080] =	vst v63  }
0x71: {  	s24 =	simm.s32 $0x12E00  }
0x72: {  	[tilespmem:s24], [sflag:$0x1] =	stream.linear.gather [hbm4b:s0+s1], $0x200, $0x38;
	[tilespmem:$0x1A080] =	vst v63  }
0x73: {  	s25 =	simm.s32 $0x13000  }
0x74: {  	[tilespmem:s25], [sflag:$0x1] =	stream.linear.gather [hbm4b:s2+s1], $0x200, $0x38;
	[tilespmem:$0x1A080] =	vst v63  }
0x75: {  	s26 =	simm.s32 $0x13200  }
0x76: {  	[tilespmem:s26], [sflag:$0x1] =	stream.linear.gather [hbm4b:s4+s1], $0x200, $0x38;
	[tilespmem:$0x1A080] =	vst v63  }
0x77: {  	s15 =	simm.s32 $0x13400  }
0x78: {  	[tilespmem:s15], [sflag:$0x1] =	stream.linear.gather [hbm4b:s5+s1], $0x200, $0x38;
	[tilespmem:$0x1A080] =	vst v63  }
0x79: {  	s16 =	simm.s32 $0x13600  }
0x7a: {  	[tilespmem:s16], [sflag:$0x1] =	stream.linear.gather [hbm4b:s6+s1], $0x200, $0x38;
	[tilespmem:$0x1A080] =	vst v63  }
0x7b: {  	s17 =	simm.s32 $0x13800  }
0x7c: {  	[tilespmem:s17], [sflag:$0x1] =	stream.linear.gather [hbm4b:s7+s1], $0x200, $0x38;
	[tilespmem:$0x1A080] =	vst v63  }
0x7d: {  	s18 =	simm.s32 $0x13A00  }
0x7e: {  	[tilespmem:s18], [sflag:$0x1] =	stream.linear.gather [hbm4b:s8+s1], $0x200, $0x38;
	[tilespmem:$0x1A080] =	vst v63  }
0x7f: {  	s19 =	simm.s32 $0x13C00  }
0x80: {  	[tilespmem:s19], [sflag:$0x1] =	stream.linear.gather [hbm4b:s9+s1], $0x200, $0x38;
	[tilespmem:$0x1A080] =	vst v63  }
0x81: {  	s20 =	simm.s32 $0x13E00;
	s21 =	rddreg [dreg:$0x5]  }
0x82: {  	[tilespmem:s20], [sflag:$0x1] =	stream.linear.gather [hbm4b:s10+s1], $0x200, $0x38;
	[tilespmem:$0x1A080] =	vst v63  }
0x83: {  	s22 =	simm.s32 $0x14000;
	s23 =	rddreg [dreg:$0x6]  }
0x84: {  	[tilespmem:s22], [sflag:$0x1] =	stream.linear.gather [hbm4b:s21+s1], $0x200, $0x38;
	[tilespmem:$0x1A080] =	vst v63  }
0x85: {  	s24 =	simm.s32 $0x14200;
	s25 =	rddreg [dreg:$0x7]  }
0x86: {  	[tilespmem:s24], [sflag:$0x1] =	stream.linear.gather [hbm4b:s23+s1], $0x200, $0x38;
	[tilespmem:$0x1A080] =	vst v63  }
0x87: {  	s26 =	simm.s32 $0x14400;
	s15 =	rddreg [dreg:$0x8]  }
0x88: {  	[tilespmem:s26], [sflag:$0x1] =	stream.linear.gather [hbm4b:s25+s1], $0x200, $0x38;
	[tilespmem:$0x1A080] =	vst v63  }
0x89: {  	s16 =	simm.s32 $0x14600;
	s17 =	rddreg [dreg:$0x9]  }
0x8a: {  	[tilespmem:s16], [sflag:$0x1] =	stream.linear.gather [hbm4b:s15+s1], $0x200, $0x38;
	[tilespmem:$0x1A080] =	vst v63  }
0x8b: {  	s18 =	simm.s32 $0x14800;
	s19 =	rddreg [dreg:$0xa]  }
0x8c: {  	[tilespmem:s18], [sflag:$0x1] =	stream.linear.gather [hbm4b:s17+s1], $0x200, $0x38;
	[tilespmem:$0x1A080] =	vst v63  }
0x8d: {  	s20 =	simm.s32 $0x14A00;
	s21 =	rddreg [dreg:$0xb]  }
0x8e: {  	[tilespmem:s20], [sflag:$0x1] =	stream.linear.gather [hbm4b:s19+s1], $0x200, $0x38;
	[tilespmem:$0x1A080] =	vst v63  }
0x8f: {  	s22 =	simm.s32 $0x14C00;
	s23 =	rddreg [dreg:$0xc]  }
0x90: {  	[tilespmem:s22], [sflag:$0x1] =	stream.linear.gather [hbm4b:s21+s1], $0x200, $0x38;
	[tilespmem:$0x1A080] =	vst v63  }
0x91: {  	s24 =	simm.s32 $0x14E00;
	s25 =	rddreg [dreg:$0xd]  }
0x92: {  	[tilespmem:s24], [sflag:$0x1] =	stream.linear.gather [hbm4b:s23+s1], $0x200, $0x38;
	[tilespmem:$0x1A080] =	vst v63  }
0x93: {  	s26 =	simm.s32 $0x15000;
	s15 =	rddreg [dreg:$0xe]  }
0x94: {  	[tilespmem:s26], [sflag:$0x1] =	stream.linear.gather [hbm4b:s25+s1], $0x200, $0x38;
	[tilespmem:$0x1A080] =	vst v63  }
0x95: {  	s16 =	simm.s32 $0x15200;
	s17 =	rddreg [dreg:$0xf]  }
0x96: {  	[tilespmem:s16], [sflag:$0x1] =	stream.linear.gather [hbm4b:s15+s1], $0x200, $0x38;
	[tilespmem:$0x1A080] =	vst v63  }
0x97: {  	s18 =	simm.s32 $0x15400;
	s19 =	rddreg [dreg:$0x10]  }
0x98: {  	[tilespmem:s18], [sflag:$0x1] =	stream.linear.gather [hbm4b:s17+s1], $0x200, $0x38;
	[tilespmem:$0x1A080] =	vst v63  }
0x99: {  	s20 =	simm.s32 $0x15600;
	s21 =	rddreg [dreg:$0x11]  }
0x9a: {  	[tilespmem:s20], [sflag:$0x1] =	stream.linear.gather [hbm4b:s19+s1], $0x200, $0x38;
	[tilespmem:$0x1A080] =	vst v63  }
0x9b: {  	s22 =	simm.s32 $0x15800;
	s23 =	rddreg [dreg:$0x12]  }
0x9c: {  	[tilespmem:s22], [sflag:$0x1] =	stream.linear.gather [hbm4b:s21+s1], $0x200, $0x38;
	[tilespmem:$0x1A080] =	vst v63  }
0x9d: {  	s24 =	simm.s32 $0x15A00;
	s25 =	rddreg [dreg:$0x13]  }
0x9e: {  	[tilespmem:s24], [sflag:$0x1] =	stream.linear.gather [hbm4b:s23+s1], $0x200, $0x38;
	[tilespmem:$0x1A080] =	vst v63  }
0x9f: {  	s26 =	simm.s32 $0x15C00;
	s15 =	rddreg [dreg:$0x14]  }
0xa0: {  	[tilespmem:s26], [sflag:$0x1] =	stream.linear.gather [hbm4b:s25+s1], $0x200, $0x38;
	[tilespmem:$0x1A080] =	vst v63  }
0xa1: {  	s16 =	simm.s32 $0x15E00;
	s17 =	rddreg [dreg:$0x15]  }
0xa2: {  	[tilespmem:s16], [sflag:$0x1] =	stream.linear.gather [hbm4b:s15+s1], $0x200, $0x38;
	[tilespmem:$0x1A080] =	vst v63  }
0xa3: {  	s18 =	simm.s32 $0x16000;
	s19 =	rddreg [dreg:$0x16]  }
0xa4: {  	[tilespmem:s18], [sflag:$0x1] =	stream.linear.gather [hbm4b:s17+s1], $0x200, $0x38;
	[tilespmem:$0x1A080] =	vst v63  }
0xa5: {  	s20 =	simm.s32 $0x16200;
	s21 =	rddreg [dreg:$0x17]  }
0xa6: {  	[tilespmem:s20], [sflag:$0x1] =	stream.linear.gather [hbm4b:s19+s1], $0x200, $0x38;
	[tilespmem:$0x1A080] =	vst v63  }
0xa7: {  	s22 =	simm.s32 $0x16400;
	s23 =	rddreg [dreg:$0x18]  }
0xa8: {  	[tilespmem:s22], [sflag:$0x1] =	stream.linear.gather [hbm4b:s21+s1], $0x200, $0x38;
	[tilespmem:$0x1A080] =	vst v63  }
0xa9: {  	s24 =	simm.s32 $0x16600;
	s25 =	rddreg [dreg:$0x19]  }
0xaa: {  	[tilespmem:s24], [sflag:$0x1] =	stream.linear.gather [hbm4b:s23+s1], $0x200, $0x38;
	[tilespmem:$0x1A080] =	vst v63  }
0xab: {  	s26 =	simm.s32 $0x16800;
	s15 =	rddreg [dreg:$0x1a]  }
0xac: {  	[tilespmem:s26], [sflag:$0x1] =	stream.linear.gather [hbm4b:s25+s1], $0x200, $0x38;
	[tilespmem:$0x1A080] =	vst v63  }
0xad: {  	s16 =	simm.s32 $0x16A00;
	s17 =	rddreg [dreg:$0x1b]  }
0xae: {  	[tilespmem:s16], [sflag:$0x1] =	stream.linear.gather [hbm4b:s15+s1], $0x200, $0x38;
	[tilespmem:$0x1A080] =	vst v63  }
0xaf: {  	s18 =	simm.s32 $0x16C00;
	s19 =	rddreg [dreg:$0x1c]  }
0xb0: {  	[tilespmem:s18], [sflag:$0x1] =	stream.linear.gather [hbm4b:s17+s1], $0x200, $0x38;
	[tilespmem:$0x1A080] =	vst v63  }
0xb1: {  	s20 =	simm.s32 $0x16E00;
	s21 =	rddreg [dreg:$0x1d]  }
0xb2: {  	[tilespmem:s20], [sflag:$0x1] =	stream.linear.gather [hbm4b:s19+s1], $0x200, $0x38;
	[tilespmem:$0x1A080] =	vst v63  }
0xb3: {  	s22 =	simm.s32 $0x17000;
	s23 =	rddreg [dreg:$0x1e]  }
0xb4: {  	[tilespmem:s22], [sflag:$0x1] =	stream.linear.gather [hbm4b:s21+s1], $0x200, $0x38;
	[tilespmem:$0x1A080] =	vst v63  }
0xb5: {  	s24 =	simm.s32 $0x17200;
	s25 =	rddreg [dreg:$0x1f]  }
0xb6: {  	[tilespmem:s24], [sflag:$0x1] =	stream.linear.gather [hbm4b:s23+s1], $0x200, $0x38;
	[tilespmem:$0x1A080] =	vst v63  }
0xb7: {  	s26 =	simm.s32 $0x17400;
	s15 =	sld [smem:$0x7E5]  }
0xb8: {  	[tilespmem:s26], [sflag:$0x1] =	stream.linear.gather [hbm4b:s25+s1], $0x200, $0x38;
	[tilespmem:$0x1A080] =	vst v63  }
0xb9: {  	s16 =	simm.s32 $0x17600;
	s17 =	sld [smem:$0x7E6]  }
0xba: {  	[tilespmem:s16], [sflag:$0x1] =	stream.linear.gather [hbm4b:s15+s1], $0x200, $0x38;
	[tilespmem:$0x1A080] =	vst v63  }
0xbb: {  	s18 =	simm.s32 $0x17800;
	s19 =	sld [smem:$0x7E7]  }
0xbc: {  	[tilespmem:s18], [sflag:$0x1] =	stream.linear.gather [hbm4b:s17+s1], $0x200, $0x38;
	[tilespmem:$0x1A080] =	vst v63  }
0xbd: {  	s20 =	simm.s32 $0x17A00;
	s21 =	sld [smem:$0x7E8]  }
0xbe: {  	[tilespmem:s20], [sflag:$0x1] =	stream.linear.gather [hbm4b:s19+s1], $0x200, $0x38;
	[tilespmem:$0x1A080] =	vst v63  }
0xbf: {  	s22 =	simm.s32 $0x17C00;
	s23 =	sld [smem:$0x7E9]  }
0xc0: {  	[tilespmem:s22], [sflag:$0x1] =	stream.linear.gather [hbm4b:s21+s1], $0x200, $0x38;
	[tilespmem:$0x1A080] =	vst v63  }
0xc1: {  	s24 =	simm.s32 $0x17E00  }
0xc2: {  	[tilespmem:s24], [sflag:$0x1] =	stream.linear.gather [hbm4b:s23+s1], $0x200, $0x38;
	[tilespmem:$0x1A080] =	vst v63  }
0xc3: {  	s25 =	rddreg [dreg:$0x2];
	s26 =	simm.s32 $0x18000  }
0xc4: {  	[tilespmem:s26], [sflag:$0x1] =	stream.linear.gather [hbm4b:s25+s1], $0x2000, $0x38;
	[tilespmem:$0x1A080] =	vst v63  }
0xc5: {  	_ =	swait.ge [sflag:s11], $0x10000  }
0xc6: {  	[sflag:s11] =	ssyncset.done $0x0  }
0xc7: {  	s15 =	simm.s32 $0x1FF;
	s17 =	simm.s32 $0x1FF0;
	[sflag:s11] =	ssyncadd.s32 $0xFFFF0000  }
.LBB2_2:
0xc8: {  	s14 =	sshll.u32 s15, $0x7  }
0xc9: {  	s16 =	sshll.u32 s15, $0x5;
	s14 =	sshra.s32 s14, $0x2  }
0xca: {  	s18 =	sand.u32 $0x70, s17;
	s16 =	sand.u32 $0xFFFFFF80, s16;
	s14 =	sand.u32 $0xFFFFFF00, s14  }
0xcb: {  	s16 =	sor.u32 s18, s16;
	s14 =	sor.u32 s18, s14  }
0xcc: {  	s26 =	sor.u32 $0x80, s16;
	v3 =	vld [tilespmem:s14+$0x0]  }
0xcd: {  	v4 =	vld [tilespmem:s26+$0x0];
	_ =	sdelay $0x4  }
0xce: {  	vm1 =	vge.f32 v3, v4;
	v3 =	vxor.u32 s17, v1  }
0xcf: {  	v3 =	vnsel vm1, $0x7FFFFFFF, v3  }
0xd0: {  	(xrf0) =	vmax.scan.msk.u32 $0xffff, v3;
	_ =	sdelay $0x5  }
0xd1: {  	v3, _, _ =	vpop (xrf0)  }
0xd2: {  	(v2sf) =	vpush v3, $0xF;
	_ =	sdelay $0xe  }
0xd3: {  	p0 =	seq.s32 s17, $0x0;
	s14 =	spop (v2sf)  }
0xd4: {  	p1 =	sgt.s32 @!p0 s14, $0xFFFFFFFF  }
0xd5: {  	p1 =	por p0, !p1  }
.Ltmp0:
0xd6: {  	_ = 	snop;
	(pc) =	sbr.rel @!p1 .LBB2_2-.Ltmp0, $3  }
0xd7: {  	_ =	sdelay $0x1  }
0xd8: {  	s15 =	sadd.s32 $0xFFFFFFFF, s15;
	s16 =	simm.s32 $0x1FF0;
	s18 =	simm.s32 $0xFF80  }
0xd9: {  	s16 =	simm.s32 @p0 $0x1FF0;
	s18 =	simm.s32 @p0 $0xFF80;
	s17 =	sadd.s32 $0xFFFFFFF0, s17  }
.LBB2_3:
0xda: {  	s15 =	sand.u32 $0xFFFFFC00, s18  }
0xdb: {  	s17 =	sand.u32 $0x70, s16;
	s15 =	sshra.s32 s15, $0x2  }
0xdc: {  	s15 =	sor.u32 s17, s15  }
0xdd: {  	v3 =	vld [tilespmem:s15+$0x4000]  }
0xde: {  	v4 =	vld [tilespmem:s15+$0x4080];
	_ =	sdelay $0x4  }
0xdf: {  	vm1 =	vge.f32 v3, v4;
	v3 =	vxor.u32 s16, v1  }
0xe0: {  	v3 =	vnsel vm1, $0x7FFFFFFF, v3  }
0xe1: {  	(xrf0) =	vmax.scan.msk.u32 $0xffff, v3;
	_ =	sdelay $0x5  }
0xe2: {  	v3, _, _ =	vpop (xrf0)  }
0xe3: {  	(v2sf) =	vpush v3, $0xF;
	_ =	sdelay $0xe  }
0xe4: {  	p0 =	seq.s32 s18, $0x0;
	s15 =	spop (v2sf)  }
0xe5: {  	p1 =	sgt.s32 @!p0 s15, $0xFFFFFFFF  }
0xe6: {  	p1 =	por p0, !p1  }
.Ltmp1:
0xe7: {  	_ = 	snop;
	(pc) =	sbr.rel @!p1 .LBB2_3-.Ltmp1, $3  }
0xe8: {  	_ =	sdelay $0x1  }
0xe9: {  	s18 =	sadd.s32 $0xFFFFFF80, s18;
	s19 =	simm.s32 $0xFF80;
	s17 =	simm.s32 $0x1FF0  }
0xea: {  	s19 =	simm.s32 @p0 $0xFF80;
	s17 =	simm.s32 @p0 $0x1FF0;
	s16 =	sadd.s32 $0xFFFFFFF0, s16  }
.LBB2_4:
0xeb: {  	s16 =	sand.u32 $0xFFFFFC00, s19  }
0xec: {  	s18 =	sand.u32 $0x70, s17;
	s16 =	sshra.s32 s16, $0x2  }
0xed: {  	s16 =	sor.u32 s18, s16  }
0xee: {  	v3 =	vld [tilespmem:s16+$0x8000]  }
0xef: {  	v4 =	vld [tilespmem:s16+$0x8080];
	_ =	sdelay $0x4  }
0xf0: {  	vm1 =	vge.f32 v3, v4;
	v3 =	vxor.u32 s17, v1  }
0xf1: {  	v3 =	vnsel vm1, $0x7FFFFFFF, v3  }
0xf2: {  	(xrf0) =	vmax.scan.msk.u32 $0xffff, v3;
	_ =	sdelay $0x5  }
0xf3: {  	v3, _, _ =	vpop (xrf0)  }
0xf4: {  	(v2sf) =	vpush v3, $0xF;
	_ =	sdelay $0xe  }
0xf5: {  	p0 =	seq.s32 s19, $0x0;
	s16 =	spop (v2sf)  }
0xf6: {  	p1 =	sgt.s32 @!p0 s16, $0xFFFFFFFF  }
0xf7: {  	p1 =	por p0, !p1  }
.Ltmp2:
0xf8: {  	_ = 	snop;
	(pc) =	sbr.rel @!p1 .LBB2_4-.Ltmp2, $3  }
0xf9: {  	_ =	sdelay $0x1  }
0xfa: {  	s19 =	sadd.s32 $0xFFFFFF80, s19;
	s20 =	simm.s32 $0xFF80;
	s18 =	simm.s32 $0x1FF0  }
0xfb: {  	s20 =	simm.s32 @p0 $0xFF80;
	s18 =	simm.s32 @p0 $0x1FF0;
	s17 =	sadd.s32 $0xFFFFFFF0, s17  }
.LBB2_5:
0xfc: {  	s17 =	sand.u32 $0xFFFFFC00, s20  }
0xfd: {  	s19 =	sand.u32 $0x70, s18;
	s17 =	sshra.s32 s17, $0x2  }
0xfe: {  	s17 =	sor.u32 s19, s17  }
0xff: {  	v3 =	vld [tilespmem:s17+$0xC000]  }
0x100: {  	v4 =	vld [tilespmem:s17+$0xC080];
	_ =	sdelay $0x4  }
0x101: {  	vm1 =	vge.f32 v3, v4;
	v3 =	vxor.u32 s18, v1  }
0x102: {  	v3 =	vnsel vm1, $0x7FFFFFFF, v3  }
0x103: {  	(xrf0) =	vmax.scan.msk.u32 $0xffff, v3;
	_ =	sdelay $0x5  }
0x104: {  	v3, _, _ =	vpop (xrf0)  }
0x105: {  	(v2sf) =	vpush v3, $0xF;
	_ =	sdelay $0xe  }
0x106: {  	p0 =	seq.s32 s20, $0x0;
	s17 =	spop (v2sf)  }
0x107: {  	p1 =	sgt.s32 @!p0 s17, $0xFFFFFFFF  }
0x108: {  	p0 =	por p0, !p1  }
.Ltmp3:
0x109: {  	_ = 	snop;
	(pc) =	sbr.rel @!p0 .LBB2_5-.Ltmp3, $2  }
0x10a: {  	_ =	sdelay $0x2  }
0x10b: {  	s20 =	sadd.s32 $0xFFFFFF80, s20;
	s18 =	sadd.s32 $0xFFFFFFF0, s18  }
0x10c: {  	_ =	swait.ge [sflag:s11], $0x200  }
0x10d: {  	[sflag:s11] =	ssyncset.done $0x0  }
0x10e: {  	[sflag:s11] =	ssyncadd.s32 $0xFFFFFE00  }
0x10f: {  	_ =	swait.ge [sflag:s11], $0x200  }
0x110: {  	[sflag:s11] =	ssyncset.done $0x0  }
0x111: {  	[sflag:s11] =	ssyncadd.s32 $0xFFFFFE00  }
0x112: {  	_ =	swait.ge [sflag:s11], $0x200  }
0x113: {  	[sflag:s11] =	ssyncset.done $0x0  }
0x114: {  	[sflag:s11] =	ssyncadd.s32 $0xFFFFFE00  }
0x115: {  	_ =	swait.ge [sflag:s11], $0x200  }
0x116: {  	[sflag:s11] =	ssyncset.done $0x0  }
0x117: {  	[sflag:s11] =	ssyncadd.s32 $0xFFFFFE00  }
0x118: {  	_ =	swait.ge [sflag:s11], $0x200  }
0x119: {  	[sflag:s11] =	ssyncset.done $0x0  }
0x11a: {  	[sflag:s11] =	ssyncadd.s32 $0xFFFFFE00  }
0x11b: {  	_ =	swait.ge [sflag:s11], $0x200  }
0x11c: {  	[sflag:s11] =	ssyncset.done $0x0  }
0x11d: {  	[sflag:s11] =	ssyncadd.s32 $0xFFFFFE00  }
0x11e: {  	_ =	swait.ge [sflag:s11], $0x200  }
0x11f: {  	[sflag:s11] =	ssyncset.done $0x0  }
0x120: {  	[sflag:s11] =	ssyncadd.s32 $0xFFFFFE00  }
0x121: {  	_ =	swait.ge [sflag:s11], $0x200  }
0x122: {  	[sflag:s11] =	ssyncset.done $0x0  }
0x123: {  	[sflag:s11] =	ssyncadd.s32 $0xFFFFFE00  }
0x124: {  	_ =	swait.ge [sflag:s11], $0x200  }
0x125: {  	[sflag:s11] =	ssyncset.done $0x0  }
0x126: {  	[sflag:s11] =	ssyncadd.s32 $0xFFFFFE00  }
0x127: {  	_ =	swait.ge [sflag:s11], $0x200  }
0x128: {  	[sflag:s11] =	ssyncset.done $0x0  }
0x129: {  	[sflag:s11] =	ssyncadd.s32 $0xFFFFFE00  }
0x12a: {  	_ =	swait.ge [sflag:s11], $0x200  }
0x12b: {  	[sflag:s11] =	ssyncset.done $0x0  }
0x12c: {  	[sflag:s11] =	ssyncadd.s32 $0xFFFFFE00  }
0x12d: {  	_ =	swait.ge [sflag:s11], $0x200  }
0x12e: {  	[sflag:s11] =	ssyncset.done $0x0  }
0x12f: {  	[sflag:s11] =	ssyncadd.s32 $0xFFFFFE00  }
0x130: {  	_ =	swait.ge [sflag:s11], $0x200  }
0x131: {  	[sflag:s11] =	ssyncset.done $0x0  }
0x132: {  	[sflag:s11] =	ssyncadd.s32 $0xFFFFFE00  }
0x133: {  	_ =	swait.ge [sflag:s11], $0x200  }
0x134: {  	[sflag:s11] =	ssyncset.done $0x0  }
0x135: {  	[sflag:s11] =	ssyncadd.s32 $0xFFFFFE00  }
0x136: {  	_ =	swait.ge [sflag:s11], $0x200  }
0x137: {  	[sflag:s11] =	ssyncset.done $0x0  }
0x138: {  	[sflag:s11] =	ssyncadd.s32 $0xFFFFFE00  }
0x139: {  	_ =	swait.ge [sflag:s11], $0x200  }
0x13a: {  	[sflag:s11] =	ssyncset.done $0x0  }
0x13b: {  	[sflag:s11] =	ssyncadd.s32 $0xFFFFFE00  }
0x13c: {  	_ =	swait.ge [sflag:s11], $0x200  }
0x13d: {  	[sflag:s11] =	ssyncset.done $0x0  }
0x13e: {  	[sflag:s11] =	ssyncadd.s32 $0xFFFFFE00  }
0x13f: {  	_ =	swait.ge [sflag:s11], $0x200  }
0x140: {  	[sflag:s11] =	ssyncset.done $0x0  }
0x141: {  	[sflag:s11] =	ssyncadd.s32 $0xFFFFFE00  }
0x142: {  	_ =	swait.ge [sflag:s11], $0x200  }
0x143: {  	[sflag:s11] =	ssyncset.done $0x0  }
0x144: {  	[sflag:s11] =	ssyncadd.s32 $0xFFFFFE00  }
0x145: {  	_ =	swait.ge [sflag:s11], $0x200  }
0x146: {  	[sflag:s11] =	ssyncset.done $0x0  }
0x147: {  	[sflag:s11] =	ssyncadd.s32 $0xFFFFFE00  }
0x148: {  	_ =	swait.ge [sflag:s11], $0x200  }
0x149: {  	[sflag:s11] =	ssyncset.done $0x0  }
0x14a: {  	[sflag:s11] =	ssyncadd.s32 $0xFFFFFE00  }
0x14b: {  	_ =	swait.ge [sflag:s11], $0x200  }
0x14c: {  	[sflag:s11] =	ssyncset.done $0x0  }
0x14d: {  	[sflag:s11] =	ssyncadd.s32 $0xFFFFFE00  }
0x14e: {  	_ =	swait.ge [sflag:s11], $0x200  }
0x14f: {  	[sflag:s11] =	ssyncset.done $0x0  }
0x150: {  	[sflag:s11] =	ssyncadd.s32 $0xFFFFFE00  }
0x151: {  	_ =	swait.ge [sflag:s11], $0x200  }
0x152: {  	[sflag:s11] =	ssyncset.done $0x0  }
0x153: {  	[sflag:s11] =	ssyncadd.s32 $0xFFFFFE00  }
0x154: {  	_ =	swait.ge [sflag:s11], $0x200  }
0x155: {  	[sflag:s11] =	ssyncset.done $0x0  }
0x156: {  	[sflag:s11] =	ssyncadd.s32 $0xFFFFFE00  }
0x157: {  	_ =	swait.ge [sflag:s11], $0x200  }
0x158: {  	[sflag:s11] =	ssyncset.done $0x0  }
0x159: {  	[sflag:s11] =	ssyncadd.s32 $0xFFFFFE00  }
0x15a: {  	_ =	swait.ge [sflag:s11], $0x200  }
0x15b: {  	[sflag:s11] =	ssyncset.done $0x0  }
0x15c: {  	[sflag:s11] =	ssyncadd.s32 $0xFFFFFE00  }
0x15d: {  	_ =	swait.ge [sflag:s11], $0x200  }
0x15e: {  	[sflag:s11] =	ssyncset.done $0x0  }
0x15f: {  	[sflag:s11] =	ssyncadd.s32 $0xFFFFFE00  }
0x160: {  	_ =	swait.ge [sflag:s11], $0x200  }
0x161: {  	[sflag:s11] =	ssyncset.done $0x0  }
0x162: {  	[sflag:s11] =	ssyncadd.s32 $0xFFFFFE00  }
0x163: {  	_ =	swait.ge [sflag:s11], $0x200  }
0x164: {  	[sflag:s11] =	ssyncset.done $0x0  }
0x165: {  	[sflag:s11] =	ssyncadd.s32 $0xFFFFFE00  }
0x166: {  	_ =	swait.ge [sflag:s11], $0x200  }
0x167: {  	[sflag:s11] =	ssyncset.done $0x0  }
0x168: {  	[sflag:s11] =	ssyncadd.s32 $0xFFFFFE00  }
0x169: {  	_ =	swait.ge [sflag:s11], $0x200  }
0x16a: {  	[sflag:s11] =	ssyncset.done $0x0  }
0x16b: {  	[sflag:s11] =	ssyncadd.s32 $0xFFFFFE00  }
0x16c: {  	_ =	swait.ge [sflag:s11], $0x200  }
0x16d: {  	[sflag:s11] =	ssyncset.done $0x0  }
0x16e: {  	[sflag:s11] =	ssyncadd.s32 $0xFFFFFE00  }
0x16f: {  	_ =	swait.ge [sflag:s11], $0x200  }
0x170: {  	[sflag:s11] =	ssyncset.done $0x0  }
0x171: {  	[sflag:s11] =	ssyncadd.s32 $0xFFFFFE00  }
0x172: {  	_ =	swait.ge [sflag:s11], $0x200  }
0x173: {  	[sflag:s11] =	ssyncset.done $0x0  }
0x174: {  	[sflag:s11] =	ssyncadd.s32 $0xFFFFFE00  }
0x175: {  	_ =	swait.ge [sflag:s11], $0x200  }
0x176: {  	[sflag:s11] =	ssyncset.done $0x0  }
0x177: {  	[sflag:s11] =	ssyncadd.s32 $0xFFFFFE00  }
0x178: {  	_ =	swait.ge [sflag:s11], $0x200  }
0x179: {  	[sflag:s11] =	ssyncset.done $0x0  }
0x17a: {  	[sflag:s11] =	ssyncadd.s32 $0xFFFFFE00  }
0x17b: {  	_ =	swait.ge [sflag:s11], $0x200  }
0x17c: {  	[sflag:s11] =	ssyncset.done $0x0  }
0x17d: {  	[sflag:s11] =	ssyncadd.s32 $0xFFFFFE00  }
0x17e: {  	_ =	swait.ge [sflag:s11], $0x200  }
0x17f: {  	[sflag:s11] =	ssyncset.done $0x0  }
0x180: {  	[sflag:s11] =	ssyncadd.s32 $0xFFFFFE00  }
0x181: {  	_ =	swait.ge [sflag:s11], $0x200  }
0x182: {  	[sflag:s11] =	ssyncset.done $0x0  }
0x183: {  	[sflag:s11] =	ssyncadd.s32 $0xFFFFFE00  }
0x184: {  	_ =	swait.ge [sflag:s11], $0x200  }
0x185: {  	[sflag:s11] =	ssyncset.done $0x0  }
0x186: {  	[sflag:s11] =	ssyncadd.s32 $0xFFFFFE00  }
0x187: {  	_ =	swait.ge [sflag:s11], $0x200  }
0x188: {  	[sflag:s11] =	ssyncset.done $0x0  }
0x189: {  	[sflag:s11] =	ssyncadd.s32 $0xFFFFFE00  }
0x18a: {  	_ =	swait.ge [sflag:s11], $0x200  }
0x18b: {  	[sflag:s11] =	ssyncset.done $0x0  }
0x18c: {  	[sflag:s11] =	ssyncadd.s32 $0xFFFFFE00  }
0x18d: {  	_ =	swait.ge [sflag:s11], $0x200  }
0x18e: {  	[sflag:s11] =	ssyncset.done $0x0  }
0x18f: {  	[sflag:s11] =	ssyncadd.s32 $0xFFFFFE00  }
0x190: {  	_ =	swait.ge [sflag:s11], $0x200  }
0x191: {  	[sflag:s11] =	ssyncset.done $0x0  }
0x192: {  	[sflag:s11] =	ssyncadd.s32 $0xFFFFFE00  }
0x193: {  	_ =	swait.ge [sflag:s11], $0x200  }
0x194: {  	[sflag:s11] =	ssyncset.done $0x0  }
0x195: {  	[sflag:s11] =	ssyncadd.s32 $0xFFFFFE00  }
0x196: {  	_ =	swait.ge [sflag:s11], $0x200  }
0x197: {  	[sflag:s11] =	ssyncset.done $0x0  }
0x198: {  	[sflag:s11] =	ssyncadd.s32 $0xFFFFFE00  }
0x199: {  	_ =	swait.ge [sflag:s11], $0x200  }
0x19a: {  	[sflag:s11] =	ssyncset.done $0x0  }
0x19b: {  	[sflag:s11] =	ssyncadd.s32 $0xFFFFFE00  }
0x19c: {  	_ =	swait.ge [sflag:s11], $0x200  }
0x19d: {  	[sflag:s11] =	ssyncset.done $0x0  }
0x19e: {  	[sflag:s11] =	ssyncadd.s32 $0xFFFFFE00  }
0x19f: {  	_ =	swait.ge [sflag:s11], $0x200  }
0x1a0: {  	[sflag:s11] =	ssyncset.done $0x0  }
0x1a1: {  	[sflag:s11] =	ssyncadd.s32 $0xFFFFFE00  }
0x1a2: {  	_ =	swait.ge [sflag:s11], $0x200  }
0x1a3: {  	[sflag:s11] =	ssyncset.done $0x0  }
0x1a4: {  	[sflag:s11] =	ssyncadd.s32 $0xFFFFFE00  }
0x1a5: {  	_ =	swait.ge [sflag:s11], $0x200  }
0x1a6: {  	[sflag:s11] =	ssyncset.done $0x0  }
0x1a7: {  	[sflag:s11] =	ssyncadd.s32 $0xFFFFFE00  }
0x1a8: {  	_ =	swait.ge [sflag:s11], $0x200  }
0x1a9: {  	[sflag:s11] =	ssyncset.done $0x0  }
0x1aa: {  	[sflag:s11] =	ssyncadd.s32 $0xFFFFFE00  }
0x1ab: {  	_ =	swait.ge [sflag:s11], $0x200  }
0x1ac: {  	[sflag:s11] =	ssyncset.done $0x0  }
0x1ad: {  	[sflag:s11] =	ssyncadd.s32 $0xFFFFFE00  }
0x1ae: {  	_ =	swait.ge [sflag:s11], $0x200  }
0x1af: {  	[sflag:s11] =	ssyncset.done $0x0  }
0x1b0: {  	[sflag:s11] =	ssyncadd.s32 $0xFFFFFE00  }
0x1b1: {  	_ =	swait.ge [sflag:s11], $0x200  }
0x1b2: {  	[sflag:s11] =	ssyncset.done $0x0  }
0x1b3: {  	[sflag:s11] =	ssyncadd.s32 $0xFFFFFE00  }
0x1b4: {  	_ =	swait.ge [sflag:s11], $0x200  }
0x1b5: {  	[sflag:s11] =	ssyncset.done $0x0  }
0x1b6: {  	[sflag:s11] =	ssyncadd.s32 $0xFFFFFE00  }
0x1b7: {  	_ =	swait.ge [sflag:s11], $0x200  }
0x1b8: {  	[sflag:s11] =	ssyncset.done $0x0  }
0x1b9: {  	[sflag:s11] =	ssyncadd.s32 $0xFFFFFE00  }
0x1ba: {  	_ =	swait.ge [sflag:s11], $0x200  }
0x1bb: {  	[sflag:s11] =	ssyncset.done $0x0  }
0x1bc: {  	[sflag:s11] =	ssyncadd.s32 $0xFFFFFE00  }
0x1bd: {  	_ =	swait.ge [sflag:s11], $0x200  }
0x1be: {  	[sflag:s11] =	ssyncset.done $0x0  }
0x1bf: {  	[sflag:s11] =	ssyncadd.s32 $0xFFFFFE00  }
0x1c0: {  	_ =	swait.ge [sflag:s11], $0x200  }
0x1c1: {  	[sflag:s11] =	ssyncset.done $0x0  }
0x1c2: {  	[sflag:s11] =	ssyncadd.s32 $0xFFFFFE00  }
0x1c3: {  	_ =	swait.ge [sflag:s11], $0x200  }
0x1c4: {  	[sflag:s11] =	ssyncset.done $0x0  }
0x1c5: {  	[sflag:s11] =	ssyncadd.s32 $0xFFFFFE00  }
0x1c6: {  	_ =	swait.ge [sflag:s11], $0x200  }
0x1c7: {  	[sflag:s11] =	ssyncset.done $0x0  }
0x1c8: {  	[sflag:s11] =	ssyncadd.s32 $0xFFFFFE00  }
0x1c9: {  	_ =	swait.ge [sflag:s11], $0x200  }
0x1ca: {  	[sflag:s11] =	ssyncset.done $0x0  }
0x1cb: {  	s19 =	simm.s32 $0x10;
	[sflag:s11] =	ssyncadd.s32 $0xFFFFFE00  }
0x1cc: {  	s18 =	simm.s32 $0x0;
	s22 =	simm.s32 $0x0;
	_ =	swait.ge [sflag:s11], $0x2000  }
0x1cd: {  	s23 =	sand.u32 $0x70, s19;
	s24 =	sand.u32 $0x3FFFFF00, s18;
	[sflag:s11] =	ssyncset.done $0x0  }
0x1ce: {  	s18 =	sand.u32 $0x60, s22;
	s20 =	sor.u32 s23, s24;
	[sflag:s11] =	ssyncadd.s32 $0xFFFFE000  }
0x1cf: {  	s25 =	simm.s32 $0x0;
	s26 =	sor.u32 s18, s24;
	s21 =	sadd.s32 $0x4080, s24;
	v3 =	vld [tilespmem:s20+$0x80]  }
0x1d0: {  	s25 =	sand.u32 $0x3FFFFE00, s25;
	v7 =	vld [tilespmem:s26+$0x80];
	s20 =	sadd.s32 $0x8080, s24;
	s26 =	sor.u32 s23, s21  }
0x1d1: {  	s25 =	sadd.s32 $0x10000, s25;
	v4 =	vld [tilespmem:s26+$0x0];
	s26 =	sor.u32 s23, s20  }
0x1d2: {  	v5 =	vld [tilespmem:s26+$0x0];
	s26 =	sor.u32 s23, s25  }
0x1d3: {  	v15 =	vld [tilespmem:s26+$0x0]  }
0x1d4: {  	p0 =	sgt.s32 s17, $0xFFFFFFFF;
	p1 =	sgt.s32 s15, $0xFFFFFFFF;
	v18 =	vld [tilespmem:s26+$0x80]  }
0x1d5: {  	p2 =	sgt.s32 s14, $0xFFFFFFFF;
	s14 =	sxor.u32 $0x80000000, s14;
	s15 =	sxor.u32 $0x80000000, s15;
	v16 =	vld [tilespmem:s26+$0x100]  }
0x1d6: {  	p3 =	sgt.s32 s16, $0xFFFFFFFF;
	s15 =	simm.s32 @p1 $0x2000;
	s25 =	sor.u32 s18, s25;
	v17 =	vld [tilespmem:s26+$0x180]  }
0x1d7: {  	s16 =	sxor.u32 $0x80000000, s16;
	v8 =	vimm.f32 $0.0e+00;
	s14 =	simm.s32 @p2 $0x2000;
	v12 =	vmov s15;
	s15 =	simm.s32 $0x0;
	v23 =	vld [tilespmem:s25+$0x0]  }
0x1d8: {  	s17 =	sxor.u32 $0x80000000, s17;
	v14 =	vimm.f32 $0.0e+00;
	v11 =	vimm.f32 $0.0e+00;
	s16 =	simm.s32 @p3 $0x2000;
	v10 =	vmov s14;
	s14 =	sand.u32 $0xFFFFFF80, s15;
	v20 =	vld [tilespmem:s25+$0x80]  }
0x1d9: {  	s17 =	simm.s32 @p0 $0x2000;
	v9 =	vor.u32 s19, v0;
	v25 =	vor.u32 s22, v0;
	v13 =	vmov s16;
	s14 =	sadd.s32 $0x18000, s14;
	v22 =	vld [tilespmem:s25+$0x100]  }
0x1da: {  	v6 =	vmov s17;
	vm4 =	vlt.s32 v9, v10;
	vm3 =	vlt.s32 v9, v12;
	v21 =	vld [tilespmem:s25+$0x180];
	s25 =	sor.u32 s23, s14  }
0x1db: {  	s22 =	sadd.s32 $0xC080, s24;
	vm2 =	vlt.s32 v9, v13;
	vm1 =	vlt.s32 v9, v6;
	vm7 =	vlt.s32 v25, v10;
	s26 =	sor.u32 s18, s14;
	v24 =	vld [tilespmem:s25+$0x0]  }
0x1dc: {  	vm6 =	vlt.s32 v25, v12;
	vm5 =	vlt.s32 v25, v13;
	s15 =	sor.u32 s23, s22;
	v9 =	vimm.f32 $0.0e+00;
	s14 =	simm.s32 $0x0;
	v19 =	vld [tilespmem:s26+$0x0]  }
.LBB2_7:
0x1dd: {  	s14 =	sadd.s32 $0x2, s14;
	s16 =	sor.u32 s18, s21  }
0x1de: {  	vm8 =	vlt.s32 v25, v6;
	vm10 =	veq.s32 v15, $0x1;
	vm11 =	veq.s32 v18, $0x1;
	v15 =	vld [tilespmem:s15+$0x0];
	s19 =	sadd.s32 $0x20, s19;
	s20 =	sor.u32 s18, s20;
	s17 =	sshll.u32 s14, $0x5  }
0x1df: {  	vm12 =	veq.s32 v23, $0x1;
	vm13 =	veq.s32 v16, $0x1;
	vm14 =	veq.s32 v17, $0x1;
	s15 =	sand.u32 $0x70, s19;
	v18 =	vld [tilespmem:s16+$0x0];
	s16 =	sadd.s32 $0xFFFFFFF0, s19;
	p0 =	slt.u32 s14, $0x1FE  }
0x1e0: {  	vm15 =	veq.s32 v20, $0x1;
	vm0 =	veq.s32 v22, $0x1;
	s23 =	sshll.u32 s14, $0x6;
	s17 =	sand.u32 $0x3FFFFF00, s17;
	v16 =	vld [tilespmem:s20+$0x0];
	s20 =	sor.u32 s18, s22;
	vm9 =	veq.s32 v21, $0x1  }
0x1e1: {  	s18 =	sand.u32 $0x60, s16;
	s22 =	sor.u32 s15, s17;
	v17 =	vld [tilespmem:s20+$0x0];
	v20 =	vnsel vm10, $0x3D851EB8, v24;
	v21 =	vnsel vm11, $0x3D851EB8, v24;
	v22 =	vnsel vm13, $0x3D851EB8, v24;
	s21 =	sadd.s32 $0x4080, s17  }
0x1e2: {  	s20 =	sor.u32 s18, s17;
	v24 =	vnsel vm14, $0x3D851EB8, v24;
	v23 =	vnsel vm12, $0x3D851EB8, v19;
	v20 =	vmul.f32 v20, v3;
	v3 =	vld [tilespmem:s22+$0x80];
	s22 =	sand.u32 $0x3FFFFE00, s23  }
0x1e3: {  	s24 =	sor.u32 s15, s21;
	v26 =	vnsel vm15, $0x3D851EB8, v19;
	v21 =	vmul.f32 v21, v4;
	v22 =	vmul.f32 v22, v5;
	v25 =	vld [tilespmem:s20+$0x80];
	s20 =	sadd.s32 $0x8080, s17  }
0x1e4: {  	s22 =	sadd.s32 $0x10000, s22;
	v7 =	vmul.f32 v23, v7;
	v23 =	vnsel vm0, $0x3D851EB8, v19;
	v24 =	vmul.f32 v24, v15;
	v4 =	vld [tilespmem:s24+$0x0];
	s24 =	sor.u32 s15, s20  }
0x1e5: {  	s25 =	sor.u32 s15, s22;
	v26 =	vmul.f32 v26, v18;
	v18 =	vnsel vm9, $0x3D851EB8, v19;
	v5 =	vld [tilespmem:s24+$0x0];
	v16 =	vmul.f32 v23, v16  }
0x1e6: {  	v19 =	vnsel vm4, $0x0, v20;
	v20 =	vnsel vm3, $0x0, v21;
	v15 =	vld [tilespmem:s25+$0x0];
	v17 =	vmul.f32 v18, v17  }
0x1e7: {  	v27 =	vnsel vm7, $0x0, v7;
	v21 =	vnsel vm6, $0x0, v26;
	v18 =	vld [tilespmem:s25+$0x80];
	v23 =	vnsel vm5, $0x0, v16  }
0x1e8: {  	v8 =	vadd.f32 v27, v8;
	v14 =	vadd.f32 v21, v14;
	v16 =	vld [tilespmem:s25+$0x100];
	v21 =	vnsel vm8, $0x0, v17;
	v7 =	vmovc v25  }
0x1e9: {  	s22 =	sor.u32 s18, s22;
	v11 =	vadd.f32 v23, v11;
	v17 =	vld [tilespmem:s25+$0x180];
	v9 =	vadd.f32 v21, v9;
	v21 =	vnsel vm2, $0x0, v22  }
0x1ea: {  	s23 =	sshra.s32 s23, $0x2;
	v8 =	vadd.f32 v19, v8;
	v19 =	vnsel vm1, $0x0, v24;
	v14 =	vadd.f32 v20, v14;
	v23 =	vld [tilespmem:s22+$0x0]  }
.Ltmp4:
0x1eb: {  	s23 =	sand.u32 $0xFFFFFF80, s23;
	v11 =	vadd.f32 v21, v11;
	v20 =	vld [tilespmem:s22+$0x80];
	v9 =	vadd.f32 v19, v9;
	(pc) =	sbr.rel @p0 .LBB2_7-.Ltmp4, $4  }
0x1ec: {  	s23 =	sadd.s32 $0x18000, s23;
	v19 =	vor.u32 s19, v0;
	v22 =	vld [tilespmem:s22+$0x100]  }
0x1ed: {  	s24 =	sor.u32 s15, s23;
	vm4 =	vlt.s32 v19, v10;
	vm3 =	vlt.s32 v19, v12;
	v21 =	vld [tilespmem:s22+$0x180]  }
0x1ee: {  	s23 =	sor.u32 s18, s23;
	v25 =	vor.u32 s16, v0;
	vm2 =	vlt.s32 v19, v13;
	vm1 =	vlt.s32 v19, v6;
	s22 =	sadd.s32 $0xC080, s17;
	v24 =	vld [tilespmem:s24+$0x0]  }
0x1ef: {  	vm7 =	vlt.s32 v25, v10;
	vm6 =	vlt.s32 v25, v12;
	vm5 =	vlt.s32 v25, v13;
	s15 =	sor.u32 s15, s22;
	v19 =	vld [tilespmem:s23+$0x0]  }
0x1f0: {  	_ = 	snop  }
0x1f1: {  	s14 =	sor.u32 s18, s21;
	vm0 =	veq.s32 v15, $0x1  }
0x1f2: {  	vm8 =	veq.s32 v18, $0x1;
	vm12 =	veq.s32 v23, $0x1;
	vm13 =	veq.s32 v16, $0x1;
	v12 =	vld [tilespmem:s14+$0x0]  }
0x1f3: {  	s17 =	sor.u32 s18, s20;
	vm14 =	veq.s32 v17, $0x1;
	vm15 =	veq.s32 v20, $0x1;
	v10 =	vnsel vm0, $0x3D851EB8, v24  }
0x1f4: {  	v49 =	vld [tilespmem:s17+$0x0];
	v13 =	vnsel vm8, $0x3D851EB8, v24;
	v50 =	vnsel vm13, $0x3D851EB8, v24;
	v48 =	vnsel vm12, $0x3D851EB8, v19  }
0x1f5: {  	s19 =	sor.u32 s18, s22;
	v51 =	vnsel vm14, $0x3D851EB8, v24;
	vm13 =	veq.s32 v21, $0x1;
	v7 =	vmul.f32 v48, v7  }
0x1f6: {  	v54 =	vld [tilespmem:s19+$0x0];
	vm12 =	veq.s32 v22, $0x1;
	v52 =	vnsel vm15, $0x3D851EB8, v19;
	v3 =	vmul.f32 v10, v3  }
0x1f7: {  	v56 =	vnsel vm13, $0x3D851EB8, v19;
	v55 =	vmul.f32 v52, v12;
	v7 =	vnsel vm7, $0x0, v7  }
0x1f8: {  	v57 =	vld [tilespmem:s15+$0x0];
	v4 =	vmul.f32 v13, v4;
	v53 =	vnsel vm12, $0x3D851EB8, v19;
	v7 =	vadd.f32 v7, v8  }
0x1f9: {  	v3 =	vnsel vm4, $0x0, v3;
	v59 =	vmul.f32 v53, v49;
	v58 =	vnsel vm6, $0x0, v55  }
0x1fa: {  	v5 =	vmul.f32 v50, v5;
	v8 =	vadd.f32 v58, v14;
	v3 =	vadd.f32 v3, v7  }
0x1fb: {  	v4 =	vnsel vm3, $0x0, v4;
	v60 =	vmul.f32 v56, v54;
	v10 =	vnsel vm5, $0x0, v59  }
0x1fc: {  	vm14 =	vlt.s32 v25, v6;
	v61 =	vadd.f32 v10, v11;
	v4 =	vadd.f32 v4, v8;
	(xrf2) =	vadd.scan.msk.f32 $0xffff, v3  }
0x1fd: {  	v62 =	vmul.f32 v51, v57;
	v5 =	vnsel vm2, $0x0, v5;
	v3 =	vnsel vm14, $0x0, v60  }
0x1fe: {  	v5 =	vadd.f32 v5, v61;
	v3 =	vadd.f32 v3, v9;
	(xrf2) =	vadd.scan.msk.f32 $0xffff, v4  }
0x1ff: {  	v63 =	vnsel vm1, $0x0, v62  }
0x200: {  	(xrf2) =	vadd.scan.msk.f32 $0xffff, v5;
	v3 =	vadd.f32 v63, v3;
	_ =	sdelay $0x1  }
0x201: {  	(xrf2) =	vadd.scan.msk.f32 $0xffff, v3;
	_ =	sdelay $0x3  }
0x202: {  	v3, _, _ =	vpop (xrf2)  }
0x203: {  	(v2sf) =	vpush v3, $0xF  }
0x204: {  	v3, _, _ =	vpop (xrf2)  }
0x205: {  	(v2sf) =	vpush v3, $0xF  }
0x206: {  	v3, _, _ =	vpop (xrf2)  }
0x207: {  	(v2sf) =	vpush v3, $0xF  }
0x208: {  	v3, _, _ =	vpop (xrf2)  }
0x209: {  	(v2sf) =	vpush v3, $0xF;
	_ =	sdelay $0x8  }
0x20a: {  	s20 =	spop (v2sf)  }
0x20b: {  	s14 =	sadd.f32 $0.0e+00, s20  }
0x20c: {  	s21 =	spop (v2sf)  }
0x20d: {  	s14 =	sadd.f32 s21, s14  }
0x20e: {  	s22 =	spop (v2sf)  }
0x20f: {  	s14 =	sadd.f32 s22, s14  }
0x210: {  	[tilespmem:$0x1A010] =	vst v2;
	s23 =	spop (v2sf)  }
0x211: {  	[tilespmem:$0x1A020] =	vst v2;
	s14 =	sadd.f32 s23, s14  }
0x212: {  	[tilespmem:$0x1A030] =	vst v2  }
0x213: {  	[tilespmem:$0x1A040] =	vst v2;
	s14 =	smul.f32 $7.812500000e-03, s14  }
0x214: {  	[tilespmem:$0x1A050] =	vst v2  }
0x215: {  	s24 =	sld [smem:$0x7EA];
	[tilespmem:$0x1A060] =	vst v2;
	vm15 =	vcmask $0x300;
	v3 =	vmov s14  }
0x216: {  	[tilespmem:$0x1A070] =	vst v2;
	v3 =	vnsel vm15, $0x0, v3  }
0x217: {  	s25 =	simm.s32 $0x1A000;
	[tilespmem:$0x1A000] =	vst v3  }
0x218: {  	[hbm4b:s24+s1] =	stream.linear.scatter [tilespmem:s25], [sflag:$0x2], $0x80, $0x38;
	[tilespmem:$0x1A080] =	vst v63  }
0x219: {  	_ =	swait.ge [sflag:s12], $0x80  }
0x21a: {  	s26 =	sld [smem:$0x7EB];
	_ =	sdelay $0x1  }
0x21b: {  	s13 =	sadd.s32 $0x1, s13  }
0x21c: {  	p0 =	sne.s32 s13, s26  }
.Ltmp5:
0x21d: {  	_ = 	snop;
	(pc) =	sbr.rel @p0 .LBB2_1-.Ltmp5, $3  }
0x21e: {  	_ =	sdelay $0x1  }
0x21f: {  	[sflag:s12] =	ssyncset.done $0x0  }
0x220: {  	[sflag:s12] =	ssyncadd.s32 $0xFFFFFF80  }
0x221: {  	_ =	sfence.sel $0x180000  }
0x222: {  	[bflag:$0x0] =	sbarrier.arrive $0xFFFF  }
0x223: {  	_ =	strace $0x90000047  }
0x224: {  	s0 =	stileid.u32;
	[bflag:$0x2] =	sbarrier.arrive $0xFFFF  }
0x225: {  	p0 =	sne.s32 s0, $0x0;
	s0 =	rddreg [dreg:$0x3]  }
0x226: {  	s0 =	sadd.s32 @!p0 $0x100000, s0  }
0x227: {  	[sflag:s0] =	ssyncadd.tile.s32 @!p0 $0x1;
	_ =	shalt  }
.Lfunc_end2:
_tile_overlayer_lowered:
.L_overlay_start_2:
0x228: {  	(tag) =	ssettag $0x2  }
0x229: {  	s0 =	rddreg [dreg:$0x0];
	s2 =	stileid.u32  }
0x22a: {  	s1 =	rddreg [dreg:$0x1];
	p0 =	sne.s32 s2, $0x0  }
0x22b: {  	s3 =	rddreg [dreg:$0x2];
	[bflag:$0x3] =	sbarrier.arrive $0xFFFF;
	s2 =	simm.s32 @!p0 $0x1C02  }
0x22c: {  	[timem:s3], [sflag:s2] =	dma.local @!p0 [hbm:s0], s1  }
0x22d: {  	s0 =	simm.s32 @!p0 $0x2  }
0x22e: {  	_ =	swait.ge @!p0 [sflag:s0], s1  }
0x22f: {  	s1 =	ssub.s32 @!p0 $0x0, s1;
	[sflag:s0] =	ssyncset.done @!p0 $0x0  }
0x230: {  	[sflag:s0] =	ssyncadd.s32 @!p0 s1  }
0x231: {  	[bflag:$0x3] =	sbarrier.arrive $0xFFFF  }
0x232: {  	_ =	shalt  }

</sc_bundles>
